<compile_context>
chip_gen: v7x
topology: tpu7x:2x2x1
jax: 0.10.2.dev20260603
libtpu: 0.0.44.dev20260713+nightly
codegen_flags: <defaults>
</compile_context>

<pallas_src>
import math

import jax
import jax.numpy as jnp
from jax import lax
from jax.experimental import pallas as pl
from jax.experimental.pallas import tpu as pltpu
from jax.experimental.pallas import tpu_sc as plsc

LQ = 2048
NH = 12
CH = 64
TOPK = 32

LANES = 16
NC, NS = 2, 16
NW = NC * NS
BLK = LANES
NB = LQ // BLK
NTASK = NH * NB
TASKS_PER_W = NTASK // NW
ROWS = BLK * TOPK
IDX_CHUNKS = ROWS // 128


def _tree_sum(vals):
    vals = list(vals)
    while len(vals) > 1:
        nxt = [vals[i] + vals[i + 1] for i in range(0, len(vals) - 1, 2)]
        if len(vals) % 2:
            nxt.append(vals[-1])
        vals = nxt
    return vals[0]


def _sc_attention(q_hbm, kv_hbm, idx_hbm, out_hbm,
                  idxv, qbuf, kvbuf, sbuf, obuf, sem):
    cid = lax.axis_index("c")
    sid = lax.axis_index("s")
    wid = sid * NC + cid

    lanes = lax.iota(jnp.int32, LANES)
    rowbase = lanes * TOPK
    scale = 1.0 / math.sqrt(CH)

    def task_body(i, carry):
        task = wid * TASKS_PER_W + i
        h = task // NB
        lb = task % NB
        l0 = lb * BLK

        pltpu.sync_copy(idx_hbm.at[h, lb], idxv)
        pltpu.sync_copy(q_hbm.at[h, pl.ds(l0, BLK)], qbuf)
        copies = []
        for j in range(IDX_CHUNKS):
            copies.append(pltpu.async_copy(
                kv_hbm.at[idxv.at[j]], kvbuf.at[pl.ds(j * 128, 128)], sem))
        for cp in copies:
            cp.wait()

        zero = jnp.zeros((LANES,), jnp.float32)
        for t in range(TOPK):
            sbuf[t, :] = zero

        @plsc.parallel_loop(0, CH)
        def score_step(c):
            ccol = lax.broadcast(c, (LANES,))
            qcol = plsc.load_gather(qbuf, [lanes, ccol])
            for t in range(TOPK):
                plsc.addupdate(
                    sbuf.at[t],
                    qcol * plsc.load_gather(kvbuf, [rowbase + t, ccol]))
        S = [sbuf[t, :] * scale for t in range(TOPK)]

        ms = [jnp.maximum(S[2 * t], S[2 * t + 1]) for t in range(TOPK // 2)]
        while len(ms) > 1:
            ms = [jnp.maximum(ms[2 * i], ms[2 * i + 1])
                  for i in range(len(ms) // 2)]
        m = ms[0]
        e = [jnp.exp(s - m) for s in S]
        inv = 1.0 / _tree_sum(e)
        w = tuple(et * inv for et in e)

        @plsc.parallel_loop(0, CH)
        def out_a(c):
            ccol = lax.broadcast(c, (LANES,))
            vcol = ccol + CH
            acc = _tree_sum(
                w[t] * plsc.load_gather(kvbuf, [rowbase + t, vcol])
                for t in range(TOPK // 2))
            plsc.store_scatter(obuf, [lanes, ccol], acc)

        @plsc.parallel_loop(0, CH)
        def out_b(c):
            ccol = lax.broadcast(c, (LANES,))
            vcol = ccol + CH
            acc = _tree_sum(
                w[t] * plsc.load_gather(kvbuf, [rowbase + t, vcol])
                for t in range(TOPK // 2, TOPK))
            plsc.addupdate_scatter(obuf, [lanes, ccol], acc)
        pltpu.sync_copy(obuf, out_hbm.at[h, pl.ds(l0, BLK)])
        return carry

    lax.fori_loop(0, TASKS_PER_W, task_body, 0)


@jax.jit
def kernel(query, key, value, pos):
    q_t = query[0].transpose(1, 0, 2)
    kv2d = jnp.concatenate(
        [key[0].reshape(LQ * NH, CH), value[0].reshape(LQ * NH, CH)], axis=-1)
    rowidx = pos[0] * NH + jnp.arange(NH, dtype=jnp.int32)[None, :, None]
    rowidx = rowidx.transpose(1, 0, 2).reshape(NH, NB, IDX_CHUNKS, 128)

    mesh = plsc.VectorSubcoreMesh(core_axis_name="c", subcore_axis_name="s")
    call = pl.kernel(
        _sc_attention,
        out_type=jax.ShapeDtypeStruct((NH, LQ, CH), jnp.float32),
        mesh=mesh,
        compiler_params=pltpu.CompilerParams(needs_layout_passes=False),
        scratch_types=[
            pltpu.VMEM((IDX_CHUNKS, 128), jnp.int32),
            pltpu.VMEM((BLK, CH), jnp.float32),
            pltpu.VMEM((ROWS, 2 * CH), jnp.float32),
            pltpu.VMEM((TOPK, LANES), jnp.float32),
            pltpu.VMEM((BLK, CH), jnp.float32),
            pltpu.SemaphoreType.DMA,
        ],
    )
    out_t = call(q_t, kv2d, rowidx)
    return out_t.transpose(1, 0, 2)[None]

# --- scband reference (transcript-rebuilt; emitter-appended) ---
"""Pipeline reference for scband-my-attention3-37185826849034 (READ-ONLY COPY).

The authoritative reference and input builder live on the scoring server;
editing this copy changes nothing except your own understanding.
"""

import jax, jax.numpy as jnp
import numpy as np
import math


def setup_inputs(seed: int = 0) -> dict:
    key = jax.random.key(seed)
    k1, k2, k3, k4 = jax.random.split(key, 4)
    batch, len_q, n_head, ch = 1, 2048, 12, 64
    topk = 32
    return {
        "query": jax.random.normal(k1, (batch, len_q, n_head, ch), dtype=jnp.float32),
        "key": jax.random.normal(k2, (batch, len_q, n_head, ch), dtype=jnp.float32),
        "value": jax.random.normal(k3, (batch, len_q, n_head, ch), dtype=jnp.float32),
        "pos": jax.random.randint(k4, (batch, len_q, n_head, topk), 0, len_q, dtype=jnp.int32),
    }


def reference(query, key, value, pos):
    # query: [B, Lq, H, Cqk]; key/value: [B, Lk, H, C]; pos: [B, Lq, H, topk] (indices into seq dim)
    batch, len_q, n_head, ch_qk = query.shape
    ch_v = value.shape[-1]
    topk = pos.shape[-1]
    # Equivalent of torch: key.unsqueeze(-2).repeat + gather(dim=1) with pos_k.
    # jnp.take_along_axis broadcasts non-axis dims, so no explicit repeat needed.
    k = jnp.take_along_axis(key[:, :, :, None, :], pos[:, :, :, :, None], axis=1)   # [B, Lq, H, topk, Cqk]
    v = jnp.take_along_axis(value[:, :, :, None, :], pos[:, :, :, :, None], axis=1) # [B, Lq, H, topk, Cv]
    q = query[:, :, :, None, :]  # [B, Lq, H, 1, Cqk]
    # scaled_dot_product_attention over the topk axis (batch dims = B, Lq, H)
    scale = 1.0 / math.sqrt(ch_qk)
    scores = jnp.einsum('blhqc,blhkc->blhqk', q, k) * scale  # [B, Lq, H, 1, topk]
    attn = jax.nn.softmax(scores, axis=-1)
    out = jnp.einsum('blhqk,blhkc->blhqc', attn, v)  # [B, Lq, H, 1, Cv]
    return out[:, :, :, 0, :]  # squeeze(-2) -> [B, Lq, H, Cv]

if __name__ == "__main__":
    import jax
    _d = setup_inputs()
    print(jax.jit(kernel)(*tuple(_d.values())))

</pallas_src>

<mosaic_0001>
#map = affine_map<(d0, d1) -> (0, 0, 0)>
#map1 = affine_map<(d0, d1) -> (0, 0)>
#map2 = affine_map<(d0, d1) -> (0, 0, 0, 0)>
module attributes {stable_mosaic.version = 14 : i64} {
  func.func @_sc_attention(%arg0: i32, %arg1: i32, %arg2: memref<12x2048x64xf32, #tpu.memory_space<hbm>>, %arg3: memref<24576x128xf32, #tpu.memory_space<hbm>>, %arg4: memref<12x128x4x128xi32, #tpu.memory_space<hbm>>, %arg5: memref<12x2048x64xf32, #tpu.memory_space<hbm>>, %arg6: memref<4x128xi32, #tpu.memory_space<vmem>>, %arg7: memref<16x64xf32, #tpu.memory_space<vmem>>, %arg8: memref<512x128xf32, #tpu.memory_space<vmem>>, %arg9: memref<32x16xf32, #tpu.memory_space<vmem>>, %arg10: memref<16x64xf32, #tpu.memory_space<vmem>>, %arg11: memref<!tpu.dma_semaphore, #tpu.memory_space<semaphore_mem>>) attributes {dimension_semantics = [#tpu.dimension_semantics<core_parallel>, #tpu.dimension_semantics<subcore_parallel>], iteration_bounds = array<i64: 2, 16>, scalar_prefetch = 0 : i64, scratch_operands = 6 : i64, tpu.core_type = #tpu.core_type<sc_vector_subcore>, window_params = [{transform_indices = #map}, {transform_indices = #map1}, {transform_indices = #map2}, {transform_indices = #map}]} {
    %mul3A = arith.constant 2 : i32
    %mul3A_0 = arith.muli %arg1, %mul3A : i32
    %add3A = arith.addi %mul3A_0, %arg0 : i32
    %iota3A = tpu.iota {dimensions = array<i32: 0>} : vector<16xi32>
    %mul3A_1 = arith.constant 32 : i32
    %mul3A_2 = vector.broadcast %mul3A_1 : i32 to vector<16xi32>
    %mul3A_3 = arith.muli %iota3A, %mul3A_2 : vector<16xi32>
    %scan3A = arith.constant 0 : i32
    %scan3A_4 = arith.constant 0 : i32
    %scan3A_5 = arith.constant 48 : i32
    %scan3A_6 = arith.addi %scan3A_4, %scan3A_5 : i32
    %scan3A_7 = arith.constant 1 : i32
    scf.for %scan3A_9 = %scan3A_4 to %scan3A_6 step %scan3A_7  : i32 {
      %mul3A_10 = arith.constant 48 : i32
      %mul3A_11 = arith.muli %add3A, %mul3A_10 : i32
      %add3A_12 = arith.addi %mul3A_11, %scan3A_9 : i32
      %jit3A = arith.constant 128 : i32
      %div3A = arith.divsi %add3A_12, %jit3A : i32
      %sign3A = arith.constant 0 : i32
      %sign3A_13 = arith.cmpi sgt, %add3A_12, %sign3A : i32
      %sign3A_14 = arith.extui %sign3A_13 : i1 to i32
      %sign3A_15 = arith.constant 0 : i32
      %sign3A_16 = arith.cmpi slt, %add3A_12, %sign3A_15 : i32
      %sign3A_17 = arith.extui %sign3A_16 : i1 to i32
      %sign3A_18 = arith.subi %sign3A_14, %sign3A_17 : i32
      %sign3A_19 = arith.constant 0 : i32
      %sign3A_20 = arith.cmpi sgt, %jit3A, %sign3A_19 : i32
      %sign3A_21 = arith.extui %sign3A_20 : i1 to i32
      %sign3A_22 = arith.constant 0 : i32
      %sign3A_23 = arith.cmpi slt, %jit3A, %sign3A_22 : i32
      %sign3A_24 = arith.extui %sign3A_23 : i1 to i32
      %sign3A_25 = arith.subi %sign3A_21, %sign3A_24 : i32
      %ne3A = arith.cmpi ne, %sign3A_18, %sign3A_25 : i32
      %rem3A = arith.remsi %add3A_12, %jit3A : i32
      %ne3A_26 = arith.constant 0 : i32
      %ne3A_27 = arith.cmpi ne, %rem3A, %ne3A_26 : i32
      %and3A = arith.andi %ne3A, %ne3A_27 : i1
      %sub3A = arith.constant 1 : i32
      %sub3A_28 = arith.subi %div3A, %sub3A : i32
      %select_n3A = arith.select %and3A, %sub3A_28, %div3A : i32
      %jit3A_29 = arith.constant 128 : i32
      %eq3A = arith.constant 0 : i32
      %eq3A_30 = arith.cmpi eq, %jit3A_29, %eq3A : i32
      %jit3A_31 = arith.constant 1 : i32
      %select_n3A_32 = arith.select %eq3A_30, %jit3A_31, %jit3A_29 : i32
      %rem3A_33 = arith.remsi %add3A_12, %select_n3A_32 : i32
      %ne3A_34 = arith.constant 0 : i32
      %ne3A_35 = arith.cmpi ne, %rem3A_33, %ne3A_34 : i32
      %lt3A = arith.constant 0 : i32
      %lt3A_36 = arith.cmpi slt, %rem3A_33, %lt3A : i32
      %lt3A_37 = arith.constant 0 : i32
      %lt3A_38 = arith.cmpi slt, %select_n3A_32, %lt3A_37 : i32
      %ne3A_39 = arith.xori %lt3A_36, %lt3A_38 : i1
      %and3A_40 = arith.andi %ne3A_39, %ne3A_35 : i1
      %add3A_41 = arith.addi %rem3A_33, %select_n3A_32 : i32
      %select_n3A_42 = arith.select %and3A_40, %add3A_41, %rem3A_33 : i32
      %mul3A_43 = arith.constant 16 : i32
      %mul3A_44 = arith.muli %select_n3A_42, %mul3A_43 : i32
      "tpu.region"() ({
        %run_scoped3A = tpu.sem_alloc : memref<!tpu.dma_semaphore, #tpu.memory_space<semaphore_mem>>
        %dma_start3A_641 = arith.constant 0 : i32
        %dma_start3A_642 = arith.constant 0 : i32
        %dma_start3A_643 = tpu.memref_slice %arg4[%select_n3A, %select_n3A_42, %dma_start3A_641, %dma_start3A_642] : memref<12x128x4x128xi32, #tpu.memory_space<hbm>> -> memref<1x1x4x128xi32, #tpu.memory_space<hbm>>
        %dma_start3A_644 = tpu.memref_squeeze %dma_start3A_643 : memref<1x1x4x128xi32, #tpu.memory_space<hbm>> -> memref<4x128xi32, #tpu.memory_space<hbm>>
        %dma_start3A_645 = arith.constant 0 : i32
        %dma_start3A_646 = arith.constant 0 : i32
        %dma_start3A_647 = tpu.memref_slice %arg4[%select_n3A, %select_n3A_42, %dma_start3A_645, %dma_start3A_646] : memref<12x128x4x128xi32, #tpu.memory_space<hbm>> -> memref<1x1x4x128xi32, #tpu.memory_space<hbm>>
        %dma_start3A_648 = tpu.memref_squeeze %dma_start3A_647 : memref<1x1x4x128xi32, #tpu.memory_space<hbm>> -> memref<4x128xi32, #tpu.memory_space<hbm>>
        tpu.enqueue_dma source(%dma_start3A_648 : memref<4x128xi32, #tpu.memory_space<hbm>>) target(%arg6 : memref<4x128xi32, #tpu.memory_space<vmem>>) target_semaphore(%run_scoped3A : memref<!tpu.dma_semaphore, #tpu.memory_space<semaphore_mem>>)
        %dma_wait3A_649 = arith.constant 0 : i32
        %dma_wait3A_650 = arith.constant 0 : i32
        %dma_wait3A_651 = tpu.memref_slice %arg4[%select_n3A, %select_n3A_42, %dma_wait3A_649, %dma_wait3A_650] : memref<12x128x4x128xi32, #tpu.memory_space<hbm>> -> memref<1x1x4x128xi32, #tpu.memory_space<hbm>>
        %dma_wait3A_652 = tpu.memref_squeeze %dma_wait3A_651 : memref<1x1x4x128xi32, #tpu.memory_space<hbm>> -> memref<4x128xi32, #tpu.memory_space<hbm>>
        %dma_wait3A_653 = arith.constant 0 : i32
        %dma_wait3A_654 = arith.constant 0 : i32
        %dma_wait3A_655 = tpu.memref_slice %arg4[%select_n3A, %select_n3A_42, %dma_wait3A_653, %dma_wait3A_654] : memref<12x128x4x128xi32, #tpu.memory_space<hbm>> -> memref<1x1x4x128xi32, #tpu.memory_space<hbm>>
        %dma_wait3A_656 = tpu.memref_squeeze %dma_wait3A_655 : memref<1x1x4x128xi32, #tpu.memory_space<hbm>> -> memref<4x128xi32, #tpu.memory_space<hbm>>
        tpu.wait_dma2 semaphore(%run_scoped3A : memref<!tpu.dma_semaphore, #tpu.memory_space<semaphore_mem>>) src(%dma_wait3A_656 : memref<4x128xi32, #tpu.memory_space<hbm>>) dst(%arg6 : memref<4x128xi32, #tpu.memory_space<vmem>>)
        tpu.yield
      }) : () -> ()
      "tpu.region"() ({
        %run_scoped3A = tpu.sem_alloc : memref<!tpu.dma_semaphore, #tpu.memory_space<semaphore_mem>>
        %dma_start3A_641 = arith.constant 0 : i32
        %dma_start3A_642 = tpu.memref_slice %arg2[%select_n3A, %mul3A_44, %dma_start3A_641] : memref<12x2048x64xf32, #tpu.memory_space<hbm>> -> memref<1x16x64xf32, #tpu.memory_space<hbm>>
        %dma_start3A_643 = tpu.memref_squeeze %dma_start3A_642 : memref<1x16x64xf32, #tpu.memory_space<hbm>> -> memref<16x64xf32, #tpu.memory_space<hbm>>
        %dma_start3A_644 = arith.constant 0 : i32
        %dma_start3A_645 = tpu.memref_slice %arg2[%select_n3A, %mul3A_44, %dma_start3A_644] : memref<12x2048x64xf32, #tpu.memory_space<hbm>> -> memref<1x16x64xf32, #tpu.memory_space<hbm>>
        %dma_start3A_646 = tpu.memref_squeeze %dma_start3A_645 : memref<1x16x64xf32, #tpu.memory_space<hbm>> -> memref<16x64xf32, #tpu.memory_space<hbm>>
        tpu.enqueue_dma source(%dma_start3A_646 : memref<16x64xf32, #tpu.memory_space<hbm>>) target(%arg7 : memref<16x64xf32, #tpu.memory_space<vmem>>) target_semaphore(%run_scoped3A : memref<!tpu.dma_semaphore, #tpu.memory_space<semaphore_mem>>)
        %dma_wait3A_647 = arith.constant 0 : i32
        %dma_wait3A_648 = tpu.memref_slice %arg2[%select_n3A, %mul3A_44, %dma_wait3A_647] : memref<12x2048x64xf32, #tpu.memory_space<hbm>> -> memref<1x16x64xf32, #tpu.memory_space<hbm>>
        %dma_wait3A_649 = tpu.memref_squeeze %dma_wait3A_648 : memref<1x16x64xf32, #tpu.memory_space<hbm>> -> memref<16x64xf32, #tpu.memory_space<hbm>>
        %dma_wait3A_650 = arith.constant 0 : i32
        %dma_wait3A_651 = tpu.memref_slice %arg2[%select_n3A, %mul3A_44, %dma_wait3A_650] : memref<12x2048x64xf32, #tpu.memory_space<hbm>> -> memref<1x16x64xf32, #tpu.memory_space<hbm>>
        %dma_wait3A_652 = tpu.memref_squeeze %dma_wait3A_651 : memref<1x16x64xf32, #tpu.memory_space<hbm>> -> memref<16x64xf32, #tpu.memory_space<hbm>>
        tpu.wait_dma2 semaphore(%run_scoped3A : memref<!tpu.dma_semaphore, #tpu.memory_space<semaphore_mem>>) src(%dma_wait3A_652 : memref<16x64xf32, #tpu.memory_space<hbm>>) dst(%arg7 : memref<16x64xf32, #tpu.memory_space<vmem>>)
        tpu.yield
      }) : () -> ()
      %dma_start3A = arith.constant 0 : i32
      %dma_start3A_45 = arith.constant 0 : i32
      %dma_start3A_46 = arith.constant 0 : i32
      %dma_start3A_47 = tpu.memref_slice %arg8[%dma_start3A_45, %dma_start3A_46] : memref<512x128xf32, #tpu.memory_space<vmem>> -> memref<128x128xf32, #tpu.memory_space<vmem>>
      %dma_start3A_48 = arith.constant 0 : i32
      %dma_start3A_49 = tpu.memref_slice %arg6[%dma_start3A, %dma_start3A_48] : memref<4x128xi32, #tpu.memory_space<vmem>> -> memref<1x128xi32, #tpu.memory_space<vmem>>
      %dma_start3A_50 = tpu.memref_squeeze %dma_start3A_49 : memref<1x128xi32, #tpu.memory_space<vmem>> -> memref<128xi32, #tpu.memory_space<vmem>>
      %dma_start3A_51 = arith.constant 0 : i32
      %dma_start3A_52 = arith.constant 0 : i32
      %dma_start3A_53 = tpu.memref_slice %arg3[%dma_start3A_51, %dma_start3A_52] : memref<24576x128xf32, #tpu.memory_space<hbm>> -> memref<24576x128xf32, #tpu.memory_space<hbm>>
      tpu.enqueue_indirect_dma source(%dma_start3A_53 : memref<24576x128xf32, #tpu.memory_space<hbm>>) target(%dma_start3A_47 : memref<128x128xf32, #tpu.memory_space<vmem>>) offsets(%dma_start3A_50 : memref<128xi32, #tpu.memory_space<vmem>>) semaphore(%arg11 : memref<!tpu.dma_semaphore, #tpu.memory_space<semaphore_mem>>)
      %dma_start3A_54 = arith.constant 1 : i32
      %dma_start3A_55 = arith.constant 128 : i32
      %dma_start3A_56 = arith.constant 0 : i32
      %dma_start3A_57 = tpu.memref_slice %arg8[%dma_start3A_55, %dma_start3A_56] : memref<512x128xf32, #tpu.memory_space<vmem>> -> memref<128x128xf32, #tpu.memory_space<vmem>>
      %dma_start3A_58 = arith.constant 0 : i32
      %dma_start3A_59 = tpu.memref_slice %arg6[%dma_start3A_54, %dma_start3A_58] : memref<4x128xi32, #tpu.memory_space<vmem>> -> memref<1x128xi32, #tpu.memory_space<vmem>>
      %dma_start3A_60 = tpu.memref_squeeze %dma_start3A_59 : memref<1x128xi32, #tpu.memory_space<vmem>> -> memref<128xi32, #tpu.memory_space<vmem>>
      %dma_start3A_61 = arith.constant 0 : i32
      %dma_start3A_62 = arith.constant 0 : i32
      %dma_start3A_63 = tpu.memref_slice %arg3[%dma_start3A_61, %dma_start3A_62] : memref<24576x128xf32, #tpu.memory_space<hbm>> -> memref<24576x128xf32, #tpu.memory_space<hbm>>
      tpu.enqueue_indirect_dma source(%dma_start3A_63 : memref<24576x128xf32, #tpu.memory_space<hbm>>) target(%dma_start3A_57 : memref<128x128xf32, #tpu.memory_space<vmem>>) offsets(%dma_start3A_60 : memref<128xi32, #tpu.memory_space<vmem>>) semaphore(%arg11 : memref<!tpu.dma_semaphore, #tpu.memory_space<semaphore_mem>>)
      %dma_start3A_64 = arith.constant 2 : i32
      %dma_start3A_65 = arith.constant 256 : i32
      %dma_start3A_66 = arith.constant 0 : i32
      %dma_start3A_67 = tpu.memref_slice %arg8[%dma_start3A_65, %dma_start3A_66] : memref<512x128xf32, #tpu.memory_space<vmem>> -> memref<128x128xf32, #tpu.memory_space<vmem>>
      %dma_start3A_68 = arith.constant 0 : i32
      %dma_start3A_69 = tpu.memref_slice %arg6[%dma_start3A_64, %dma_start3A_68] : memref<4x128xi32, #tpu.memory_space<vmem>> -> memref<1x128xi32, #tpu.memory_space<vmem>>
      %dma_start3A_70 = tpu.memref_squeeze %dma_start3A_69 : memref<1x128xi32, #tpu.memory_space<vmem>> -> memref<128xi32, #tpu.memory_space<vmem>>
      %dma_start3A_71 = arith.constant 0 : i32
      %dma_start3A_72 = arith.constant 0 : i32
      %dma_start3A_73 = tpu.memref_slice %arg3[%dma_start3A_71, %dma_start3A_72] : memref<24576x128xf32, #tpu.memory_space<hbm>> -> memref<24576x128xf32, #tpu.memory_space<hbm>>
      tpu.enqueue_indirect_dma source(%dma_start3A_73 : memref<24576x128xf32, #tpu.memory_space<hbm>>) target(%dma_start3A_67 : memref<128x128xf32, #tpu.memory_space<vmem>>) offsets(%dma_start3A_70 : memref<128xi32, #tpu.memory_space<vmem>>) semaphore(%arg11 : memref<!tpu.dma_semaphore, #tpu.memory_space<semaphore_mem>>)
      %dma_start3A_74 = arith.constant 3 : i32
      %dma_start3A_75 = arith.constant 384 : i32
      %dma_start3A_76 = arith.constant 0 : i32
      %dma_start3A_77 = tpu.memref_slice %arg8[%dma_start3A_75, %dma_start3A_76] : memref<512x128xf32, #tpu.memory_space<vmem>> -> memref<128x128xf32, #tpu.memory_space<vmem>>
      %dma_start3A_78 = arith.constant 0 : i32
      %dma_start3A_79 = tpu.memref_slice %arg6[%dma_start3A_74, %dma_start3A_78] : memref<4x128xi32, #tpu.memory_space<vmem>> -> memref<1x128xi32, #tpu.memory_space<vmem>>
      %dma_start3A_80 = tpu.memref_squeeze %dma_start3A_79 : memref<1x128xi32, #tpu.memory_space<vmem>> -> memref<128xi32, #tpu.memory_space<vmem>>
      %dma_start3A_81 = arith.constant 0 : i32
      %dma_start3A_82 = arith.constant 0 : i32
      %dma_start3A_83 = tpu.memref_slice %arg3[%dma_start3A_81, %dma_start3A_82] : memref<24576x128xf32, #tpu.memory_space<hbm>> -> memref<24576x128xf32, #tpu.memory_space<hbm>>
      tpu.enqueue_indirect_dma source(%dma_start3A_83 : memref<24576x128xf32, #tpu.memory_space<hbm>>) target(%dma_start3A_77 : memref<128x128xf32, #tpu.memory_space<vmem>>) offsets(%dma_start3A_80 : memref<128xi32, #tpu.memory_space<vmem>>) semaphore(%arg11 : memref<!tpu.dma_semaphore, #tpu.memory_space<semaphore_mem>>)
      %dma_wait3A = arith.constant 0 : i32
      %dma_wait3A_84 = arith.constant 0 : i32
      %dma_wait3A_85 = arith.constant 0 : i32
      %dma_wait3A_86 = tpu.memref_slice %arg8[%dma_wait3A_84, %dma_wait3A_85] : memref<512x128xf32, #tpu.memory_space<vmem>> -> memref<128x128xf32, #tpu.memory_space<vmem>>
      %dma_wait3A_87 = arith.constant 0 : i32
      %dma_wait3A_88 = tpu.memref_slice %arg6[%dma_wait3A, %dma_wait3A_87] : memref<4x128xi32, #tpu.memory_space<vmem>> -> memref<1x128xi32, #tpu.memory_space<vmem>>
      %dma_wait3A_89 = tpu.memref_squeeze %dma_wait3A_88 : memref<1x128xi32, #tpu.memory_space<vmem>> -> memref<128xi32, #tpu.memory_space<vmem>>
      %dma_wait3A_90 = arith.constant 0 : i32
      %dma_wait3A_91 = arith.constant 0 : i32
      %dma_wait3A_92 = tpu.memref_slice %arg3[%dma_wait3A_90, %dma_wait3A_91] : memref<24576x128xf32, #tpu.memory_space<hbm>> -> memref<24576x128xf32, #tpu.memory_space<hbm>>
      tpu.wait_indirect_dma semaphore(%arg11 : memref<!tpu.dma_semaphore, #tpu.memory_space<semaphore_mem>>) src(%dma_wait3A_92 : memref<24576x128xf32, #tpu.memory_space<hbm>>) dst(%dma_wait3A_86 : memref<128x128xf32, #tpu.memory_space<vmem>>)
      %dma_wait3A_93 = arith.constant 1 : i32
      %dma_wait3A_94 = arith.constant 128 : i32
      %dma_wait3A_95 = arith.constant 0 : i32
      %dma_wait3A_96 = tpu.memref_slice %arg8[%dma_wait3A_94, %dma_wait3A_95] : memref<512x128xf32, #tpu.memory_space<vmem>> -> memref<128x128xf32, #tpu.memory_space<vmem>>
      %dma_wait3A_97 = arith.constant 0 : i32
      %dma_wait3A_98 = tpu.memref_slice %arg6[%dma_wait3A_93, %dma_wait3A_97] : memref<4x128xi32, #tpu.memory_space<vmem>> -> memref<1x128xi32, #tpu.memory_space<vmem>>
      %dma_wait3A_99 = tpu.memref_squeeze %dma_wait3A_98 : memref<1x128xi32, #tpu.memory_space<vmem>> -> memref<128xi32, #tpu.memory_space<vmem>>
      %dma_wait3A_100 = arith.constant 0 : i32
      %dma_wait3A_101 = arith.constant 0 : i32
      %dma_wait3A_102 = tpu.memref_slice %arg3[%dma_wait3A_100, %dma_wait3A_101] : memref<24576x128xf32, #tpu.memory_space<hbm>> -> memref<24576x128xf32, #tpu.memory_space<hbm>>
      tpu.wait_indirect_dma semaphore(%arg11 : memref<!tpu.dma_semaphore, #tpu.memory_space<semaphore_mem>>) src(%dma_wait3A_102 : memref<24576x128xf32, #tpu.memory_space<hbm>>) dst(%dma_wait3A_96 : memref<128x128xf32, #tpu.memory_space<vmem>>)
      %dma_wait3A_103 = arith.constant 2 : i32
      %dma_wait3A_104 = arith.constant 256 : i32
      %dma_wait3A_105 = arith.constant 0 : i32
      %dma_wait3A_106 = tpu.memref_slice %arg8[%dma_wait3A_104, %dma_wait3A_105] : memref<512x128xf32, #tpu.memory_space<vmem>> -> memref<128x128xf32, #tpu.memory_space<vmem>>
      %dma_wait3A_107 = arith.constant 0 : i32
      %dma_wait3A_108 = tpu.memref_slice %arg6[%dma_wait3A_103, %dma_wait3A_107] : memref<4x128xi32, #tpu.memory_space<vmem>> -> memref<1x128xi32, #tpu.memory_space<vmem>>
      %dma_wait3A_109 = tpu.memref_squeeze %dma_wait3A_108 : memref<1x128xi32, #tpu.memory_space<vmem>> -> memref<128xi32, #tpu.memory_space<vmem>>
      %dma_wait3A_110 = arith.constant 0 : i32
      %dma_wait3A_111 = arith.constant 0 : i32
      %dma_wait3A_112 = tpu.memref_slice %arg3[%dma_wait3A_110, %dma_wait3A_111] : memref<24576x128xf32, #tpu.memory_space<hbm>> -> memref<24576x128xf32, #tpu.memory_space<hbm>>
      tpu.wait_indirect_dma semaphore(%arg11 : memref<!tpu.dma_semaphore, #tpu.memory_space<semaphore_mem>>) src(%dma_wait3A_112 : memref<24576x128xf32, #tpu.memory_space<hbm>>) dst(%dma_wait3A_106 : memref<128x128xf32, #tpu.memory_space<vmem>>)
      %dma_wait3A_113 = arith.constant 3 : i32
      %dma_wait3A_114 = arith.constant 384 : i32
      %dma_wait3A_115 = arith.constant 0 : i32
      %dma_wait3A_116 = tpu.memref_slice %arg8[%dma_wait3A_114, %dma_wait3A_115] : memref<512x128xf32, #tpu.memory_space<vmem>> -> memref<128x128xf32, #tpu.memory_space<vmem>>
      %dma_wait3A_117 = arith.constant 0 : i32
      %dma_wait3A_118 = tpu.memref_slice %arg6[%dma_wait3A_113, %dma_wait3A_117] : memref<4x128xi32, #tpu.memory_space<vmem>> -> memref<1x128xi32, #tpu.memory_space<vmem>>
      %dma_wait3A_119 = tpu.memref_squeeze %dma_wait3A_118 : memref<1x128xi32, #tpu.memory_space<vmem>> -> memref<128xi32, #tpu.memory_space<vmem>>
      %dma_wait3A_120 = arith.constant 0 : i32
      %dma_wait3A_121 = arith.constant 0 : i32
      %dma_wait3A_122 = tpu.memref_slice %arg3[%dma_wait3A_120, %dma_wait3A_121] : memref<24576x128xf32, #tpu.memory_space<hbm>> -> memref<24576x128xf32, #tpu.memory_space<hbm>>
      tpu.wait_indirect_dma semaphore(%arg11 : memref<!tpu.dma_semaphore, #tpu.memory_space<semaphore_mem>>) src(%dma_wait3A_122 : memref<24576x128xf32, #tpu.memory_space<hbm>>) dst(%dma_wait3A_116 : memref<128x128xf32, #tpu.memory_space<vmem>>)
      %broadcast_in_dim3A = arith.constant 0.000000e+00 : f32
      %broadcast_in_dim3A_123 = vector.broadcast %broadcast_in_dim3A : f32 to vector<16xf32>
      %swap3A = arith.constant 0 : i32
      %swap3A_124 = arith.index_cast %swap3A : i32 to index
      %swap3A_125 = arith.constant 0 : index
      %swap3A_126 = tpu.vector_load %arg9[%swap3A_124, %swap3A_125] {strides = array<i32>} : memref<32x16xf32, #tpu.memory_space<vmem>>, vector<16xf32>,
      tpu.vector_store %arg9[%swap3A_124, %swap3A_125], %broadcast_in_dim3A_123 {strides = array<i32>} : memref<32x16xf32, #tpu.memory_space<vmem>>, vector<16xf32>,
      %swap3A_127 = arith.constant 1 : i32
      %swap3A_128 = arith.index_cast %swap3A_127 : i32 to index
      %swap3A_129 = arith.constant 0 : index
      %swap3A_130 = tpu.vector_load %arg9[%swap3A_128, %swap3A_129] {strides = array<i32>} : memref<32x16xf32, #tpu.memory_space<vmem>>, vector<16xf32>,
      tpu.vector_store %arg9[%swap3A_128, %swap3A_129], %broadcast_in_dim3A_123 {strides = array<i32>} : memref<32x16xf32, #tpu.memory_space<vmem>>, vector<16xf32>,
      %swap3A_131 = arith.constant 2 : i32
      %swap3A_132 = arith.index_cast %swap3A_131 : i32 to index
      %swap3A_133 = arith.constant 0 : index
      %swap3A_134 = tpu.vector_load %arg9[%swap3A_132, %swap3A_133] {strides = array<i32>} : memref<32x16xf32, #tpu.memory_space<vmem>>, vector<16xf32>,
      tpu.vector_store %arg9[%swap3A_132, %swap3A_133], %broadcast_in_dim3A_123 {strides = array<i32>} : memref<32x16xf32, #tpu.memory_space<vmem>>, vector<16xf32>,
      %swap3A_135 = arith.constant 3 : i32
      %swap3A_136 = arith.index_cast %swap3A_135 : i32 to index
      %swap3A_137 = arith.constant 0 : index
      %swap3A_138 = tpu.vector_load %arg9[%swap3A_136, %swap3A_137] {strides = array<i32>} : memref<32x16xf32, #tpu.memory_space<vmem>>, vector<16xf32>,
      tpu.vector_store %arg9[%swap3A_136, %swap3A_137], %broadcast_in_dim3A_123 {strides = array<i32>} : memref<32x16xf32, #tpu.memory_space<vmem>>, vector<16xf32>,
      %swap3A_139 = arith.constant 4 : i32
      %swap3A_140 = arith.index_cast %swap3A_139 : i32 to index
      %swap3A_141 = arith.constant 0 : index
      %swap3A_142 = tpu.vector_load %arg9[%swap3A_140, %swap3A_141] {strides = array<i32>} : memref<32x16xf32, #tpu.memory_space<vmem>>, vector<16xf32>,
      tpu.vector_store %arg9[%swap3A_140, %swap3A_141], %broadcast_in_dim3A_123 {strides = array<i32>} : memref<32x16xf32, #tpu.memory_space<vmem>>, vector<16xf32>,
      %swap3A_143 = arith.constant 5 : i32
      %swap3A_144 = arith.index_cast %swap3A_143 : i32 to index
      %swap3A_145 = arith.constant 0 : index
      %swap3A_146 = tpu.vector_load %arg9[%swap3A_144, %swap3A_145] {strides = array<i32>} : memref<32x16xf32, #tpu.memory_space<vmem>>, vector<16xf32>,
      tpu.vector_store %arg9[%swap3A_144, %swap3A_145], %broadcast_in_dim3A_123 {strides = array<i32>} : memref<32x16xf32, #tpu.memory_space<vmem>>, vector<16xf32>,
      %swap3A_147 = arith.constant 6 : i32
      %swap3A_148 = arith.index_cast %swap3A_147 : i32 to index
      %swap3A_149 = arith.constant 0 : index
      %swap3A_150 = tpu.vector_load %arg9[%swap3A_148, %swap3A_149] {strides = array<i32>} : memref<32x16xf32, #tpu.memory_space<vmem>>, vector<16xf32>,
      tpu.vector_store %arg9[%swap3A_148, %swap3A_149], %broadcast_in_dim3A_123 {strides = array<i32>} : memref<32x16xf32, #tpu.memory_space<vmem>>, vector<16xf32>,
      %swap3A_151 = arith.constant 7 : i32
      %swap3A_152 = arith.index_cast %swap3A_151 : i32 to index
      %swap3A_153 = arith.constant 0 : index
      %swap3A_154 = tpu.vector_load %arg9[%swap3A_152, %swap3A_153] {strides = array<i32>} : memref<32x16xf32, #tpu.memory_space<vmem>>, vector<16xf32>,
      tpu.vector_store %arg9[%swap3A_152, %swap3A_153], %broadcast_in_dim3A_123 {strides = array<i32>} : memref<32x16xf32, #tpu.memory_space<vmem>>, vector<16xf32>,
      %swap3A_155 = arith.constant 8 : i32
      %swap3A_156 = arith.index_cast %swap3A_155 : i32 to index
      %swap3A_157 = arith.constant 0 : index
      %swap3A_158 = tpu.vector_load %arg9[%swap3A_156, %swap3A_157] {strides = array<i32>} : memref<32x16xf32, #tpu.memory_space<vmem>>, vector<16xf32>,
      tpu.vector_store %arg9[%swap3A_156, %swap3A_157], %broadcast_in_dim3A_123 {strides = array<i32>} : memref<32x16xf32, #tpu.memory_space<vmem>>, vector<16xf32>,
      %swap3A_159 = arith.constant 9 : i32
      %swap3A_160 = arith.index_cast %swap3A_159 : i32 to index
      %swap3A_161 = arith.constant 0 : index
      %swap3A_162 = tpu.vector_load %arg9[%swap3A_160, %swap3A_161] {strides = array<i32>} : memref<32x16xf32, #tpu.memory_space<vmem>>, vector<16xf32>,
      tpu.vector_store %arg9[%swap3A_160, %swap3A_161], %broadcast_in_dim3A_123 {strides = array<i32>} : memref<32x16xf32, #tpu.memory_space<vmem>>, vector<16xf32>,
      %swap3A_163 = arith.constant 10 : i32
      %swap3A_164 = arith.index_cast %swap3A_163 : i32 to index
      %swap3A_165 = arith.constant 0 : index
      %swap3A_166 = tpu.vector_load %arg9[%swap3A_164, %swap3A_165] {strides = array<i32>} : memref<32x16xf32, #tpu.memory_space<vmem>>, vector<16xf32>,
      tpu.vector_store %arg9[%swap3A_164, %swap3A_165], %broadcast_in_dim3A_123 {strides = array<i32>} : memref<32x16xf32, #tpu.memory_space<vmem>>, vector<16xf32>,
      %swap3A_167 = arith.constant 11 : i32
      %swap3A_168 = arith.index_cast %swap3A_167 : i32 to index
      %swap3A_169 = arith.constant 0 : index
      %swap3A_170 = tpu.vector_load %arg9[%swap3A_168, %swap3A_169] {strides = array<i32>} : memref<32x16xf32, #tpu.memory_space<vmem>>, vector<16xf32>,
      tpu.vector_store %arg9[%swap3A_168, %swap3A_169], %broadcast_in_dim3A_123 {strides = array<i32>} : memref<32x16xf32, #tpu.memory_space<vmem>>, vector<16xf32>,
      %swap3A_171 = arith.constant 12 : i32
      %swap3A_172 = arith.index_cast %swap3A_171 : i32 to index
      %swap3A_173 = arith.constant 0 : index
      %swap3A_174 = tpu.vector_load %arg9[%swap3A_172, %swap3A_173] {strides = array<i32>} : memref<32x16xf32, #tpu.memory_space<vmem>>, vector<16xf32>,
      tpu.vector_store %arg9[%swap3A_172, %swap3A_173], %broadcast_in_dim3A_123 {strides = array<i32>} : memref<32x16xf32, #tpu.memory_space<vmem>>, vector<16xf32>,
      %swap3A_175 = arith.constant 13 : i32
      %swap3A_176 = arith.index_cast %swap3A_175 : i32 to index
      %swap3A_177 = arith.constant 0 : index
      %swap3A_178 = tpu.vector_load %arg9[%swap3A_176, %swap3A_177] {strides = array<i32>} : memref<32x16xf32, #tpu.memory_space<vmem>>, vector<16xf32>,
      tpu.vector_store %arg9[%swap3A_176, %swap3A_177], %broadcast_in_dim3A_123 {strides = array<i32>} : memref<32x16xf32, #tpu.memory_space<vmem>>, vector<16xf32>,
      %swap3A_179 = arith.constant 14 : i32
      %swap3A_180 = arith.index_cast %swap3A_179 : i32 to index
      %swap3A_181 = arith.constant 0 : index
      %swap3A_182 = tpu.vector_load %arg9[%swap3A_180, %swap3A_181] {strides = array<i32>} : memref<32x16xf32, #tpu.memory_space<vmem>>, vector<16xf32>,
      tpu.vector_store %arg9[%swap3A_180, %swap3A_181], %broadcast_in_dim3A_123 {strides = array<i32>} : memref<32x16xf32, #tpu.memory_space<vmem>>, vector<16xf32>,
      %swap3A_183 = arith.constant 15 : i32
      %swap3A_184 = arith.index_cast %swap3A_183 : i32 to index
      %swap3A_185 = arith.constant 0 : index
      %swap3A_186 = tpu.vector_load %arg9[%swap3A_184, %swap3A_185] {strides = array<i32>} : memref<32x16xf32, #tpu.memory_space<vmem>>, vector<16xf32>,
      tpu.vector_store %arg9[%swap3A_184, %swap3A_185], %broadcast_in_dim3A_123 {strides = array<i32>} : memref<32x16xf32, #tpu.memory_space<vmem>>, vector<16xf32>,
      %swap3A_187 = arith.constant 16 : i32
      %swap3A_188 = arith.index_cast %swap3A_187 : i32 to index
      %swap3A_189 = arith.constant 0 : index
      %swap3A_190 = tpu.vector_load %arg9[%swap3A_188, %swap3A_189] {strides = array<i32>} : memref<32x16xf32, #tpu.memory_space<vmem>>, vector<16xf32>,
      tpu.vector_store %arg9[%swap3A_188, %swap3A_189], %broadcast_in_dim3A_123 {strides = array<i32>} : memref<32x16xf32, #tpu.memory_space<vmem>>, vector<16xf32>,
      %swap3A_191 = arith.constant 17 : i32
      %swap3A_192 = arith.index_cast %swap3A_191 : i32 to index
      %swap3A_193 = arith.constant 0 : index
      %swap3A_194 = tpu.vector_load %arg9[%swap3A_192, %swap3A_193] {strides = array<i32>} : memref<32x16xf32, #tpu.memory_space<vmem>>, vector<16xf32>,
      tpu.vector_store %arg9[%swap3A_192, %swap3A_193], %broadcast_in_dim3A_123 {strides = array<i32>} : memref<32x16xf32, #tpu.memory_space<vmem>>, vector<16xf32>,
      %swap3A_195 = arith.constant 18 : i32
      %swap3A_196 = arith.index_cast %swap3A_195 : i32 to index
      %swap3A_197 = arith.constant 0 : index
      %swap3A_198 = tpu.vector_load %arg9[%swap3A_196, %swap3A_197] {strides = array<i32>} : memref<32x16xf32, #tpu.memory_space<vmem>>, vector<16xf32>,
      tpu.vector_store %arg9[%swap3A_196, %swap3A_197], %broadcast_in_dim3A_123 {strides = array<i32>} : memref<32x16xf32, #tpu.memory_space<vmem>>, vector<16xf32>,
      %swap3A_199 = arith.constant 19 : i32
      %swap3A_200 = arith.index_cast %swap3A_199 : i32 to index
      %swap3A_201 = arith.constant 0 : index
      %swap3A_202 = tpu.vector_load %arg9[%swap3A_200, %swap3A_201] {strides = array<i32>} : memref<32x16xf32, #tpu.memory_space<vmem>>, vector<16xf32>,
      tpu.vector_store %arg9[%swap3A_200, %swap3A_201], %broadcast_in_dim3A_123 {strides = array<i32>} : memref<32x16xf32, #tpu.memory_space<vmem>>, vector<16xf32>,
      %swap3A_203 = arith.constant 20 : i32
      %swap3A_204 = arith.index_cast %swap3A_203 : i32 to index
      %swap3A_205 = arith.constant 0 : index
      %swap3A_206 = tpu.vector_load %arg9[%swap3A_204, %swap3A_205] {strides = array<i32>} : memref<32x16xf32, #tpu.memory_space<vmem>>, vector<16xf32>,
      tpu.vector_store %arg9[%swap3A_204, %swap3A_205], %broadcast_in_dim3A_123 {strides = array<i32>} : memref<32x16xf32, #tpu.memory_space<vmem>>, vector<16xf32>,
      %swap3A_207 = arith.constant 21 : i32
      %swap3A_208 = arith.index_cast %swap3A_207 : i32 to index
      %swap3A_209 = arith.constant 0 : index
      %swap3A_210 = tpu.vector_load %arg9[%swap3A_208, %swap3A_209] {strides = array<i32>} : memref<32x16xf32, #tpu.memory_space<vmem>>, vector<16xf32>,
      tpu.vector_store %arg9[%swap3A_208, %swap3A_209], %broadcast_in_dim3A_123 {strides = array<i32>} : memref<32x16xf32, #tpu.memory_space<vmem>>, vector<16xf32>,
      %swap3A_211 = arith.constant 22 : i32
      %swap3A_212 = arith.index_cast %swap3A_211 : i32 to index
      %swap3A_213 = arith.constant 0 : index
      %swap3A_214 = tpu.vector_load %arg9[%swap3A_212, %swap3A_213] {strides = array<i32>} : memref<32x16xf32, #tpu.memory_space<vmem>>, vector<16xf32>,
      tpu.vector_store %arg9[%swap3A_212, %swap3A_213], %broadcast_in_dim3A_123 {strides = array<i32>} : memref<32x16xf32, #tpu.memory_space<vmem>>, vector<16xf32>,
      %swap3A_215 = arith.constant 23 : i32
      %swap3A_216 = arith.index_cast %swap3A_215 : i32 to index
      %swap3A_217 = arith.constant 0 : index
      %swap3A_218 = tpu.vector_load %arg9[%swap3A_216, %swap3A_217] {strides = array<i32>} : memref<32x16xf32, #tpu.memory_space<vmem>>, vector<16xf32>,
      tpu.vector_store %arg9[%swap3A_216, %swap3A_217], %broadcast_in_dim3A_123 {strides = array<i32>} : memref<32x16xf32, #tpu.memory_space<vmem>>, vector<16xf32>,
      %swap3A_219 = arith.constant 24 : i32
      %swap3A_220 = arith.index_cast %swap3A_219 : i32 to index
      %swap3A_221 = arith.constant 0 : index
      %swap3A_222 = tpu.vector_load %arg9[%swap3A_220, %swap3A_221] {strides = array<i32>} : memref<32x16xf32, #tpu.memory_space<vmem>>, vector<16xf32>,
      tpu.vector_store %arg9[%swap3A_220, %swap3A_221], %broadcast_in_dim3A_123 {strides = array<i32>} : memref<32x16xf32, #tpu.memory_space<vmem>>, vector<16xf32>,
      %swap3A_223 = arith.constant 25 : i32
      %swap3A_224 = arith.index_cast %swap3A_223 : i32 to index
      %swap3A_225 = arith.constant 0 : index
      %swap3A_226 = tpu.vector_load %arg9[%swap3A_224, %swap3A_225] {strides = array<i32>} : memref<32x16xf32, #tpu.memory_space<vmem>>, vector<16xf32>,
      tpu.vector_store %arg9[%swap3A_224, %swap3A_225], %broadcast_in_dim3A_123 {strides = array<i32>} : memref<32x16xf32, #tpu.memory_space<vmem>>, vector<16xf32>,
      %swap3A_227 = arith.constant 26 : i32
      %swap3A_228 = arith.index_cast %swap3A_227 : i32 to index
      %swap3A_229 = arith.constant 0 : index
      %swap3A_230 = tpu.vector_load %arg9[%swap3A_228, %swap3A_229] {strides = array<i32>} : memref<32x16xf32, #tpu.memory_space<vmem>>, vector<16xf32>,
      tpu.vector_store %arg9[%swap3A_228, %swap3A_229], %broadcast_in_dim3A_123 {strides = array<i32>} : memref<32x16xf32, #tpu.memory_space<vmem>>, vector<16xf32>,
      %swap3A_231 = arith.constant 27 : i32
      %swap3A_232 = arith.index_cast %swap3A_231 : i32 to index
      %swap3A_233 = arith.constant 0 : index
      %swap3A_234 = tpu.vector_load %arg9[%swap3A_232, %swap3A_233] {strides = array<i32>} : memref<32x16xf32, #tpu.memory_space<vmem>>, vector<16xf32>,
      tpu.vector_store %arg9[%swap3A_232, %swap3A_233], %broadcast_in_dim3A_123 {strides = array<i32>} : memref<32x16xf32, #tpu.memory_space<vmem>>, vector<16xf32>,
      %swap3A_235 = arith.constant 28 : i32
      %swap3A_236 = arith.index_cast %swap3A_235 : i32 to index
      %swap3A_237 = arith.constant 0 : index
      %swap3A_238 = tpu.vector_load %arg9[%swap3A_236, %swap3A_237] {strides = array<i32>} : memref<32x16xf32, #tpu.memory_space<vmem>>, vector<16xf32>,
      tpu.vector_store %arg9[%swap3A_236, %swap3A_237], %broadcast_in_dim3A_123 {strides = array<i32>} : memref<32x16xf32, #tpu.memory_space<vmem>>, vector<16xf32>,
      %swap3A_239 = arith.constant 29 : i32
      %swap3A_240 = arith.index_cast %swap3A_239 : i32 to index
      %swap3A_241 = arith.constant 0 : index
      %swap3A_242 = tpu.vector_load %arg9[%swap3A_240, %swap3A_241] {strides = array<i32>} : memref<32x16xf32, #tpu.memory_space<vmem>>, vector<16xf32>,
      tpu.vector_store %arg9[%swap3A_240, %swap3A_241], %broadcast_in_dim3A_123 {strides = array<i32>} : memref<32x16xf32, #tpu.memory_space<vmem>>, vector<16xf32>,
      %swap3A_243 = arith.constant 30 : i32
      %swap3A_244 = arith.index_cast %swap3A_243 : i32 to index
      %swap3A_245 = arith.constant 0 : index
      %swap3A_246 = tpu.vector_load %arg9[%swap3A_244, %swap3A_245] {strides = array<i32>} : memref<32x16xf32, #tpu.memory_space<vmem>>, vector<16xf32>,
      tpu.vector_store %arg9[%swap3A_244, %swap3A_245], %broadcast_in_dim3A_123 {strides = array<i32>} : memref<32x16xf32, #tpu.memory_space<vmem>>, vector<16xf32>,
      %swap3A_247 = arith.constant 31 : i32
      %swap3A_248 = arith.index_cast %swap3A_247 : i32 to index
      %swap3A_249 = arith.constant 0 : index
      %swap3A_250 = tpu.vector_load %arg9[%swap3A_248, %swap3A_249] {strides = array<i32>} : memref<32x16xf32, #tpu.memory_space<vmem>>, vector<16xf32>,
      tpu.vector_store %arg9[%swap3A_248, %swap3A_249], %broadcast_in_dim3A_123 {strides = array<i32>} : memref<32x16xf32, #tpu.memory_space<vmem>>, vector<16xf32>,
      %parallel_loop3A = arith.constant 0 : i32
      %parallel_loop3A_251 = arith.constant 64 : i32
      %parallel_loop3A_252 = arith.constant 1 : i32
      scf.for %parallel_loop3A_641 = %parallel_loop3A to %parallel_loop3A_251 step %parallel_loop3A_252  : i32 {
        %parallel_loop3A_642 = vector.broadcast %parallel_loop3A_641 : i32 to vector<16xi32>
        %parallel_loop3A_643 = tpu.vector_load_idx %arg7[%iota3A, %parallel_loop3A_642] : memref<16x64xf32, #tpu.memory_space<vmem>>[vector<16xi32>, vector<16xi32>], vector<16xf32>,
        %parallel_loop3A_644 = arith.constant 0 : i32
        %parallel_loop3A_645 = vector.broadcast %parallel_loop3A_644 : i32 to vector<16xi32>
        %parallel_loop3A_646 = arith.addi %mul3A_3, %parallel_loop3A_645 : vector<16xi32>
        %parallel_loop3A_647 = tpu.vector_load_idx %arg8[%parallel_loop3A_646, %parallel_loop3A_642] : memref<512x128xf32, #tpu.memory_space<vmem>>[vector<16xi32>, vector<16xi32>], vector<16xf32>,
        %parallel_loop3A_648 = arith.mulf %parallel_loop3A_643, %parallel_loop3A_647 : vector<16xf32>
        %parallel_loop3A_649 = arith.constant 0 : i32
        %parallel_loop3A_650 = arith.index_cast %parallel_loop3A_649 : i32 to index
        %parallel_loop3A_651 = arith.constant 0 : index
        %parallel_loop3A_652 = tpu.vector_load %arg9[%parallel_loop3A_650, %parallel_loop3A_651] {strides = array<i32>} : memref<32x16xf32, #tpu.memory_space<vmem>>, vector<16xf32>,
        tpu.vector_store %arg9[%parallel_loop3A_650, %parallel_loop3A_651], %parallel_loop3A_648 {add = true, strides = array<i32>} : memref<32x16xf32, #tpu.memory_space<vmem>>, vector<16xf32>,
        %parallel_loop3A_653 = arith.constant 1 : i32
        %parallel_loop3A_654 = vector.broadcast %parallel_loop3A_653 : i32 to vector<16xi32>
        %parallel_loop3A_655 = arith.addi %mul3A_3, %parallel_loop3A_654 : vector<16xi32>
        %parallel_loop3A_656 = tpu.vector_load_idx %arg8[%parallel_loop3A_655, %parallel_loop3A_642] : memref<512x128xf32, #tpu.memory_space<vmem>>[vector<16xi32>, vector<16xi32>], vector<16xf32>,
        %parallel_loop3A_657 = arith.mulf %parallel_loop3A_643, %parallel_loop3A_656 : vector<16xf32>
        %parallel_loop3A_658 = arith.constant 1 : i32
        %parallel_loop3A_659 = arith.index_cast %parallel_loop3A_658 : i32 to index
        %parallel_loop3A_660 = arith.constant 0 : index
        %parallel_loop3A_661 = tpu.vector_load %arg9[%parallel_loop3A_659, %parallel_loop3A_660] {strides = array<i32>} : memref<32x16xf32, #tpu.memory_space<vmem>>, vector<16xf32>,
        tpu.vector_store %arg9[%parallel_loop3A_659, %parallel_loop3A_660], %parallel_loop3A_657 {add = true, strides = array<i32>} : memref<32x16xf32, #tpu.memory_space<vmem>>, vector<16xf32>,
        %parallel_loop3A_662 = arith.constant 2 : i32
        %parallel_loop3A_663 = vector.broadcast %parallel_loop3A_662 : i32 to vector<16xi32>
        %parallel_loop3A_664 = arith.addi %mul3A_3, %parallel_loop3A_663 : vector<16xi32>
        %parallel_loop3A_665 = tpu.vector_load_idx %arg8[%parallel_loop3A_664, %parallel_loop3A_642] : memref<512x128xf32, #tpu.memory_space<vmem>>[vector<16xi32>, vector<16xi32>], vector<16xf32>,
        %parallel_loop3A_666 = arith.mulf %parallel_loop3A_643, %parallel_loop3A_665 : vector<16xf32>
        %parallel_loop3A_667 = arith.constant 2 : i32
        %parallel_loop3A_668 = arith.index_cast %parallel_loop3A_667 : i32 to index
        %parallel_loop3A_669 = arith.constant 0 : index
        %parallel_loop3A_670 = tpu.vector_load %arg9[%parallel_loop3A_668, %parallel_loop3A_669] {strides = array<i32>} : memref<32x16xf32, #tpu.memory_space<vmem>>, vector<16xf32>,
        tpu.vector_store %arg9[%parallel_loop3A_668, %parallel_loop3A_669], %parallel_loop3A_666 {add = true, strides = array<i32>} : memref<32x16xf32, #tpu.memory_space<vmem>>, vector<16xf32>,
        %parallel_loop3A_671 = arith.constant 3 : i32
        %parallel_loop3A_672 = vector.broadcast %parallel_loop3A_671 : i32 to vector<16xi32>
        %parallel_loop3A_673 = arith.addi %mul3A_3, %parallel_loop3A_672 : vector<16xi32>
        %parallel_loop3A_674 = tpu.vector_load_idx %arg8[%parallel_loop3A_673, %parallel_loop3A_642] : memref<512x128xf32, #tpu.memory_space<vmem>>[vector<16xi32>, vector<16xi32>], vector<16xf32>,
        %parallel_loop3A_675 = arith.mulf %parallel_loop3A_643, %parallel_loop3A_674 : vector<16xf32>
        %parallel_loop3A_676 = arith.constant 3 : i32
        %parallel_loop3A_677 = arith.index_cast %parallel_loop3A_676 : i32 to index
        %parallel_loop3A_678 = arith.constant 0 : index
        %parallel_loop3A_679 = tpu.vector_load %arg9[%parallel_loop3A_677, %parallel_loop3A_678] {strides = array<i32>} : memref<32x16xf32, #tpu.memory_space<vmem>>, vector<16xf32>,
        tpu.vector_store %arg9[%parallel_loop3A_677, %parallel_loop3A_678], %parallel_loop3A_675 {add = true, strides = array<i32>} : memref<32x16xf32, #tpu.memory_space<vmem>>, vector<16xf32>,
        %parallel_loop3A_680 = arith.constant 4 : i32
        %parallel_loop3A_681 = vector.broadcast %parallel_loop3A_680 : i32 to vector<16xi32>
        %parallel_loop3A_682 = arith.addi %mul3A_3, %parallel_loop3A_681 : vector<16xi32>
        %parallel_loop3A_683 = tpu.vector_load_idx %arg8[%parallel_loop3A_682, %parallel_loop3A_642] : memref<512x128xf32, #tpu.memory_space<vmem>>[vector<16xi32>, vector<16xi32>], vector<16xf32>,
        %parallel_loop3A_684 = arith.mulf %parallel_loop3A_643, %parallel_loop3A_683 : vector<16xf32>
        %parallel_loop3A_685 = arith.constant 4 : i32
        %parallel_loop3A_686 = arith.index_cast %parallel_loop3A_685 : i32 to index
        %parallel_loop3A_687 = arith.constant 0 : index
        %parallel_loop3A_688 = tpu.vector_load %arg9[%parallel_loop3A_686, %parallel_loop3A_687] {strides = array<i32>} : memref<32x16xf32, #tpu.memory_space<vmem>>, vector<16xf32>,
        tpu.vector_store %arg9[%parallel_loop3A_686, %parallel_loop3A_687], %parallel_loop3A_684 {add = true, strides = array<i32>} : memref<32x16xf32, #tpu.memory_space<vmem>>, vector<16xf32>,
        %parallel_loop3A_689 = arith.constant 5 : i32
        %parallel_loop3A_690 = vector.broadcast %parallel_loop3A_689 : i32 to vector<16xi32>
        %parallel_loop3A_691 = arith.addi %mul3A_3, %parallel_loop3A_690 : vector<16xi32>
        %parallel_loop3A_692 = tpu.vector_load_idx %arg8[%parallel_loop3A_691, %parallel_loop3A_642] : memref<512x128xf32, #tpu.memory_space<vmem>>[vector<16xi32>, vector<16xi32>], vector<16xf32>,
        %parallel_loop3A_693 = arith.mulf %parallel_loop3A_643, %parallel_loop3A_692 : vector<16xf32>
        %parallel_loop3A_694 = arith.constant 5 : i32
        %parallel_loop3A_695 = arith.index_cast %parallel_loop3A_694 : i32 to index
        %parallel_loop3A_696 = arith.constant 0 : index
        %parallel_loop3A_697 = tpu.vector_load %arg9[%parallel_loop3A_695, %parallel_loop3A_696] {strides = array<i32>} : memref<32x16xf32, #tpu.memory_space<vmem>>, vector<16xf32>,
        tpu.vector_store %arg9[%parallel_loop3A_695, %parallel_loop3A_696], %parallel_loop3A_693 {add = true, strides = array<i32>} : memref<32x16xf32, #tpu.memory_space<vmem>>, vector<16xf32>,
        %parallel_loop3A_698 = arith.constant 6 : i32
        %parallel_loop3A_699 = vector.broadcast %parallel_loop3A_698 : i32 to vector<16xi32>
        %parallel_loop3A_700 = arith.addi %mul3A_3, %parallel_loop3A_699 : vector<16xi32>
        %parallel_loop3A_701 = tpu.vector_load_idx %arg8[%parallel_loop3A_700, %parallel_loop3A_642] : memref<512x128xf32, #tpu.memory_space<vmem>>[vector<16xi32>, vector<16xi32>], vector<16xf32>,
        %parallel_loop3A_702 = arith.mulf %parallel_loop3A_643, %parallel_loop3A_701 : vector<16xf32>
        %parallel_loop3A_703 = arith.constant 6 : i32
        %parallel_loop3A_704 = arith.index_cast %parallel_loop3A_703 : i32 to index
        %parallel_loop3A_705 = arith.constant 0 : index
        %parallel_loop3A_706 = tpu.vector_load %arg9[%parallel_loop3A_704, %parallel_loop3A_705] {strides = array<i32>} : memref<32x16xf32, #tpu.memory_space<vmem>>, vector<16xf32>,
        tpu.vector_store %arg9[%parallel_loop3A_704, %parallel_loop3A_705], %parallel_loop3A_702 {add = true, strides = array<i32>} : memref<32x16xf32, #tpu.memory_space<vmem>>, vector<16xf32>,
        %parallel_loop3A_707 = arith.constant 7 : i32
        %parallel_loop3A_708 = vector.broadcast %parallel_loop3A_707 : i32 to vector<16xi32>
        %parallel_loop3A_709 = arith.addi %mul3A_3, %parallel_loop3A_708 : vector<16xi32>
        %parallel_loop3A_710 = tpu.vector_load_idx %arg8[%parallel_loop3A_709, %parallel_loop3A_642] : memref<512x128xf32, #tpu.memory_space<vmem>>[vector<16xi32>, vector<16xi32>], vector<16xf32>,
        %parallel_loop3A_711 = arith.mulf %parallel_loop3A_643, %parallel_loop3A_710 : vector<16xf32>
        %parallel_loop3A_712 = arith.constant 7 : i32
        %parallel_loop3A_713 = arith.index_cast %parallel_loop3A_712 : i32 to index
        %parallel_loop3A_714 = arith.constant 0 : index
        %parallel_loop3A_715 = tpu.vector_load %arg9[%parallel_loop3A_713, %parallel_loop3A_714] {strides = array<i32>} : memref<32x16xf32, #tpu.memory_space<vmem>>, vector<16xf32>,
        tpu.vector_store %arg9[%parallel_loop3A_713, %parallel_loop3A_714], %parallel_loop3A_711 {add = true, strides = array<i32>} : memref<32x16xf32, #tpu.memory_space<vmem>>, vector<16xf32>,
        %parallel_loop3A_716 = arith.constant 8 : i32
        %parallel_loop3A_717 = vector.broadcast %parallel_loop3A_716 : i32 to vector<16xi32>
        %parallel_loop3A_718 = arith.addi %mul3A_3, %parallel_loop3A_717 : vector<16xi32>
        %parallel_loop3A_719 = tpu.vector_load_idx %arg8[%parallel_loop3A_718, %parallel_loop3A_642] : memref<512x128xf32, #tpu.memory_space<vmem>>[vector<16xi32>, vector<16xi32>], vector<16xf32>,
        %parallel_loop3A_720 = arith.mulf %parallel_loop3A_643, %parallel_loop3A_719 : vector<16xf32>
        %parallel_loop3A_721 = arith.constant 8 : i32
        %parallel_loop3A_722 = arith.index_cast %parallel_loop3A_721 : i32 to index
        %parallel_loop3A_723 = arith.constant 0 : index
        %parallel_loop3A_724 = tpu.vector_load %arg9[%parallel_loop3A_722, %parallel_loop3A_723] {strides = array<i32>} : memref<32x16xf32, #tpu.memory_space<vmem>>, vector<16xf32>,
        tpu.vector_store %arg9[%parallel_loop3A_722, %parallel_loop3A_723], %parallel_loop3A_720 {add = true, strides = array<i32>} : memref<32x16xf32, #tpu.memory_space<vmem>>, vector<16xf32>,
        %parallel_loop3A_725 = arith.constant 9 : i32
        %parallel_loop3A_726 = vector.broadcast %parallel_loop3A_725 : i32 to vector<16xi32>
        %parallel_loop3A_727 = arith.addi %mul3A_3, %parallel_loop3A_726 : vector<16xi32>
        %parallel_loop3A_728 = tpu.vector_load_idx %arg8[%parallel_loop3A_727, %parallel_loop3A_642] : memref<512x128xf32, #tpu.memory_space<vmem>>[vector<16xi32>, vector<16xi32>], vector<16xf32>,
        %parallel_loop3A_729 = arith.mulf %parallel_loop3A_643, %parallel_loop3A_728 : vector<16xf32>
        %parallel_loop3A_730 = arith.constant 9 : i32
        %parallel_loop3A_731 = arith.index_cast %parallel_loop3A_730 : i32 to index
        %parallel_loop3A_732 = arith.constant 0 : index
        %parallel_loop3A_733 = tpu.vector_load %arg9[%parallel_loop3A_731, %parallel_loop3A_732] {strides = array<i32>} : memref<32x16xf32, #tpu.memory_space<vmem>>, vector<16xf32>,
        tpu.vector_store %arg9[%parallel_loop3A_731, %parallel_loop3A_732], %parallel_loop3A_729 {add = true, strides = array<i32>} : memref<32x16xf32, #tpu.memory_space<vmem>>, vector<16xf32>,
        %parallel_loop3A_734 = arith.constant 10 : i32
        %parallel_loop3A_735 = vector.broadcast %parallel_loop3A_734 : i32 to vector<16xi32>
        %parallel_loop3A_736 = arith.addi %mul3A_3, %parallel_loop3A_735 : vector<16xi32>
        %parallel_loop3A_737 = tpu.vector_load_idx %arg8[%parallel_loop3A_736, %parallel_loop3A_642] : memref<512x128xf32, #tpu.memory_space<vmem>>[vector<16xi32>, vector<16xi32>], vector<16xf32>,
        %parallel_loop3A_738 = arith.mulf %parallel_loop3A_643, %parallel_loop3A_737 : vector<16xf32>
        %parallel_loop3A_739 = arith.constant 10 : i32
        %parallel_loop3A_740 = arith.index_cast %parallel_loop3A_739 : i32 to index
        %parallel_loop3A_741 = arith.constant 0 : index
        %parallel_loop3A_742 = tpu.vector_load %arg9[%parallel_loop3A_740, %parallel_loop3A_741] {strides = array<i32>} : memref<32x16xf32, #tpu.memory_space<vmem>>, vector<16xf32>,
        tpu.vector_store %arg9[%parallel_loop3A_740, %parallel_loop3A_741], %parallel_loop3A_738 {add = true, strides = array<i32>} : memref<32x16xf32, #tpu.memory_space<vmem>>, vector<16xf32>,
        %parallel_loop3A_743 = arith.constant 11 : i32
        %parallel_loop3A_744 = vector.broadcast %parallel_loop3A_743 : i32 to vector<16xi32>
        %parallel_loop3A_745 = arith.addi %mul3A_3, %parallel_loop3A_744 : vector<16xi32>
        %parallel_loop3A_746 = tpu.vector_load_idx %arg8[%parallel_loop3A_745, %parallel_loop3A_642] : memref<512x128xf32, #tpu.memory_space<vmem>>[vector<16xi32>, vector<16xi32>], vector<16xf32>,
        %parallel_loop3A_747 = arith.mulf %parallel_loop3A_643, %parallel_loop3A_746 : vector<16xf32>
        %parallel_loop3A_748 = arith.constant 11 : i32
        %parallel_loop3A_749 = arith.index_cast %parallel_loop3A_748 : i32 to index
        %parallel_loop3A_750 = arith.constant 0 : index
        %parallel_loop3A_751 = tpu.vector_load %arg9[%parallel_loop3A_749, %parallel_loop3A_750] {strides = array<i32>} : memref<32x16xf32, #tpu.memory_space<vmem>>, vector<16xf32>,
        tpu.vector_store %arg9[%parallel_loop3A_749, %parallel_loop3A_750], %parallel_loop3A_747 {add = true, strides = array<i32>} : memref<32x16xf32, #tpu.memory_space<vmem>>, vector<16xf32>,
        %parallel_loop3A_752 = arith.constant 12 : i32
        %parallel_loop3A_753 = vector.broadcast %parallel_loop3A_752 : i32 to vector<16xi32>
        %parallel_loop3A_754 = arith.addi %mul3A_3, %parallel_loop3A_753 : vector<16xi32>
        %parallel_loop3A_755 = tpu.vector_load_idx %arg8[%parallel_loop3A_754, %parallel_loop3A_642] : memref<512x128xf32, #tpu.memory_space<vmem>>[vector<16xi32>, vector<16xi32>], vector<16xf32>,
        %parallel_loop3A_756 = arith.mulf %parallel_loop3A_643, %parallel_loop3A_755 : vector<16xf32>
        %parallel_loop3A_757 = arith.constant 12 : i32
        %parallel_loop3A_758 = arith.index_cast %parallel_loop3A_757 : i32 to index
        %parallel_loop3A_759 = arith.constant 0 : index
        %parallel_loop3A_760 = tpu.vector_load %arg9[%parallel_loop3A_758, %parallel_loop3A_759] {strides = array<i32>} : memref<32x16xf32, #tpu.memory_space<vmem>>, vector<16xf32>,
        tpu.vector_store %arg9[%parallel_loop3A_758, %parallel_loop3A_759], %parallel_loop3A_756 {add = true, strides = array<i32>} : memref<32x16xf32, #tpu.memory_space<vmem>>, vector<16xf32>,
        %parallel_loop3A_761 = arith.constant 13 : i32
        %parallel_loop3A_762 = vector.broadcast %parallel_loop3A_761 : i32 to vector<16xi32>
        %parallel_loop3A_763 = arith.addi %mul3A_3, %parallel_loop3A_762 : vector<16xi32>
        %parallel_loop3A_764 = tpu.vector_load_idx %arg8[%parallel_loop3A_763, %parallel_loop3A_642] : memref<512x128xf32, #tpu.memory_space<vmem>>[vector<16xi32>, vector<16xi32>], vector<16xf32>,
        %parallel_loop3A_765 = arith.mulf %parallel_loop3A_643, %parallel_loop3A_764 : vector<16xf32>
        %parallel_loop3A_766 = arith.constant 13 : i32
        %parallel_loop3A_767 = arith.index_cast %parallel_loop3A_766 : i32 to index
        %parallel_loop3A_768 = arith.constant 0 : index
        %parallel_loop3A_769 = tpu.vector_load %arg9[%parallel_loop3A_767, %parallel_loop3A_768] {strides = array<i32>} : memref<32x16xf32, #tpu.memory_space<vmem>>, vector<16xf32>,
        tpu.vector_store %arg9[%parallel_loop3A_767, %parallel_loop3A_768], %parallel_loop3A_765 {add = true, strides = array<i32>} : memref<32x16xf32, #tpu.memory_space<vmem>>, vector<16xf32>,
        %parallel_loop3A_770 = arith.constant 14 : i32
        %parallel_loop3A_771 = vector.broadcast %parallel_loop3A_770 : i32 to vector<16xi32>
        %parallel_loop3A_772 = arith.addi %mul3A_3, %parallel_loop3A_771 : vector<16xi32>
        %parallel_loop3A_773 = tpu.vector_load_idx %arg8[%parallel_loop3A_772, %parallel_loop3A_642] : memref<512x128xf32, #tpu.memory_space<vmem>>[vector<16xi32>, vector<16xi32>], vector<16xf32>,
        %parallel_loop3A_774 = arith.mulf %parallel_loop3A_643, %parallel_loop3A_773 : vector<16xf32>
        %parallel_loop3A_775 = arith.constant 14 : i32
        %parallel_loop3A_776 = arith.index_cast %parallel_loop3A_775 : i32 to index
        %parallel_loop3A_777 = arith.constant 0 : index
        %parallel_loop3A_778 = tpu.vector_load %arg9[%parallel_loop3A_776, %parallel_loop3A_777] {strides = array<i32>} : memref<32x16xf32, #tpu.memory_space<vmem>>, vector<16xf32>,
        tpu.vector_store %arg9[%parallel_loop3A_776, %parallel_loop3A_777], %parallel_loop3A_774 {add = true, strides = array<i32>} : memref<32x16xf32, #tpu.memory_space<vmem>>, vector<16xf32>,
        %parallel_loop3A_779 = arith.constant 15 : i32
        %parallel_loop3A_780 = vector.broadcast %parallel_loop3A_779 : i32 to vector<16xi32>
        %parallel_loop3A_781 = arith.addi %mul3A_3, %parallel_loop3A_780 : vector<16xi32>
        %parallel_loop3A_782 = tpu.vector_load_idx %arg8[%parallel_loop3A_781, %parallel_loop3A_642] : memref<512x128xf32, #tpu.memory_space<vmem>>[vector<16xi32>, vector<16xi32>], vector<16xf32>,
        %parallel_loop3A_783 = arith.mulf %parallel_loop3A_643, %parallel_loop3A_782 : vector<16xf32>
        %parallel_loop3A_784 = arith.constant 15 : i32
        %parallel_loop3A_785 = arith.index_cast %parallel_loop3A_784 : i32 to index
        %parallel_loop3A_786 = arith.constant 0 : index
        %parallel_loop3A_787 = tpu.vector_load %arg9[%parallel_loop3A_785, %parallel_loop3A_786] {strides = array<i32>} : memref<32x16xf32, #tpu.memory_space<vmem>>, vector<16xf32>,
        tpu.vector_store %arg9[%parallel_loop3A_785, %parallel_loop3A_786], %parallel_loop3A_783 {add = true, strides = array<i32>} : memref<32x16xf32, #tpu.memory_space<vmem>>, vector<16xf32>,
        %parallel_loop3A_788 = arith.constant 16 : i32
        %parallel_loop3A_789 = vector.broadcast %parallel_loop3A_788 : i32 to vector<16xi32>
        %parallel_loop3A_790 = arith.addi %mul3A_3, %parallel_loop3A_789 : vector<16xi32>
        %parallel_loop3A_791 = tpu.vector_load_idx %arg8[%parallel_loop3A_790, %parallel_loop3A_642] : memref<512x128xf32, #tpu.memory_space<vmem>>[vector<16xi32>, vector<16xi32>], vector<16xf32>,
        %parallel_loop3A_792 = arith.mulf %parallel_loop3A_643, %parallel_loop3A_791 : vector<16xf32>
        %parallel_loop3A_793 = arith.constant 16 : i32
        %parallel_loop3A_794 = arith.index_cast %parallel_loop3A_793 : i32 to index
        %parallel_loop3A_795 = arith.constant 0 : index
        %parallel_loop3A_796 = tpu.vector_load %arg9[%parallel_loop3A_794, %parallel_loop3A_795] {strides = array<i32>} : memref<32x16xf32, #tpu.memory_space<vmem>>, vector<16xf32>,
        tpu.vector_store %arg9[%parallel_loop3A_794, %parallel_loop3A_795], %parallel_loop3A_792 {add = true, strides = array<i32>} : memref<32x16xf32, #tpu.memory_space<vmem>>, vector<16xf32>,
        %parallel_loop3A_797 = arith.constant 17 : i32
        %parallel_loop3A_798 = vector.broadcast %parallel_loop3A_797 : i32 to vector<16xi32>
        %parallel_loop3A_799 = arith.addi %mul3A_3, %parallel_loop3A_798 : vector<16xi32>
        %parallel_loop3A_800 = tpu.vector_load_idx %arg8[%parallel_loop3A_799, %parallel_loop3A_642] : memref<512x128xf32, #tpu.memory_space<vmem>>[vector<16xi32>, vector<16xi32>], vector<16xf32>,
        %parallel_loop3A_801 = arith.mulf %parallel_loop3A_643, %parallel_loop3A_800 : vector<16xf32>
        %parallel_loop3A_802 = arith.constant 17 : i32
        %parallel_loop3A_803 = arith.index_cast %parallel_loop3A_802 : i32 to index
        %parallel_loop3A_804 = arith.constant 0 : index
        %parallel_loop3A_805 = tpu.vector_load %arg9[%parallel_loop3A_803, %parallel_loop3A_804] {strides = array<i32>} : memref<32x16xf32, #tpu.memory_space<vmem>>, vector<16xf32>,
        tpu.vector_store %arg9[%parallel_loop3A_803, %parallel_loop3A_804], %parallel_loop3A_801 {add = true, strides = array<i32>} : memref<32x16xf32, #tpu.memory_space<vmem>>, vector<16xf32>,
        %parallel_loop3A_806 = arith.constant 18 : i32
        %parallel_loop3A_807 = vector.broadcast %parallel_loop3A_806 : i32 to vector<16xi32>
        %parallel_loop3A_808 = arith.addi %mul3A_3, %parallel_loop3A_807 : vector<16xi32>
        %parallel_loop3A_809 = tpu.vector_load_idx %arg8[%parallel_loop3A_808, %parallel_loop3A_642] : memref<512x128xf32, #tpu.memory_space<vmem>>[vector<16xi32>, vector<16xi32>], vector<16xf32>,
        %parallel_loop3A_810 = arith.mulf %parallel_loop3A_643, %parallel_loop3A_809 : vector<16xf32>
        %parallel_loop3A_811 = arith.constant 18 : i32
        %parallel_loop3A_812 = arith.index_cast %parallel_loop3A_811 : i32 to index
        %parallel_loop3A_813 = arith.constant 0 : index
        %parallel_loop3A_814 = tpu.vector_load %arg9[%parallel_loop3A_812, %parallel_loop3A_813] {strides = array<i32>} : memref<32x16xf32, #tpu.memory_space<vmem>>, vector<16xf32>,
        tpu.vector_store %arg9[%parallel_loop3A_812, %parallel_loop3A_813], %parallel_loop3A_810 {add = true, strides = array<i32>} : memref<32x16xf32, #tpu.memory_space<vmem>>, vector<16xf32>,
        %parallel_loop3A_815 = arith.constant 19 : i32
        %parallel_loop3A_816 = vector.broadcast %parallel_loop3A_815 : i32 to vector<16xi32>
        %parallel_loop3A_817 = arith.addi %mul3A_3, %parallel_loop3A_816 : vector<16xi32>
        %parallel_loop3A_818 = tpu.vector_load_idx %arg8[%parallel_loop3A_817, %parallel_loop3A_642] : memref<512x128xf32, #tpu.memory_space<vmem>>[vector<16xi32>, vector<16xi32>], vector<16xf32>,
        %parallel_loop3A_819 = arith.mulf %parallel_loop3A_643, %parallel_loop3A_818 : vector<16xf32>
        %parallel_loop3A_820 = arith.constant 19 : i32
        %parallel_loop3A_821 = arith.index_cast %parallel_loop3A_820 : i32 to index
        %parallel_loop3A_822 = arith.constant 0 : index
        %parallel_loop3A_823 = tpu.vector_load %arg9[%parallel_loop3A_821, %parallel_loop3A_822] {strides = array<i32>} : memref<32x16xf32, #tpu.memory_space<vmem>>, vector<16xf32>,
        tpu.vector_store %arg9[%parallel_loop3A_821, %parallel_loop3A_822], %parallel_loop3A_819 {add = true, strides = array<i32>} : memref<32x16xf32, #tpu.memory_space<vmem>>, vector<16xf32>,
        %parallel_loop3A_824 = arith.constant 20 : i32
        %parallel_loop3A_825 = vector.broadcast %parallel_loop3A_824 : i32 to vector<16xi32>
        %parallel_loop3A_826 = arith.addi %mul3A_3, %parallel_loop3A_825 : vector<16xi32>
        %parallel_loop3A_827 = tpu.vector_load_idx %arg8[%parallel_loop3A_826, %parallel_loop3A_642] : memref<512x128xf32, #tpu.memory_space<vmem>>[vector<16xi32>, vector<16xi32>], vector<16xf32>,
        %parallel_loop3A_828 = arith.mulf %parallel_loop3A_643, %parallel_loop3A_827 : vector<16xf32>
        %parallel_loop3A_829 = arith.constant 20 : i32
        %parallel_loop3A_830 = arith.index_cast %parallel_loop3A_829 : i32 to index
        %parallel_loop3A_831 = arith.constant 0 : index
        %parallel_loop3A_832 = tpu.vector_load %arg9[%parallel_loop3A_830, %parallel_loop3A_831] {strides = array<i32>} : memref<32x16xf32, #tpu.memory_space<vmem>>, vector<16xf32>,
        tpu.vector_store %arg9[%parallel_loop3A_830, %parallel_loop3A_831], %parallel_loop3A_828 {add = true, strides = array<i32>} : memref<32x16xf32, #tpu.memory_space<vmem>>, vector<16xf32>,
        %parallel_loop3A_833 = arith.constant 21 : i32
        %parallel_loop3A_834 = vector.broadcast %parallel_loop3A_833 : i32 to vector<16xi32>
        %parallel_loop3A_835 = arith.addi %mul3A_3, %parallel_loop3A_834 : vector<16xi32>
        %parallel_loop3A_836 = tpu.vector_load_idx %arg8[%parallel_loop3A_835, %parallel_loop3A_642] : memref<512x128xf32, #tpu.memory_space<vmem>>[vector<16xi32>, vector<16xi32>], vector<16xf32>,
        %parallel_loop3A_837 = arith.mulf %parallel_loop3A_643, %parallel_loop3A_836 : vector<16xf32>
        %parallel_loop3A_838 = arith.constant 21 : i32
        %parallel_loop3A_839 = arith.index_cast %parallel_loop3A_838 : i32 to index
        %parallel_loop3A_840 = arith.constant 0 : index
        %parallel_loop3A_841 = tpu.vector_load %arg9[%parallel_loop3A_839, %parallel_loop3A_840] {strides = array<i32>} : memref<32x16xf32, #tpu.memory_space<vmem>>, vector<16xf32>,
        tpu.vector_store %arg9[%parallel_loop3A_839, %parallel_loop3A_840], %parallel_loop3A_837 {add = true, strides = array<i32>} : memref<32x16xf32, #tpu.memory_space<vmem>>, vector<16xf32>,
        %parallel_loop3A_842 = arith.constant 22 : i32
        %parallel_loop3A_843 = vector.broadcast %parallel_loop3A_842 : i32 to vector<16xi32>
        %parallel_loop3A_844 = arith.addi %mul3A_3, %parallel_loop3A_843 : vector<16xi32>
        %parallel_loop3A_845 = tpu.vector_load_idx %arg8[%parallel_loop3A_844, %parallel_loop3A_642] : memref<512x128xf32, #tpu.memory_space<vmem>>[vector<16xi32>, vector<16xi32>], vector<16xf32>,
        %parallel_loop3A_846 = arith.mulf %parallel_loop3A_643, %parallel_loop3A_845 : vector<16xf32>
        %parallel_loop3A_847 = arith.constant 22 : i32
        %parallel_loop3A_848 = arith.index_cast %parallel_loop3A_847 : i32 to index
        %parallel_loop3A_849 = arith.constant 0 : index
        %parallel_loop3A_850 = tpu.vector_load %arg9[%parallel_loop3A_848, %parallel_loop3A_849] {strides = array<i32>} : memref<32x16xf32, #tpu.memory_space<vmem>>, vector<16xf32>,
        tpu.vector_store %arg9[%parallel_loop3A_848, %parallel_loop3A_849], %parallel_loop3A_846 {add = true, strides = array<i32>} : memref<32x16xf32, #tpu.memory_space<vmem>>, vector<16xf32>,
        %parallel_loop3A_851 = arith.constant 23 : i32
        %parallel_loop3A_852 = vector.broadcast %parallel_loop3A_851 : i32 to vector<16xi32>
        %parallel_loop3A_853 = arith.addi %mul3A_3, %parallel_loop3A_852 : vector<16xi32>
        %parallel_loop3A_854 = tpu.vector_load_idx %arg8[%parallel_loop3A_853, %parallel_loop3A_642] : memref<512x128xf32, #tpu.memory_space<vmem>>[vector<16xi32>, vector<16xi32>], vector<16xf32>,
        %parallel_loop3A_855 = arith.mulf %parallel_loop3A_643, %parallel_loop3A_854 : vector<16xf32>
        %parallel_loop3A_856 = arith.constant 23 : i32
        %parallel_loop3A_857 = arith.index_cast %parallel_loop3A_856 : i32 to index
        %parallel_loop3A_858 = arith.constant 0 : index
        %parallel_loop3A_859 = tpu.vector_load %arg9[%parallel_loop3A_857, %parallel_loop3A_858] {strides = array<i32>} : memref<32x16xf32, #tpu.memory_space<vmem>>, vector<16xf32>,
        tpu.vector_store %arg9[%parallel_loop3A_857, %parallel_loop3A_858], %parallel_loop3A_855 {add = true, strides = array<i32>} : memref<32x16xf32, #tpu.memory_space<vmem>>, vector<16xf32>,
        %parallel_loop3A_860 = arith.constant 24 : i32
        %parallel_loop3A_861 = vector.broadcast %parallel_loop3A_860 : i32 to vector<16xi32>
        %parallel_loop3A_862 = arith.addi %mul3A_3, %parallel_loop3A_861 : vector<16xi32>
        %parallel_loop3A_863 = tpu.vector_load_idx %arg8[%parallel_loop3A_862, %parallel_loop3A_642] : memref<512x128xf32, #tpu.memory_space<vmem>>[vector<16xi32>, vector<16xi32>], vector<16xf32>,
        %parallel_loop3A_864 = arith.mulf %parallel_loop3A_643, %parallel_loop3A_863 : vector<16xf32>
        %parallel_loop3A_865 = arith.constant 24 : i32
        %parallel_loop3A_866 = arith.index_cast %parallel_loop3A_865 : i32 to index
        %parallel_loop3A_867 = arith.constant 0 : index
        %parallel_loop3A_868 = tpu.vector_load %arg9[%parallel_loop3A_866, %parallel_loop3A_867] {strides = array<i32>} : memref<32x16xf32, #tpu.memory_space<vmem>>, vector<16xf32>,
        tpu.vector_store %arg9[%parallel_loop3A_866, %parallel_loop3A_867], %parallel_loop3A_864 {add = true, strides = array<i32>} : memref<32x16xf32, #tpu.memory_space<vmem>>, vector<16xf32>,
        %parallel_loop3A_869 = arith.constant 25 : i32
        %parallel_loop3A_870 = vector.broadcast %parallel_loop3A_869 : i32 to vector<16xi32>
        %parallel_loop3A_871 = arith.addi %mul3A_3, %parallel_loop3A_870 : vector<16xi32>
        %parallel_loop3A_872 = tpu.vector_load_idx %arg8[%parallel_loop3A_871, %parallel_loop3A_642] : memref<512x128xf32, #tpu.memory_space<vmem>>[vector<16xi32>, vector<16xi32>], vector<16xf32>,
        %parallel_loop3A_873 = arith.mulf %parallel_loop3A_643, %parallel_loop3A_872 : vector<16xf32>
        %parallel_loop3A_874 = arith.constant 25 : i32
        %parallel_loop3A_875 = arith.index_cast %parallel_loop3A_874 : i32 to index
        %parallel_loop3A_876 = arith.constant 0 : index
        %parallel_loop3A_877 = tpu.vector_load %arg9[%parallel_loop3A_875, %parallel_loop3A_876] {strides = array<i32>} : memref<32x16xf32, #tpu.memory_space<vmem>>, vector<16xf32>,
        tpu.vector_store %arg9[%parallel_loop3A_875, %parallel_loop3A_876], %parallel_loop3A_873 {add = true, strides = array<i32>} : memref<32x16xf32, #tpu.memory_space<vmem>>, vector<16xf32>,
        %parallel_loop3A_878 = arith.constant 26 : i32
        %parallel_loop3A_879 = vector.broadcast %parallel_loop3A_878 : i32 to vector<16xi32>
        %parallel_loop3A_880 = arith.addi %mul3A_3, %parallel_loop3A_879 : vector<16xi32>
        %parallel_loop3A_881 = tpu.vector_load_idx %arg8[%parallel_loop3A_880, %parallel_loop3A_642] : memref<512x128xf32, #tpu.memory_space<vmem>>[vector<16xi32>, vector<16xi32>], vector<16xf32>,
        %parallel_loop3A_882 = arith.mulf %parallel_loop3A_643, %parallel_loop3A_881 : vector<16xf32>
        %parallel_loop3A_883 = arith.constant 26 : i32
        %parallel_loop3A_884 = arith.index_cast %parallel_loop3A_883 : i32 to index
        %parallel_loop3A_885 = arith.constant 0 : index
        %parallel_loop3A_886 = tpu.vector_load %arg9[%parallel_loop3A_884, %parallel_loop3A_885] {strides = array<i32>} : memref<32x16xf32, #tpu.memory_space<vmem>>, vector<16xf32>,
        tpu.vector_store %arg9[%parallel_loop3A_884, %parallel_loop3A_885], %parallel_loop3A_882 {add = true, strides = array<i32>} : memref<32x16xf32, #tpu.memory_space<vmem>>, vector<16xf32>,
        %parallel_loop3A_887 = arith.constant 27 : i32
        %parallel_loop3A_888 = vector.broadcast %parallel_loop3A_887 : i32 to vector<16xi32>
        %parallel_loop3A_889 = arith.addi %mul3A_3, %parallel_loop3A_888 : vector<16xi32>
        %parallel_loop3A_890 = tpu.vector_load_idx %arg8[%parallel_loop3A_889, %parallel_loop3A_642] : memref<512x128xf32, #tpu.memory_space<vmem>>[vector<16xi32>, vector<16xi32>], vector<16xf32>,
        %parallel_loop3A_891 = arith.mulf %parallel_loop3A_643, %parallel_loop3A_890 : vector<16xf32>
        %parallel_loop3A_892 = arith.constant 27 : i32
        %parallel_loop3A_893 = arith.index_cast %parallel_loop3A_892 : i32 to index
        %parallel_loop3A_894 = arith.constant 0 : index
        %parallel_loop3A_895 = tpu.vector_load %arg9[%parallel_loop3A_893, %parallel_loop3A_894] {strides = array<i32>} : memref<32x16xf32, #tpu.memory_space<vmem>>, vector<16xf32>,
        tpu.vector_store %arg9[%parallel_loop3A_893, %parallel_loop3A_894], %parallel_loop3A_891 {add = true, strides = array<i32>} : memref<32x16xf32, #tpu.memory_space<vmem>>, vector<16xf32>,
        %parallel_loop3A_896 = arith.constant 28 : i32
        %parallel_loop3A_897 = vector.broadcast %parallel_loop3A_896 : i32 to vector<16xi32>
        %parallel_loop3A_898 = arith.addi %mul3A_3, %parallel_loop3A_897 : vector<16xi32>
        %parallel_loop3A_899 = tpu.vector_load_idx %arg8[%parallel_loop3A_898, %parallel_loop3A_642] : memref<512x128xf32, #tpu.memory_space<vmem>>[vector<16xi32>, vector<16xi32>], vector<16xf32>,
        %parallel_loop3A_900 = arith.mulf %parallel_loop3A_643, %parallel_loop3A_899 : vector<16xf32>
        %parallel_loop3A_901 = arith.constant 28 : i32
        %parallel_loop3A_902 = arith.index_cast %parallel_loop3A_901 : i32 to index
        %parallel_loop3A_903 = arith.constant 0 : index
        %parallel_loop3A_904 = tpu.vector_load %arg9[%parallel_loop3A_902, %parallel_loop3A_903] {strides = array<i32>} : memref<32x16xf32, #tpu.memory_space<vmem>>, vector<16xf32>,
        tpu.vector_store %arg9[%parallel_loop3A_902, %parallel_loop3A_903], %parallel_loop3A_900 {add = true, strides = array<i32>} : memref<32x16xf32, #tpu.memory_space<vmem>>, vector<16xf32>,
        %parallel_loop3A_905 = arith.constant 29 : i32
        %parallel_loop3A_906 = vector.broadcast %parallel_loop3A_905 : i32 to vector<16xi32>
        %parallel_loop3A_907 = arith.addi %mul3A_3, %parallel_loop3A_906 : vector<16xi32>
        %parallel_loop3A_908 = tpu.vector_load_idx %arg8[%parallel_loop3A_907, %parallel_loop3A_642] : memref<512x128xf32, #tpu.memory_space<vmem>>[vector<16xi32>, vector<16xi32>], vector<16xf32>,
        %parallel_loop3A_909 = arith.mulf %parallel_loop3A_643, %parallel_loop3A_908 : vector<16xf32>
        %parallel_loop3A_910 = arith.constant 29 : i32
        %parallel_loop3A_911 = arith.index_cast %parallel_loop3A_910 : i32 to index
        %parallel_loop3A_912 = arith.constant 0 : index
        %parallel_loop3A_913 = tpu.vector_load %arg9[%parallel_loop3A_911, %parallel_loop3A_912] {strides = array<i32>} : memref<32x16xf32, #tpu.memory_space<vmem>>, vector<16xf32>,
        tpu.vector_store %arg9[%parallel_loop3A_911, %parallel_loop3A_912], %parallel_loop3A_909 {add = true, strides = array<i32>} : memref<32x16xf32, #tpu.memory_space<vmem>>, vector<16xf32>,
        %parallel_loop3A_914 = arith.constant 30 : i32
        %parallel_loop3A_915 = vector.broadcast %parallel_loop3A_914 : i32 to vector<16xi32>
        %parallel_loop3A_916 = arith.addi %mul3A_3, %parallel_loop3A_915 : vector<16xi32>
        %parallel_loop3A_917 = tpu.vector_load_idx %arg8[%parallel_loop3A_916, %parallel_loop3A_642] : memref<512x128xf32, #tpu.memory_space<vmem>>[vector<16xi32>, vector<16xi32>], vector<16xf32>,
        %parallel_loop3A_918 = arith.mulf %parallel_loop3A_643, %parallel_loop3A_917 : vector<16xf32>
        %parallel_loop3A_919 = arith.constant 30 : i32
        %parallel_loop3A_920 = arith.index_cast %parallel_loop3A_919 : i32 to index
        %parallel_loop3A_921 = arith.constant 0 : index
        %parallel_loop3A_922 = tpu.vector_load %arg9[%parallel_loop3A_920, %parallel_loop3A_921] {strides = array<i32>} : memref<32x16xf32, #tpu.memory_space<vmem>>, vector<16xf32>,
        tpu.vector_store %arg9[%parallel_loop3A_920, %parallel_loop3A_921], %parallel_loop3A_918 {add = true, strides = array<i32>} : memref<32x16xf32, #tpu.memory_space<vmem>>, vector<16xf32>,
        %parallel_loop3A_923 = arith.constant 31 : i32
        %parallel_loop3A_924 = vector.broadcast %parallel_loop3A_923 : i32 to vector<16xi32>
        %parallel_loop3A_925 = arith.addi %mul3A_3, %parallel_loop3A_924 : vector<16xi32>
        %parallel_loop3A_926 = tpu.vector_load_idx %arg8[%parallel_loop3A_925, %parallel_loop3A_642] : memref<512x128xf32, #tpu.memory_space<vmem>>[vector<16xi32>, vector<16xi32>], vector<16xf32>,
        %parallel_loop3A_927 = arith.mulf %parallel_loop3A_643, %parallel_loop3A_926 : vector<16xf32>
        %parallel_loop3A_928 = arith.constant 31 : i32
        %parallel_loop3A_929 = arith.index_cast %parallel_loop3A_928 : i32 to index
        %parallel_loop3A_930 = arith.constant 0 : index
        %parallel_loop3A_931 = tpu.vector_load %arg9[%parallel_loop3A_929, %parallel_loop3A_930] {strides = array<i32>} : memref<32x16xf32, #tpu.memory_space<vmem>>, vector<16xf32>,
        tpu.vector_store %arg9[%parallel_loop3A_929, %parallel_loop3A_930], %parallel_loop3A_927 {add = true, strides = array<i32>} : memref<32x16xf32, #tpu.memory_space<vmem>>, vector<16xf32>,
      } {sc.loop_unroll_factor = 1 : i64, sc.parallel_access}
      %get3A = arith.constant 0 : i32
      %get3A_253 = arith.index_cast %get3A : i32 to index
      %get3A_254 = arith.constant 0 : index
      %get3A_255 = tpu.vector_load %arg9[%get3A_253, %get3A_254] {strides = array<i32>} : memref<32x16xf32, #tpu.memory_space<vmem>>, vector<16xf32>,
      %mul3A_256 = arith.constant 1.250000e-01 : f32
      %mul3A_257 = vector.broadcast %mul3A_256 : f32 to vector<16xf32>
      %mul3A_258 = arith.mulf %get3A_255, %mul3A_257 : vector<16xf32>
      %get3A_259 = arith.constant 1 : i32
      %get3A_260 = arith.index_cast %get3A_259 : i32 to index
      %get3A_261 = arith.constant 0 : index
      %get3A_262 = tpu.vector_load %arg9[%get3A_260, %get3A_261] {strides = array<i32>} : memref<32x16xf32, #tpu.memory_space<vmem>>, vector<16xf32>,
      %mul3A_263 = arith.constant 1.250000e-01 : f32
      %mul3A_264 = vector.broadcast %mul3A_263 : f32 to vector<16xf32>
      %mul3A_265 = arith.mulf %get3A_262, %mul3A_264 : vector<16xf32>
      %get3A_266 = arith.constant 2 : i32
      %get3A_267 = arith.index_cast %get3A_266 : i32 to index
      %get3A_268 = arith.constant 0 : index
      %get3A_269 = tpu.vector_load %arg9[%get3A_267, %get3A_268] {strides = array<i32>} : memref<32x16xf32, #tpu.memory_space<vmem>>, vector<16xf32>,
      %mul3A_270 = arith.constant 1.250000e-01 : f32
      %mul3A_271 = vector.broadcast %mul3A_270 : f32 to vector<16xf32>
      %mul3A_272 = arith.mulf %get3A_269, %mul3A_271 : vector<16xf32>
      %get3A_273 = arith.constant 3 : i32
      %get3A_274 = arith.index_cast %get3A_273 : i32 to index
      %get3A_275 = arith.constant 0 : index
      %get3A_276 = tpu.vector_load %arg9[%get3A_274, %get3A_275] {strides = array<i32>} : memref<32x16xf32, #tpu.memory_space<vmem>>, vector<16xf32>,
      %mul3A_277 = arith.constant 1.250000e-01 : f32
      %mul3A_278 = vector.broadcast %mul3A_277 : f32 to vector<16xf32>
      %mul3A_279 = arith.mulf %get3A_276, %mul3A_278 : vector<16xf32>
      %get3A_280 = arith.constant 4 : i32
      %get3A_281 = arith.index_cast %get3A_280 : i32 to index
      %get3A_282 = arith.constant 0 : index
      %get3A_283 = tpu.vector_load %arg9[%get3A_281, %get3A_282] {strides = array<i32>} : memref<32x16xf32, #tpu.memory_space<vmem>>, vector<16xf32>,
      %mul3A_284 = arith.constant 1.250000e-01 : f32
      %mul3A_285 = vector.broadcast %mul3A_284 : f32 to vector<16xf32>
      %mul3A_286 = arith.mulf %get3A_283, %mul3A_285 : vector<16xf32>
      %get3A_287 = arith.constant 5 : i32
      %get3A_288 = arith.index_cast %get3A_287 : i32 to index
      %get3A_289 = arith.constant 0 : index
      %get3A_290 = tpu.vector_load %arg9[%get3A_288, %get3A_289] {strides = array<i32>} : memref<32x16xf32, #tpu.memory_space<vmem>>, vector<16xf32>,
      %mul3A_291 = arith.constant 1.250000e-01 : f32
      %mul3A_292 = vector.broadcast %mul3A_291 : f32 to vector<16xf32>
      %mul3A_293 = arith.mulf %get3A_290, %mul3A_292 : vector<16xf32>
      %get3A_294 = arith.constant 6 : i32
      %get3A_295 = arith.index_cast %get3A_294 : i32 to index
      %get3A_296 = arith.constant 0 : index
      %get3A_297 = tpu.vector_load %arg9[%get3A_295, %get3A_296] {strides = array<i32>} : memref<32x16xf32, #tpu.memory_space<vmem>>, vector<16xf32>,
      %mul3A_298 = arith.constant 1.250000e-01 : f32
      %mul3A_299 = vector.broadcast %mul3A_298 : f32 to vector<16xf32>
      %mul3A_300 = arith.mulf %get3A_297, %mul3A_299 : vector<16xf32>
      %get3A_301 = arith.constant 7 : i32
      %get3A_302 = arith.index_cast %get3A_301 : i32 to index
      %get3A_303 = arith.constant 0 : index
      %get3A_304 = tpu.vector_load %arg9[%get3A_302, %get3A_303] {strides = array<i32>} : memref<32x16xf32, #tpu.memory_space<vmem>>, vector<16xf32>,
      %mul3A_305 = arith.constant 1.250000e-01 : f32
      %mul3A_306 = vector.broadcast %mul3A_305 : f32 to vector<16xf32>
      %mul3A_307 = arith.mulf %get3A_304, %mul3A_306 : vector<16xf32>
      %get3A_308 = arith.constant 8 : i32
      %get3A_309 = arith.index_cast %get3A_308 : i32 to index
      %get3A_310 = arith.constant 0 : index
      %get3A_311 = tpu.vector_load %arg9[%get3A_309, %get3A_310] {strides = array<i32>} : memref<32x16xf32, #tpu.memory_space<vmem>>, vector<16xf32>,
      %mul3A_312 = arith.constant 1.250000e-01 : f32
      %mul3A_313 = vector.broadcast %mul3A_312 : f32 to vector<16xf32>
      %mul3A_314 = arith.mulf %get3A_311, %mul3A_313 : vector<16xf32>
      %get3A_315 = arith.constant 9 : i32
      %get3A_316 = arith.index_cast %get3A_315 : i32 to index
      %get3A_317 = arith.constant 0 : index
      %get3A_318 = tpu.vector_load %arg9[%get3A_316, %get3A_317] {strides = array<i32>} : memref<32x16xf32, #tpu.memory_space<vmem>>, vector<16xf32>,
      %mul3A_319 = arith.constant 1.250000e-01 : f32
      %mul3A_320 = vector.broadcast %mul3A_319 : f32 to vector<16xf32>
      %mul3A_321 = arith.mulf %get3A_318, %mul3A_320 : vector<16xf32>
      %get3A_322 = arith.constant 10 : i32
      %get3A_323 = arith.index_cast %get3A_322 : i32 to index
      %get3A_324 = arith.constant 0 : index
      %get3A_325 = tpu.vector_load %arg9[%get3A_323, %get3A_324] {strides = array<i32>} : memref<32x16xf32, #tpu.memory_space<vmem>>, vector<16xf32>,
      %mul3A_326 = arith.constant 1.250000e-01 : f32
      %mul3A_327 = vector.broadcast %mul3A_326 : f32 to vector<16xf32>
      %mul3A_328 = arith.mulf %get3A_325, %mul3A_327 : vector<16xf32>
      %get3A_329 = arith.constant 11 : i32
      %get3A_330 = arith.index_cast %get3A_329 : i32 to index
      %get3A_331 = arith.constant 0 : index
      %get3A_332 = tpu.vector_load %arg9[%get3A_330, %get3A_331] {strides = array<i32>} : memref<32x16xf32, #tpu.memory_space<vmem>>, vector<16xf32>,
      %mul3A_333 = arith.constant 1.250000e-01 : f32
      %mul3A_334 = vector.broadcast %mul3A_333 : f32 to vector<16xf32>
      %mul3A_335 = arith.mulf %get3A_332, %mul3A_334 : vector<16xf32>
      %get3A_336 = arith.constant 12 : i32
      %get3A_337 = arith.index_cast %get3A_336 : i32 to index
      %get3A_338 = arith.constant 0 : index
      %get3A_339 = tpu.vector_load %arg9[%get3A_337, %get3A_338] {strides = array<i32>} : memref<32x16xf32, #tpu.memory_space<vmem>>, vector<16xf32>,
      %mul3A_340 = arith.constant 1.250000e-01 : f32
      %mul3A_341 = vector.broadcast %mul3A_340 : f32 to vector<16xf32>
      %mul3A_342 = arith.mulf %get3A_339, %mul3A_341 : vector<16xf32>
      %get3A_343 = arith.constant 13 : i32
      %get3A_344 = arith.index_cast %get3A_343 : i32 to index
      %get3A_345 = arith.constant 0 : index
      %get3A_346 = tpu.vector_load %arg9[%get3A_344, %get3A_345] {strides = array<i32>} : memref<32x16xf32, #tpu.memory_space<vmem>>, vector<16xf32>,
      %mul3A_347 = arith.constant 1.250000e-01 : f32
      %mul3A_348 = vector.broadcast %mul3A_347 : f32 to vector<16xf32>
      %mul3A_349 = arith.mulf %get3A_346, %mul3A_348 : vector<16xf32>
      %get3A_350 = arith.constant 14 : i32
      %get3A_351 = arith.index_cast %get3A_350 : i32 to index
      %get3A_352 = arith.constant 0 : index
      %get3A_353 = tpu.vector_load %arg9[%get3A_351, %get3A_352] {strides = array<i32>} : memref<32x16xf32, #tpu.memory_space<vmem>>, vector<16xf32>,
      %mul3A_354 = arith.constant 1.250000e-01 : f32
      %mul3A_355 = vector.broadcast %mul3A_354 : f32 to vector<16xf32>
      %mul3A_356 = arith.mulf %get3A_353, %mul3A_355 : vector<16xf32>
      %get3A_357 = arith.constant 15 : i32
      %get3A_358 = arith.index_cast %get3A_357 : i32 to index
      %get3A_359 = arith.constant 0 : index
      %get3A_360 = tpu.vector_load %arg9[%get3A_358, %get3A_359] {strides = array<i32>} : memref<32x16xf32, #tpu.memory_space<vmem>>, vector<16xf32>,
      %mul3A_361 = arith.constant 1.250000e-01 : f32
      %mul3A_362 = vector.broadcast %mul3A_361 : f32 to vector<16xf32>
      %mul3A_363 = arith.mulf %get3A_360, %mul3A_362 : vector<16xf32>
      %get3A_364 = arith.constant 16 : i32
      %get3A_365 = arith.index_cast %get3A_364 : i32 to index
      %get3A_366 = arith.constant 0 : index
      %get3A_367 = tpu.vector_load %arg9[%get3A_365, %get3A_366] {strides = array<i32>} : memref<32x16xf32, #tpu.memory_space<vmem>>, vector<16xf32>,
      %mul3A_368 = arith.constant 1.250000e-01 : f32
      %mul3A_369 = vector.broadcast %mul3A_368 : f32 to vector<16xf32>
      %mul3A_370 = arith.mulf %get3A_367, %mul3A_369 : vector<16xf32>
      %get3A_371 = arith.constant 17 : i32
      %get3A_372 = arith.index_cast %get3A_371 : i32 to index
      %get3A_373 = arith.constant 0 : index
      %get3A_374 = tpu.vector_load %arg9[%get3A_372, %get3A_373] {strides = array<i32>} : memref<32x16xf32, #tpu.memory_space<vmem>>, vector<16xf32>,
      %mul3A_375 = arith.constant 1.250000e-01 : f32
      %mul3A_376 = vector.broadcast %mul3A_375 : f32 to vector<16xf32>
      %mul3A_377 = arith.mulf %get3A_374, %mul3A_376 : vector<16xf32>
      %get3A_378 = arith.constant 18 : i32
      %get3A_379 = arith.index_cast %get3A_378 : i32 to index
      %get3A_380 = arith.constant 0 : index
      %get3A_381 = tpu.vector_load %arg9[%get3A_379, %get3A_380] {strides = array<i32>} : memref<32x16xf32, #tpu.memory_space<vmem>>, vector<16xf32>,
      %mul3A_382 = arith.constant 1.250000e-01 : f32
      %mul3A_383 = vector.broadcast %mul3A_382 : f32 to vector<16xf32>
      %mul3A_384 = arith.mulf %get3A_381, %mul3A_383 : vector<16xf32>
      %get3A_385 = arith.constant 19 : i32
      %get3A_386 = arith.index_cast %get3A_385 : i32 to index
      %get3A_387 = arith.constant 0 : index
      %get3A_388 = tpu.vector_load %arg9[%get3A_386, %get3A_387] {strides = array<i32>} : memref<32x16xf32, #tpu.memory_space<vmem>>, vector<16xf32>,
      %mul3A_389 = arith.constant 1.250000e-01 : f32
      %mul3A_390 = vector.broadcast %mul3A_389 : f32 to vector<16xf32>
      %mul3A_391 = arith.mulf %get3A_388, %mul3A_390 : vector<16xf32>
      %get3A_392 = arith.constant 20 : i32
      %get3A_393 = arith.index_cast %get3A_392 : i32 to index
      %get3A_394 = arith.constant 0 : index
      %get3A_395 = tpu.vector_load %arg9[%get3A_393, %get3A_394] {strides = array<i32>} : memref<32x16xf32, #tpu.memory_space<vmem>>, vector<16xf32>,
      %mul3A_396 = arith.constant 1.250000e-01 : f32
      %mul3A_397 = vector.broadcast %mul3A_396 : f32 to vector<16xf32>
      %mul3A_398 = arith.mulf %get3A_395, %mul3A_397 : vector<16xf32>
      %get3A_399 = arith.constant 21 : i32
      %get3A_400 = arith.index_cast %get3A_399 : i32 to index
      %get3A_401 = arith.constant 0 : index
      %get3A_402 = tpu.vector_load %arg9[%get3A_400, %get3A_401] {strides = array<i32>} : memref<32x16xf32, #tpu.memory_space<vmem>>, vector<16xf32>,
      %mul3A_403 = arith.constant 1.250000e-01 : f32
      %mul3A_404 = vector.broadcast %mul3A_403 : f32 to vector<16xf32>
      %mul3A_405 = arith.mulf %get3A_402, %mul3A_404 : vector<16xf32>
      %get3A_406 = arith.constant 22 : i32
      %get3A_407 = arith.index_cast %get3A_406 : i32 to index
      %get3A_408 = arith.constant 0 : index
      %get3A_409 = tpu.vector_load %arg9[%get3A_407, %get3A_408] {strides = array<i32>} : memref<32x16xf32, #tpu.memory_space<vmem>>, vector<16xf32>,
      %mul3A_410 = arith.constant 1.250000e-01 : f32
      %mul3A_411 = vector.broadcast %mul3A_410 : f32 to vector<16xf32>
      %mul3A_412 = arith.mulf %get3A_409, %mul3A_411 : vector<16xf32>
      %get3A_413 = arith.constant 23 : i32
      %get3A_414 = arith.index_cast %get3A_413 : i32 to index
      %get3A_415 = arith.constant 0 : index
      %get3A_416 = tpu.vector_load %arg9[%get3A_414, %get3A_415] {strides = array<i32>} : memref<32x16xf32, #tpu.memory_space<vmem>>, vector<16xf32>,
      %mul3A_417 = arith.constant 1.250000e-01 : f32
      %mul3A_418 = vector.broadcast %mul3A_417 : f32 to vector<16xf32>
      %mul3A_419 = arith.mulf %get3A_416, %mul3A_418 : vector<16xf32>
      %get3A_420 = arith.constant 24 : i32
      %get3A_421 = arith.index_cast %get3A_420 : i32 to index
      %get3A_422 = arith.constant 0 : index
      %get3A_423 = tpu.vector_load %arg9[%get3A_421, %get3A_422] {strides = array<i32>} : memref<32x16xf32, #tpu.memory_space<vmem>>, vector<16xf32>,
      %mul3A_424 = arith.constant 1.250000e-01 : f32
      %mul3A_425 = vector.broadcast %mul3A_424 : f32 to vector<16xf32>
      %mul3A_426 = arith.mulf %get3A_423, %mul3A_425 : vector<16xf32>
      %get3A_427 = arith.constant 25 : i32
      %get3A_428 = arith.index_cast %get3A_427 : i32 to index
      %get3A_429 = arith.constant 0 : index
      %get3A_430 = tpu.vector_load %arg9[%get3A_428, %get3A_429] {strides = array<i32>} : memref<32x16xf32, #tpu.memory_space<vmem>>, vector<16xf32>,
      %mul3A_431 = arith.constant 1.250000e-01 : f32
      %mul3A_432 = vector.broadcast %mul3A_431 : f32 to vector<16xf32>
      %mul3A_433 = arith.mulf %get3A_430, %mul3A_432 : vector<16xf32>
      %get3A_434 = arith.constant 26 : i32
      %get3A_435 = arith.index_cast %get3A_434 : i32 to index
      %get3A_436 = arith.constant 0 : index
      %get3A_437 = tpu.vector_load %arg9[%get3A_435, %get3A_436] {strides = array<i32>} : memref<32x16xf32, #tpu.memory_space<vmem>>, vector<16xf32>,
      %mul3A_438 = arith.constant 1.250000e-01 : f32
      %mul3A_439 = vector.broadcast %mul3A_438 : f32 to vector<16xf32>
      %mul3A_440 = arith.mulf %get3A_437, %mul3A_439 : vector<16xf32>
      %get3A_441 = arith.constant 27 : i32
      %get3A_442 = arith.index_cast %get3A_441 : i32 to index
      %get3A_443 = arith.constant 0 : index
      %get3A_444 = tpu.vector_load %arg9[%get3A_442, %get3A_443] {strides = array<i32>} : memref<32x16xf32, #tpu.memory_space<vmem>>, vector<16xf32>,
      %mul3A_445 = arith.constant 1.250000e-01 : f32
      %mul3A_446 = vector.broadcast %mul3A_445 : f32 to vector<16xf32>
      %mul3A_447 = arith.mulf %get3A_444, %mul3A_446 : vector<16xf32>
      %get3A_448 = arith.constant 28 : i32
      %get3A_449 = arith.index_cast %get3A_448 : i32 to index
      %get3A_450 = arith.constant 0 : index
      %get3A_451 = tpu.vector_load %arg9[%get3A_449, %get3A_450] {strides = array<i32>} : memref<32x16xf32, #tpu.memory_space<vmem>>, vector<16xf32>,
      %mul3A_452 = arith.constant 1.250000e-01 : f32
      %mul3A_453 = vector.broadcast %mul3A_452 : f32 to vector<16xf32>
      %mul3A_454 = arith.mulf %get3A_451, %mul3A_453 : vector<16xf32>
      %get3A_455 = arith.constant 29 : i32
      %get3A_456 = arith.index_cast %get3A_455 : i32 to index
      %get3A_457 = arith.constant 0 : index
      %get3A_458 = tpu.vector_load %arg9[%get3A_456, %get3A_457] {strides = array<i32>} : memref<32x16xf32, #tpu.memory_space<vmem>>, vector<16xf32>,
      %mul3A_459 = arith.constant 1.250000e-01 : f32
      %mul3A_460 = vector.broadcast %mul3A_459 : f32 to vector<16xf32>
      %mul3A_461 = arith.mulf %get3A_458, %mul3A_460 : vector<16xf32>
      %get3A_462 = arith.constant 30 : i32
      %get3A_463 = arith.index_cast %get3A_462 : i32 to index
      %get3A_464 = arith.constant 0 : index
      %get3A_465 = tpu.vector_load %arg9[%get3A_463, %get3A_464] {strides = array<i32>} : memref<32x16xf32, #tpu.memory_space<vmem>>, vector<16xf32>,
      %mul3A_466 = arith.constant 1.250000e-01 : f32
      %mul3A_467 = vector.broadcast %mul3A_466 : f32 to vector<16xf32>
      %mul3A_468 = arith.mulf %get3A_465, %mul3A_467 : vector<16xf32>
      %get3A_469 = arith.constant 31 : i32
      %get3A_470 = arith.index_cast %get3A_469 : i32 to index
      %get3A_471 = arith.constant 0 : index
      %get3A_472 = tpu.vector_load %arg9[%get3A_470, %get3A_471] {strides = array<i32>} : memref<32x16xf32, #tpu.memory_space<vmem>>, vector<16xf32>,
      %mul3A_473 = arith.constant 1.250000e-01 : f32
      %mul3A_474 = vector.broadcast %mul3A_473 : f32 to vector<16xf32>
      %mul3A_475 = arith.mulf %get3A_472, %mul3A_474 : vector<16xf32>
      %max3A = arith.maximumf %mul3A_258, %mul3A_265 : vector<16xf32>
      %max3A_476 = arith.maximumf %mul3A_272, %mul3A_279 : vector<16xf32>
      %max3A_477 = arith.maximumf %mul3A_286, %mul3A_293 : vector<16xf32>
      %max3A_478 = arith.maximumf %mul3A_300, %mul3A_307 : vector<16xf32>
      %max3A_479 = arith.maximumf %mul3A_314, %mul3A_321 : vector<16xf32>
      %max3A_480 = arith.maximumf %mul3A_328, %mul3A_335 : vector<16xf32>
      %max3A_481 = arith.maximumf %mul3A_342, %mul3A_349 : vector<16xf32>
      %max3A_482 = arith.maximumf %mul3A_356, %mul3A_363 : vector<16xf32>
      %max3A_483 = arith.maximumf %mul3A_370, %mul3A_377 : vector<16xf32>
      %max3A_484 = arith.maximumf %mul3A_384, %mul3A_391 : vector<16xf32>
      %max3A_485 = arith.maximumf %mul3A_398, %mul3A_405 : vector<16xf32>
      %max3A_486 = arith.maximumf %mul3A_412, %mul3A_419 : vector<16xf32>
      %max3A_487 = arith.maximumf %mul3A_426, %mul3A_433 : vector<16xf32>
      %max3A_488 = arith.maximumf %mul3A_440, %mul3A_447 : vector<16xf32>
      %max3A_489 = arith.maximumf %mul3A_454, %mul3A_461 : vector<16xf32>
      %max3A_490 = arith.maximumf %mul3A_468, %mul3A_475 : vector<16xf32>
      %max3A_491 = arith.maximumf %max3A, %max3A_476 : vector<16xf32>
      %max3A_492 = arith.maximumf %max3A_477, %max3A_478 : vector<16xf32>
      %max3A_493 = arith.maximumf %max3A_479, %max3A_480 : vector<16xf32>
      %max3A_494 = arith.maximumf %max3A_481, %max3A_482 : vector<16xf32>
      %max3A_495 = arith.maximumf %max3A_483, %max3A_484 : vector<16xf32>
      %max3A_496 = arith.maximumf %max3A_485, %max3A_486 : vector<16xf32>
      %max3A_497 = arith.maximumf %max3A_487, %max3A_488 : vector<16xf32>
      %max3A_498 = arith.maximumf %max3A_489, %max3A_490 : vector<16xf32>
      %max3A_499 = arith.maximumf %max3A_491, %max3A_492 : vector<16xf32>
      %max3A_500 = arith.maximumf %max3A_493, %max3A_494 : vector<16xf32>
      %max3A_501 = arith.maximumf %max3A_495, %max3A_496 : vector<16xf32>
      %max3A_502 = arith.maximumf %max3A_497, %max3A_498 : vector<16xf32>
      %max3A_503 = arith.maximumf %max3A_499, %max3A_500 : vector<16xf32>
      %max3A_504 = arith.maximumf %max3A_501, %max3A_502 : vector<16xf32>
      %max3A_505 = arith.maximumf %max3A_503, %max3A_504 : vector<16xf32>
      %sub3A_506 = arith.subf %mul3A_258, %max3A_505 : vector<16xf32>
      %exp3A = math.exp %sub3A_506 : vector<16xf32>
      %sub3A_507 = arith.subf %mul3A_265, %max3A_505 : vector<16xf32>
      %exp3A_508 = math.exp %sub3A_507 : vector<16xf32>
      %sub3A_509 = arith.subf %mul3A_272, %max3A_505 : vector<16xf32>
      %exp3A_510 = math.exp %sub3A_509 : vector<16xf32>
      %sub3A_511 = arith.subf %mul3A_279, %max3A_505 : vector<16xf32>
      %exp3A_512 = math.exp %sub3A_511 : vector<16xf32>
      %sub3A_513 = arith.subf %mul3A_286, %max3A_505 : vector<16xf32>
      %exp3A_514 = math.exp %sub3A_513 : vector<16xf32>
      %sub3A_515 = arith.subf %mul3A_293, %max3A_505 : vector<16xf32>
      %exp3A_516 = math.exp %sub3A_515 : vector<16xf32>
      %sub3A_517 = arith.subf %mul3A_300, %max3A_505 : vector<16xf32>
      %exp3A_518 = math.exp %sub3A_517 : vector<16xf32>
      %sub3A_519 = arith.subf %mul3A_307, %max3A_505 : vector<16xf32>
      %exp3A_520 = math.exp %sub3A_519 : vector<16xf32>
      %sub3A_521 = arith.subf %mul3A_314, %max3A_505 : vector<16xf32>
      %exp3A_522 = math.exp %sub3A_521 : vector<16xf32>
      %sub3A_523 = arith.subf %mul3A_321, %max3A_505 : vector<16xf32>
      %exp3A_524 = math.exp %sub3A_523 : vector<16xf32>
      %sub3A_525 = arith.subf %mul3A_328, %max3A_505 : vector<16xf32>
      %exp3A_526 = math.exp %sub3A_525 : vector<16xf32>
      %sub3A_527 = arith.subf %mul3A_335, %max3A_505 : vector<16xf32>
      %exp3A_528 = math.exp %sub3A_527 : vector<16xf32>
      %sub3A_529 = arith.subf %mul3A_342, %max3A_505 : vector<16xf32>
      %exp3A_530 = math.exp %sub3A_529 : vector<16xf32>
      %sub3A_531 = arith.subf %mul3A_349, %max3A_505 : vector<16xf32>
      %exp3A_532 = math.exp %sub3A_531 : vector<16xf32>
      %sub3A_533 = arith.subf %mul3A_356, %max3A_505 : vector<16xf32>
      %exp3A_534 = math.exp %sub3A_533 : vector<16xf32>
      %sub3A_535 = arith.subf %mul3A_363, %max3A_505 : vector<16xf32>
      %exp3A_536 = math.exp %sub3A_535 : vector<16xf32>
      %sub3A_537 = arith.subf %mul3A_370, %max3A_505 : vector<16xf32>
      %exp3A_538 = math.exp %sub3A_537 : vector<16xf32>
      %sub3A_539 = arith.subf %mul3A_377, %max3A_505 : vector<16xf32>
      %exp3A_540 = math.exp %sub3A_539 : vector<16xf32>
      %sub3A_541 = arith.subf %mul3A_384, %max3A_505 : vector<16xf32>
      %exp3A_542 = math.exp %sub3A_541 : vector<16xf32>
      %sub3A_543 = arith.subf %mul3A_391, %max3A_505 : vector<16xf32>
      %exp3A_544 = math.exp %sub3A_543 : vector<16xf32>
      %sub3A_545 = arith.subf %mul3A_398, %max3A_505 : vector<16xf32>
      %exp3A_546 = math.exp %sub3A_545 : vector<16xf32>
      %sub3A_547 = arith.subf %mul3A_405, %max3A_505 : vector<16xf32>
      %exp3A_548 = math.exp %sub3A_547 : vector<16xf32>
      %sub3A_549 = arith.subf %mul3A_412, %max3A_505 : vector<16xf32>
      %exp3A_550 = math.exp %sub3A_549 : vector<16xf32>
      %sub3A_551 = arith.subf %mul3A_419, %max3A_505 : vector<16xf32>
      %exp3A_552 = math.exp %sub3A_551 : vector<16xf32>
      %sub3A_553 = arith.subf %mul3A_426, %max3A_505 : vector<16xf32>
      %exp3A_554 = math.exp %sub3A_553 : vector<16xf32>
      %sub3A_555 = arith.subf %mul3A_433, %max3A_505 : vector<16xf32>
      %exp3A_556 = math.exp %sub3A_555 : vector<16xf32>
      %sub3A_557 = arith.subf %mul3A_440, %max3A_505 : vector<16xf32>
      %exp3A_558 = math.exp %sub3A_557 : vector<16xf32>
      %sub3A_559 = arith.subf %mul3A_447, %max3A_505 : vector<16xf32>
      %exp3A_560 = math.exp %sub3A_559 : vector<16xf32>
      %sub3A_561 = arith.subf %mul3A_454, %max3A_505 : vector<16xf32>
      %exp3A_562 = math.exp %sub3A_561 : vector<16xf32>
      %sub3A_563 = arith.subf %mul3A_461, %max3A_505 : vector<16xf32>
      %exp3A_564 = math.exp %sub3A_563 : vector<16xf32>
      %sub3A_565 = arith.subf %mul3A_468, %max3A_505 : vector<16xf32>
      %exp3A_566 = math.exp %sub3A_565 : vector<16xf32>
      %sub3A_567 = arith.subf %mul3A_475, %max3A_505 : vector<16xf32>
      %exp3A_568 = math.exp %sub3A_567 : vector<16xf32>
      %add3A_569 = arith.addf %exp3A, %exp3A_508 : vector<16xf32>
      %add3A_570 = arith.addf %exp3A_510, %exp3A_512 : vector<16xf32>
      %add3A_571 = arith.addf %exp3A_514, %exp3A_516 : vector<16xf32>
      %add3A_572 = arith.addf %exp3A_518, %exp3A_520 : vector<16xf32>
      %add3A_573 = arith.addf %exp3A_522, %exp3A_524 : vector<16xf32>
      %add3A_574 = arith.addf %exp3A_526, %exp3A_528 : vector<16xf32>
      %add3A_575 = arith.addf %exp3A_530, %exp3A_532 : vector<16xf32>
      %add3A_576 = arith.addf %exp3A_534, %exp3A_536 : vector<16xf32>
      %add3A_577 = arith.addf %exp3A_538, %exp3A_540 : vector<16xf32>
      %add3A_578 = arith.addf %exp3A_542, %exp3A_544 : vector<16xf32>
      %add3A_579 = arith.addf %exp3A_546, %exp3A_548 : vector<16xf32>
      %add3A_580 = arith.addf %exp3A_550, %exp3A_552 : vector<16xf32>
      %add3A_581 = arith.addf %exp3A_554, %exp3A_556 : vector<16xf32>
      %add3A_582 = arith.addf %exp3A_558, %exp3A_560 : vector<16xf32>
      %add3A_583 = arith.addf %exp3A_562, %exp3A_564 : vector<16xf32>
      %add3A_584 = arith.addf %exp3A_566, %exp3A_568 : vector<16xf32>
      %add3A_585 = arith.addf %add3A_569, %add3A_570 : vector<16xf32>
      %add3A_586 = arith.addf %add3A_571, %add3A_572 : vector<16xf32>
      %add3A_587 = arith.addf %add3A_573, %add3A_574 : vector<16xf32>
      %add3A_588 = arith.addf %add3A_575, %add3A_576 : vector<16xf32>
      %add3A_589 = arith.addf %add3A_577, %add3A_578 : vector<16xf32>
      %add3A_590 = arith.addf %add3A_579, %add3A_580 : vector<16xf32>
      %add3A_591 = arith.addf %add3A_581, %add3A_582 : vector<16xf32>
      %add3A_592 = arith.addf %add3A_583, %add3A_584 : vector<16xf32>
      %add3A_593 = arith.addf %add3A_585, %add3A_586 : vector<16xf32>
      %add3A_594 = arith.addf %add3A_587, %add3A_588 : vector<16xf32>
      %add3A_595 = arith.addf %add3A_589, %add3A_590 : vector<16xf32>
      %add3A_596 = arith.addf %add3A_591, %add3A_592 : vector<16xf32>
      %add3A_597 = arith.addf %add3A_593, %add3A_594 : vector<16xf32>
      %add3A_598 = arith.addf %add3A_595, %add3A_596 : vector<16xf32>
      %add3A_599 = arith.addf %add3A_597, %add3A_598 : vector<16xf32>
      %div3A_600 = arith.constant 1.000000e+00 : f32
      %div3A_601 = vector.broadcast %div3A_600 : f32 to vector<16xf32>
      %div3A_602 = arith.divf %div3A_601, %add3A_599 : vector<16xf32>
      %mul3A_603 = arith.mulf %exp3A, %div3A_602 : vector<16xf32>
      %mul3A_604 = arith.mulf %exp3A_508, %div3A_602 : vector<16xf32>
      %mul3A_605 = arith.mulf %exp3A_510, %div3A_602 : vector<16xf32>
      %mul3A_606 = arith.mulf %exp3A_512, %div3A_602 : vector<16xf32>
      %mul3A_607 = arith.mulf %exp3A_514, %div3A_602 : vector<16xf32>
      %mul3A_608 = arith.mulf %exp3A_516, %div3A_602 : vector<16xf32>
      %mul3A_609 = arith.mulf %exp3A_518, %div3A_602 : vector<16xf32>
      %mul3A_610 = arith.mulf %exp3A_520, %div3A_602 : vector<16xf32>
      %mul3A_611 = arith.mulf %exp3A_522, %div3A_602 : vector<16xf32>
      %mul3A_612 = arith.mulf %exp3A_524, %div3A_602 : vector<16xf32>
      %mul3A_613 = arith.mulf %exp3A_526, %div3A_602 : vector<16xf32>
      %mul3A_614 = arith.mulf %exp3A_528, %div3A_602 : vector<16xf32>
      %mul3A_615 = arith.mulf %exp3A_530, %div3A_602 : vector<16xf32>
      %mul3A_616 = arith.mulf %exp3A_532, %div3A_602 : vector<16xf32>
      %mul3A_617 = arith.mulf %exp3A_534, %div3A_602 : vector<16xf32>
      %mul3A_618 = arith.mulf %exp3A_536, %div3A_602 : vector<16xf32>
      %mul3A_619 = arith.mulf %exp3A_538, %div3A_602 : vector<16xf32>
      %mul3A_620 = arith.mulf %exp3A_540, %div3A_602 : vector<16xf32>
      %mul3A_621 = arith.mulf %exp3A_542, %div3A_602 : vector<16xf32>
      %mul3A_622 = arith.mulf %exp3A_544, %div3A_602 : vector<16xf32>
      %mul3A_623 = arith.mulf %exp3A_546, %div3A_602 : vector<16xf32>
      %mul3A_624 = arith.mulf %exp3A_548, %div3A_602 : vector<16xf32>
      %mul3A_625 = arith.mulf %exp3A_550, %div3A_602 : vector<16xf32>
      %mul3A_626 = arith.mulf %exp3A_552, %div3A_602 : vector<16xf32>
      %mul3A_627 = arith.mulf %exp3A_554, %div3A_602 : vector<16xf32>
      %mul3A_628 = arith.mulf %exp3A_556, %div3A_602 : vector<16xf32>
      %mul3A_629 = arith.mulf %exp3A_558, %div3A_602 : vector<16xf32>
      %mul3A_630 = arith.mulf %exp3A_560, %div3A_602 : vector<16xf32>
      %mul3A_631 = arith.mulf %exp3A_562, %div3A_602 : vector<16xf32>
      %mul3A_632 = arith.mulf %exp3A_564, %div3A_602 : vector<16xf32>
      %mul3A_633 = arith.mulf %exp3A_566, %div3A_602 : vector<16xf32>
      %mul3A_634 = arith.mulf %exp3A_568, %div3A_602 : vector<16xf32>
      %parallel_loop3A_635 = arith.constant 0 : i32
      %parallel_loop3A_636 = arith.constant 64 : i32
      %parallel_loop3A_637 = arith.constant 1 : i32
      scf.for %parallel_loop3A_641 = %parallel_loop3A_635 to %parallel_loop3A_636 step %parallel_loop3A_637  : i32 {
        %parallel_loop3A_642 = vector.broadcast %parallel_loop3A_641 : i32 to vector<16xi32>
        %parallel_loop3A_643 = arith.constant 64 : i32
        %parallel_loop3A_644 = vector.broadcast %parallel_loop3A_643 : i32 to vector<16xi32>
        %parallel_loop3A_645 = arith.addi %parallel_loop3A_642, %parallel_loop3A_644 : vector<16xi32>
        %parallel_loop3A_646 = arith.constant 0 : i32
        %parallel_loop3A_647 = vector.broadcast %parallel_loop3A_646 : i32 to vector<16xi32>
        %parallel_loop3A_648 = arith.addi %mul3A_3, %parallel_loop3A_647 : vector<16xi32>
        %parallel_loop3A_649 = tpu.vector_load_idx %arg8[%parallel_loop3A_648, %parallel_loop3A_645] : memref<512x128xf32, #tpu.memory_space<vmem>>[vector<16xi32>, vector<16xi32>], vector<16xf32>,
        %parallel_loop3A_650 = arith.mulf %mul3A_603, %parallel_loop3A_649 : vector<16xf32>
        %parallel_loop3A_651 = arith.constant 1 : i32
        %parallel_loop3A_652 = vector.broadcast %parallel_loop3A_651 : i32 to vector<16xi32>
        %parallel_loop3A_653 = arith.addi %mul3A_3, %parallel_loop3A_652 : vector<16xi32>
        %parallel_loop3A_654 = tpu.vector_load_idx %arg8[%parallel_loop3A_653, %parallel_loop3A_645] : memref<512x128xf32, #tpu.memory_space<vmem>>[vector<16xi32>, vector<16xi32>], vector<16xf32>,
        %parallel_loop3A_655 = arith.mulf %mul3A_604, %parallel_loop3A_654 : vector<16xf32>
        %parallel_loop3A_656 = arith.constant 2 : i32
        %parallel_loop3A_657 = vector.broadcast %parallel_loop3A_656 : i32 to vector<16xi32>
        %parallel_loop3A_658 = arith.addi %mul3A_3, %parallel_loop3A_657 : vector<16xi32>
        %parallel_loop3A_659 = tpu.vector_load_idx %arg8[%parallel_loop3A_658, %parallel_loop3A_645] : memref<512x128xf32, #tpu.memory_space<vmem>>[vector<16xi32>, vector<16xi32>], vector<16xf32>,
        %parallel_loop3A_660 = arith.mulf %mul3A_605, %parallel_loop3A_659 : vector<16xf32>
        %parallel_loop3A_661 = arith.constant 3 : i32
        %parallel_loop3A_662 = vector.broadcast %parallel_loop3A_661 : i32 to vector<16xi32>
        %parallel_loop3A_663 = arith.addi %mul3A_3, %parallel_loop3A_662 : vector<16xi32>
        %parallel_loop3A_664 = tpu.vector_load_idx %arg8[%parallel_loop3A_663, %parallel_loop3A_645] : memref<512x128xf32, #tpu.memory_space<vmem>>[vector<16xi32>, vector<16xi32>], vector<16xf32>,
        %parallel_loop3A_665 = arith.mulf %mul3A_606, %parallel_loop3A_664 : vector<16xf32>
        %parallel_loop3A_666 = arith.constant 4 : i32
        %parallel_loop3A_667 = vector.broadcast %parallel_loop3A_666 : i32 to vector<16xi32>
        %parallel_loop3A_668 = arith.addi %mul3A_3, %parallel_loop3A_667 : vector<16xi32>
        %parallel_loop3A_669 = tpu.vector_load_idx %arg8[%parallel_loop3A_668, %parallel_loop3A_645] : memref<512x128xf32, #tpu.memory_space<vmem>>[vector<16xi32>, vector<16xi32>], vector<16xf32>,
        %parallel_loop3A_670 = arith.mulf %mul3A_607, %parallel_loop3A_669 : vector<16xf32>
        %parallel_loop3A_671 = arith.constant 5 : i32
        %parallel_loop3A_672 = vector.broadcast %parallel_loop3A_671 : i32 to vector<16xi32>
        %parallel_loop3A_673 = arith.addi %mul3A_3, %parallel_loop3A_672 : vector<16xi32>
        %parallel_loop3A_674 = tpu.vector_load_idx %arg8[%parallel_loop3A_673, %parallel_loop3A_645] : memref<512x128xf32, #tpu.memory_space<vmem>>[vector<16xi32>, vector<16xi32>], vector<16xf32>,
        %parallel_loop3A_675 = arith.mulf %mul3A_608, %parallel_loop3A_674 : vector<16xf32>
        %parallel_loop3A_676 = arith.constant 6 : i32
        %parallel_loop3A_677 = vector.broadcast %parallel_loop3A_676 : i32 to vector<16xi32>
        %parallel_loop3A_678 = arith.addi %mul3A_3, %parallel_loop3A_677 : vector<16xi32>
        %parallel_loop3A_679 = tpu.vector_load_idx %arg8[%parallel_loop3A_678, %parallel_loop3A_645] : memref<512x128xf32, #tpu.memory_space<vmem>>[vector<16xi32>, vector<16xi32>], vector<16xf32>,
        %parallel_loop3A_680 = arith.mulf %mul3A_609, %parallel_loop3A_679 : vector<16xf32>
        %parallel_loop3A_681 = arith.constant 7 : i32
        %parallel_loop3A_682 = vector.broadcast %parallel_loop3A_681 : i32 to vector<16xi32>
        %parallel_loop3A_683 = arith.addi %mul3A_3, %parallel_loop3A_682 : vector<16xi32>
        %parallel_loop3A_684 = tpu.vector_load_idx %arg8[%parallel_loop3A_683, %parallel_loop3A_645] : memref<512x128xf32, #tpu.memory_space<vmem>>[vector<16xi32>, vector<16xi32>], vector<16xf32>,
        %parallel_loop3A_685 = arith.mulf %mul3A_610, %parallel_loop3A_684 : vector<16xf32>
        %parallel_loop3A_686 = arith.constant 8 : i32
        %parallel_loop3A_687 = vector.broadcast %parallel_loop3A_686 : i32 to vector<16xi32>
        %parallel_loop3A_688 = arith.addi %mul3A_3, %parallel_loop3A_687 : vector<16xi32>
        %parallel_loop3A_689 = tpu.vector_load_idx %arg8[%parallel_loop3A_688, %parallel_loop3A_645] : memref<512x128xf32, #tpu.memory_space<vmem>>[vector<16xi32>, vector<16xi32>], vector<16xf32>,
        %parallel_loop3A_690 = arith.mulf %mul3A_611, %parallel_loop3A_689 : vector<16xf32>
        %parallel_loop3A_691 = arith.constant 9 : i32
        %parallel_loop3A_692 = vector.broadcast %parallel_loop3A_691 : i32 to vector<16xi32>
        %parallel_loop3A_693 = arith.addi %mul3A_3, %parallel_loop3A_692 : vector<16xi32>
        %parallel_loop3A_694 = tpu.vector_load_idx %arg8[%parallel_loop3A_693, %parallel_loop3A_645] : memref<512x128xf32, #tpu.memory_space<vmem>>[vector<16xi32>, vector<16xi32>], vector<16xf32>,
        %parallel_loop3A_695 = arith.mulf %mul3A_612, %parallel_loop3A_694 : vector<16xf32>
        %parallel_loop3A_696 = arith.constant 10 : i32
        %parallel_loop3A_697 = vector.broadcast %parallel_loop3A_696 : i32 to vector<16xi32>
        %parallel_loop3A_698 = arith.addi %mul3A_3, %parallel_loop3A_697 : vector<16xi32>
        %parallel_loop3A_699 = tpu.vector_load_idx %arg8[%parallel_loop3A_698, %parallel_loop3A_645] : memref<512x128xf32, #tpu.memory_space<vmem>>[vector<16xi32>, vector<16xi32>], vector<16xf32>,
        %parallel_loop3A_700 = arith.mulf %mul3A_613, %parallel_loop3A_699 : vector<16xf32>
        %parallel_loop3A_701 = arith.constant 11 : i32
        %parallel_loop3A_702 = vector.broadcast %parallel_loop3A_701 : i32 to vector<16xi32>
        %parallel_loop3A_703 = arith.addi %mul3A_3, %parallel_loop3A_702 : vector<16xi32>
        %parallel_loop3A_704 = tpu.vector_load_idx %arg8[%parallel_loop3A_703, %parallel_loop3A_645] : memref<512x128xf32, #tpu.memory_space<vmem>>[vector<16xi32>, vector<16xi32>], vector<16xf32>,
        %parallel_loop3A_705 = arith.mulf %mul3A_614, %parallel_loop3A_704 : vector<16xf32>
        %parallel_loop3A_706 = arith.constant 12 : i32
        %parallel_loop3A_707 = vector.broadcast %parallel_loop3A_706 : i32 to vector<16xi32>
        %parallel_loop3A_708 = arith.addi %mul3A_3, %parallel_loop3A_707 : vector<16xi32>
        %parallel_loop3A_709 = tpu.vector_load_idx %arg8[%parallel_loop3A_708, %parallel_loop3A_645] : memref<512x128xf32, #tpu.memory_space<vmem>>[vector<16xi32>, vector<16xi32>], vector<16xf32>,
        %parallel_loop3A_710 = arith.mulf %mul3A_615, %parallel_loop3A_709 : vector<16xf32>
        %parallel_loop3A_711 = arith.constant 13 : i32
        %parallel_loop3A_712 = vector.broadcast %parallel_loop3A_711 : i32 to vector<16xi32>
        %parallel_loop3A_713 = arith.addi %mul3A_3, %parallel_loop3A_712 : vector<16xi32>
        %parallel_loop3A_714 = tpu.vector_load_idx %arg8[%parallel_loop3A_713, %parallel_loop3A_645] : memref<512x128xf32, #tpu.memory_space<vmem>>[vector<16xi32>, vector<16xi32>], vector<16xf32>,
        %parallel_loop3A_715 = arith.mulf %mul3A_616, %parallel_loop3A_714 : vector<16xf32>
        %parallel_loop3A_716 = arith.constant 14 : i32
        %parallel_loop3A_717 = vector.broadcast %parallel_loop3A_716 : i32 to vector<16xi32>
        %parallel_loop3A_718 = arith.addi %mul3A_3, %parallel_loop3A_717 : vector<16xi32>
        %parallel_loop3A_719 = tpu.vector_load_idx %arg8[%parallel_loop3A_718, %parallel_loop3A_645] : memref<512x128xf32, #tpu.memory_space<vmem>>[vector<16xi32>, vector<16xi32>], vector<16xf32>,
        %parallel_loop3A_720 = arith.mulf %mul3A_617, %parallel_loop3A_719 : vector<16xf32>
        %parallel_loop3A_721 = arith.constant 15 : i32
        %parallel_loop3A_722 = vector.broadcast %parallel_loop3A_721 : i32 to vector<16xi32>
        %parallel_loop3A_723 = arith.addi %mul3A_3, %parallel_loop3A_722 : vector<16xi32>
        %parallel_loop3A_724 = tpu.vector_load_idx %arg8[%parallel_loop3A_723, %parallel_loop3A_645] : memref<512x128xf32, #tpu.memory_space<vmem>>[vector<16xi32>, vector<16xi32>], vector<16xf32>,
        %parallel_loop3A_725 = arith.mulf %mul3A_618, %parallel_loop3A_724 : vector<16xf32>
        %parallel_loop3A_726 = arith.addf %parallel_loop3A_650, %parallel_loop3A_655 : vector<16xf32>
        %parallel_loop3A_727 = arith.addf %parallel_loop3A_660, %parallel_loop3A_665 : vector<16xf32>
        %parallel_loop3A_728 = arith.addf %parallel_loop3A_670, %parallel_loop3A_675 : vector<16xf32>
        %parallel_loop3A_729 = arith.addf %parallel_loop3A_680, %parallel_loop3A_685 : vector<16xf32>
        %parallel_loop3A_730 = arith.addf %parallel_loop3A_690, %parallel_loop3A_695 : vector<16xf32>
        %parallel_loop3A_731 = arith.addf %parallel_loop3A_700, %parallel_loop3A_705 : vector<16xf32>
        %parallel_loop3A_732 = arith.addf %parallel_loop3A_710, %parallel_loop3A_715 : vector<16xf32>
        %parallel_loop3A_733 = arith.addf %parallel_loop3A_720, %parallel_loop3A_725 : vector<16xf32>
        %parallel_loop3A_734 = arith.addf %parallel_loop3A_726, %parallel_loop3A_727 : vector<16xf32>
        %parallel_loop3A_735 = arith.addf %parallel_loop3A_728, %parallel_loop3A_729 : vector<16xf32>
        %parallel_loop3A_736 = arith.addf %parallel_loop3A_730, %parallel_loop3A_731 : vector<16xf32>
        %parallel_loop3A_737 = arith.addf %parallel_loop3A_732, %parallel_loop3A_733 : vector<16xf32>
        %parallel_loop3A_738 = arith.addf %parallel_loop3A_734, %parallel_loop3A_735 : vector<16xf32>
        %parallel_loop3A_739 = arith.addf %parallel_loop3A_736, %parallel_loop3A_737 : vector<16xf32>
        %parallel_loop3A_740 = arith.addf %parallel_loop3A_738, %parallel_loop3A_739 : vector<16xf32>
        tpu.vector_store_idx %arg10[%iota3A, %parallel_loop3A_642], %parallel_loop3A_740 : memref<16x64xf32, #tpu.memory_space<vmem>>[vector<16xi32>, vector<16xi32>], vector<16xf32>,
      } {sc.loop_unroll_factor = 1 : i64, sc.parallel_access}
      %parallel_loop3A_638 = arith.constant 0 : i32
      %parallel_loop3A_639 = arith.constant 64 : i32
      %parallel_loop3A_640 = arith.constant 1 : i32
      scf.for %parallel_loop3A_641 = %parallel_loop3A_638 to %parallel_loop3A_639 step %parallel_loop3A_640  : i32 {
        %parallel_loop3A_642 = vector.broadcast %parallel_loop3A_641 : i32 to vector<16xi32>
        %parallel_loop3A_643 = arith.constant 64 : i32
        %parallel_loop3A_644 = vector.broadcast %parallel_loop3A_643 : i32 to vector<16xi32>
        %parallel_loop3A_645 = arith.addi %parallel_loop3A_642, %parallel_loop3A_644 : vector<16xi32>
        %parallel_loop3A_646 = arith.constant 16 : i32
        %parallel_loop3A_647 = vector.broadcast %parallel_loop3A_646 : i32 to vector<16xi32>
        %parallel_loop3A_648 = arith.addi %mul3A_3, %parallel_loop3A_647 : vector<16xi32>
        %parallel_loop3A_649 = tpu.vector_load_idx %arg8[%parallel_loop3A_648, %parallel_loop3A_645] : memref<512x128xf32, #tpu.memory_space<vmem>>[vector<16xi32>, vector<16xi32>], vector<16xf32>,
        %parallel_loop3A_650 = arith.mulf %mul3A_619, %parallel_loop3A_649 : vector<16xf32>
        %parallel_loop3A_651 = arith.constant 17 : i32
        %parallel_loop3A_652 = vector.broadcast %parallel_loop3A_651 : i32 to vector<16xi32>
        %parallel_loop3A_653 = arith.addi %mul3A_3, %parallel_loop3A_652 : vector<16xi32>
        %parallel_loop3A_654 = tpu.vector_load_idx %arg8[%parallel_loop3A_653, %parallel_loop3A_645] : memref<512x128xf32, #tpu.memory_space<vmem>>[vector<16xi32>, vector<16xi32>], vector<16xf32>,
        %parallel_loop3A_655 = arith.mulf %mul3A_620, %parallel_loop3A_654 : vector<16xf32>
        %parallel_loop3A_656 = arith.constant 18 : i32
        %parallel_loop3A_657 = vector.broadcast %parallel_loop3A_656 : i32 to vector<16xi32>
        %parallel_loop3A_658 = arith.addi %mul3A_3, %parallel_loop3A_657 : vector<16xi32>
        %parallel_loop3A_659 = tpu.vector_load_idx %arg8[%parallel_loop3A_658, %parallel_loop3A_645] : memref<512x128xf32, #tpu.memory_space<vmem>>[vector<16xi32>, vector<16xi32>], vector<16xf32>,
        %parallel_loop3A_660 = arith.mulf %mul3A_621, %parallel_loop3A_659 : vector<16xf32>
        %parallel_loop3A_661 = arith.constant 19 : i32
        %parallel_loop3A_662 = vector.broadcast %parallel_loop3A_661 : i32 to vector<16xi32>
        %parallel_loop3A_663 = arith.addi %mul3A_3, %parallel_loop3A_662 : vector<16xi32>
        %parallel_loop3A_664 = tpu.vector_load_idx %arg8[%parallel_loop3A_663, %parallel_loop3A_645] : memref<512x128xf32, #tpu.memory_space<vmem>>[vector<16xi32>, vector<16xi32>], vector<16xf32>,
        %parallel_loop3A_665 = arith.mulf %mul3A_622, %parallel_loop3A_664 : vector<16xf32>
        %parallel_loop3A_666 = arith.constant 20 : i32
        %parallel_loop3A_667 = vector.broadcast %parallel_loop3A_666 : i32 to vector<16xi32>
        %parallel_loop3A_668 = arith.addi %mul3A_3, %parallel_loop3A_667 : vector<16xi32>
        %parallel_loop3A_669 = tpu.vector_load_idx %arg8[%parallel_loop3A_668, %parallel_loop3A_645] : memref<512x128xf32, #tpu.memory_space<vmem>>[vector<16xi32>, vector<16xi32>], vector<16xf32>,
        %parallel_loop3A_670 = arith.mulf %mul3A_623, %parallel_loop3A_669 : vector<16xf32>
        %parallel_loop3A_671 = arith.constant 21 : i32
        %parallel_loop3A_672 = vector.broadcast %parallel_loop3A_671 : i32 to vector<16xi32>
        %parallel_loop3A_673 = arith.addi %mul3A_3, %parallel_loop3A_672 : vector<16xi32>
        %parallel_loop3A_674 = tpu.vector_load_idx %arg8[%parallel_loop3A_673, %parallel_loop3A_645] : memref<512x128xf32, #tpu.memory_space<vmem>>[vector<16xi32>, vector<16xi32>], vector<16xf32>,
        %parallel_loop3A_675 = arith.mulf %mul3A_624, %parallel_loop3A_674 : vector<16xf32>
        %parallel_loop3A_676 = arith.constant 22 : i32
        %parallel_loop3A_677 = vector.broadcast %parallel_loop3A_676 : i32 to vector<16xi32>
        %parallel_loop3A_678 = arith.addi %mul3A_3, %parallel_loop3A_677 : vector<16xi32>
        %parallel_loop3A_679 = tpu.vector_load_idx %arg8[%parallel_loop3A_678, %parallel_loop3A_645] : memref<512x128xf32, #tpu.memory_space<vmem>>[vector<16xi32>, vector<16xi32>], vector<16xf32>,
        %parallel_loop3A_680 = arith.mulf %mul3A_625, %parallel_loop3A_679 : vector<16xf32>
        %parallel_loop3A_681 = arith.constant 23 : i32
        %parallel_loop3A_682 = vector.broadcast %parallel_loop3A_681 : i32 to vector<16xi32>
        %parallel_loop3A_683 = arith.addi %mul3A_3, %parallel_loop3A_682 : vector<16xi32>
        %parallel_loop3A_684 = tpu.vector_load_idx %arg8[%parallel_loop3A_683, %parallel_loop3A_645] : memref<512x128xf32, #tpu.memory_space<vmem>>[vector<16xi32>, vector<16xi32>], vector<16xf32>,
        %parallel_loop3A_685 = arith.mulf %mul3A_626, %parallel_loop3A_684 : vector<16xf32>
        %parallel_loop3A_686 = arith.constant 24 : i32
        %parallel_loop3A_687 = vector.broadcast %parallel_loop3A_686 : i32 to vector<16xi32>
        %parallel_loop3A_688 = arith.addi %mul3A_3, %parallel_loop3A_687 : vector<16xi32>
        %parallel_loop3A_689 = tpu.vector_load_idx %arg8[%parallel_loop3A_688, %parallel_loop3A_645] : memref<512x128xf32, #tpu.memory_space<vmem>>[vector<16xi32>, vector<16xi32>], vector<16xf32>,
        %parallel_loop3A_690 = arith.mulf %mul3A_627, %parallel_loop3A_689 : vector<16xf32>
        %parallel_loop3A_691 = arith.constant 25 : i32
        %parallel_loop3A_692 = vector.broadcast %parallel_loop3A_691 : i32 to vector<16xi32>
        %parallel_loop3A_693 = arith.addi %mul3A_3, %parallel_loop3A_692 : vector<16xi32>
        %parallel_loop3A_694 = tpu.vector_load_idx %arg8[%parallel_loop3A_693, %parallel_loop3A_645] : memref<512x128xf32, #tpu.memory_space<vmem>>[vector<16xi32>, vector<16xi32>], vector<16xf32>,
        %parallel_loop3A_695 = arith.mulf %mul3A_628, %parallel_loop3A_694 : vector<16xf32>
        %parallel_loop3A_696 = arith.constant 26 : i32
        %parallel_loop3A_697 = vector.broadcast %parallel_loop3A_696 : i32 to vector<16xi32>
        %parallel_loop3A_698 = arith.addi %mul3A_3, %parallel_loop3A_697 : vector<16xi32>
        %parallel_loop3A_699 = tpu.vector_load_idx %arg8[%parallel_loop3A_698, %parallel_loop3A_645] : memref<512x128xf32, #tpu.memory_space<vmem>>[vector<16xi32>, vector<16xi32>], vector<16xf32>,
        %parallel_loop3A_700 = arith.mulf %mul3A_629, %parallel_loop3A_699 : vector<16xf32>
        %parallel_loop3A_701 = arith.constant 27 : i32
        %parallel_loop3A_702 = vector.broadcast %parallel_loop3A_701 : i32 to vector<16xi32>
        %parallel_loop3A_703 = arith.addi %mul3A_3, %parallel_loop3A_702 : vector<16xi32>
        %parallel_loop3A_704 = tpu.vector_load_idx %arg8[%parallel_loop3A_703, %parallel_loop3A_645] : memref<512x128xf32, #tpu.memory_space<vmem>>[vector<16xi32>, vector<16xi32>], vector<16xf32>,
        %parallel_loop3A_705 = arith.mulf %mul3A_630, %parallel_loop3A_704 : vector<16xf32>
        %parallel_loop3A_706 = arith.constant 28 : i32
        %parallel_loop3A_707 = vector.broadcast %parallel_loop3A_706 : i32 to vector<16xi32>
        %parallel_loop3A_708 = arith.addi %mul3A_3, %parallel_loop3A_707 : vector<16xi32>
        %parallel_loop3A_709 = tpu.vector_load_idx %arg8[%parallel_loop3A_708, %parallel_loop3A_645] : memref<512x128xf32, #tpu.memory_space<vmem>>[vector<16xi32>, vector<16xi32>], vector<16xf32>,
        %parallel_loop3A_710 = arith.mulf %mul3A_631, %parallel_loop3A_709 : vector<16xf32>
        %parallel_loop3A_711 = arith.constant 29 : i32
        %parallel_loop3A_712 = vector.broadcast %parallel_loop3A_711 : i32 to vector<16xi32>
        %parallel_loop3A_713 = arith.addi %mul3A_3, %parallel_loop3A_712 : vector<16xi32>
        %parallel_loop3A_714 = tpu.vector_load_idx %arg8[%parallel_loop3A_713, %parallel_loop3A_645] : memref<512x128xf32, #tpu.memory_space<vmem>>[vector<16xi32>, vector<16xi32>], vector<16xf32>,
        %parallel_loop3A_715 = arith.mulf %mul3A_632, %parallel_loop3A_714 : vector<16xf32>
        %parallel_loop3A_716 = arith.constant 30 : i32
        %parallel_loop3A_717 = vector.broadcast %parallel_loop3A_716 : i32 to vector<16xi32>
        %parallel_loop3A_718 = arith.addi %mul3A_3, %parallel_loop3A_717 : vector<16xi32>
        %parallel_loop3A_719 = tpu.vector_load_idx %arg8[%parallel_loop3A_718, %parallel_loop3A_645] : memref<512x128xf32, #tpu.memory_space<vmem>>[vector<16xi32>, vector<16xi32>], vector<16xf32>,
        %parallel_loop3A_720 = arith.mulf %mul3A_633, %parallel_loop3A_719 : vector<16xf32>
        %parallel_loop3A_721 = arith.constant 31 : i32
        %parallel_loop3A_722 = vector.broadcast %parallel_loop3A_721 : i32 to vector<16xi32>
        %parallel_loop3A_723 = arith.addi %mul3A_3, %parallel_loop3A_722 : vector<16xi32>
        %parallel_loop3A_724 = tpu.vector_load_idx %arg8[%parallel_loop3A_723, %parallel_loop3A_645] : memref<512x128xf32, #tpu.memory_space<vmem>>[vector<16xi32>, vector<16xi32>], vector<16xf32>,
        %parallel_loop3A_725 = arith.mulf %mul3A_634, %parallel_loop3A_724 : vector<16xf32>
        %parallel_loop3A_726 = arith.addf %parallel_loop3A_650, %parallel_loop3A_655 : vector<16xf32>
        %parallel_loop3A_727 = arith.addf %parallel_loop3A_660, %parallel_loop3A_665 : vector<16xf32>
        %parallel_loop3A_728 = arith.addf %parallel_loop3A_670, %parallel_loop3A_675 : vector<16xf32>
        %parallel_loop3A_729 = arith.addf %parallel_loop3A_680, %parallel_loop3A_685 : vector<16xf32>
        %parallel_loop3A_730 = arith.addf %parallel_loop3A_690, %parallel_loop3A_695 : vector<16xf32>
        %parallel_loop3A_731 = arith.addf %parallel_loop3A_700, %parallel_loop3A_705 : vector<16xf32>
        %parallel_loop3A_732 = arith.addf %parallel_loop3A_710, %parallel_loop3A_715 : vector<16xf32>
        %parallel_loop3A_733 = arith.addf %parallel_loop3A_720, %parallel_loop3A_725 : vector<16xf32>
        %parallel_loop3A_734 = arith.addf %parallel_loop3A_726, %parallel_loop3A_727 : vector<16xf32>
        %parallel_loop3A_735 = arith.addf %parallel_loop3A_728, %parallel_loop3A_729 : vector<16xf32>
        %parallel_loop3A_736 = arith.addf %parallel_loop3A_730, %parallel_loop3A_731 : vector<16xf32>
        %parallel_loop3A_737 = arith.addf %parallel_loop3A_732, %parallel_loop3A_733 : vector<16xf32>
        %parallel_loop3A_738 = arith.addf %parallel_loop3A_734, %parallel_loop3A_735 : vector<16xf32>
        %parallel_loop3A_739 = arith.addf %parallel_loop3A_736, %parallel_loop3A_737 : vector<16xf32>
        %parallel_loop3A_740 = arith.addf %parallel_loop3A_738, %parallel_loop3A_739 : vector<16xf32>
        tpu.vector_store_idx %arg10[%iota3A, %parallel_loop3A_642], %parallel_loop3A_740 {add = true} : memref<16x64xf32, #tpu.memory_space<vmem>>[vector<16xi32>, vector<16xi32>], vector<16xf32>,
      } {sc.loop_unroll_factor = 1 : i64, sc.parallel_access}
      "tpu.region"() ({
        %run_scoped3A = tpu.sem_alloc : memref<!tpu.dma_semaphore, #tpu.memory_space<semaphore_mem>>
        %dma_start3A_641 = arith.constant 0 : i32
        %dma_start3A_642 = tpu.memref_slice %arg5[%select_n3A, %mul3A_44, %dma_start3A_641] : memref<12x2048x64xf32, #tpu.memory_space<hbm>> -> memref<1x16x64xf32, #tpu.memory_space<hbm>>
        %dma_start3A_643 = tpu.memref_squeeze %dma_start3A_642 : memref<1x16x64xf32, #tpu.memory_space<hbm>> -> memref<16x64xf32, #tpu.memory_space<hbm>>
        %dma_start3A_644 = arith.constant 0 : i32
        %dma_start3A_645 = tpu.memref_slice %arg5[%select_n3A, %mul3A_44, %dma_start3A_644] : memref<12x2048x64xf32, #tpu.memory_space<hbm>> -> memref<1x16x64xf32, #tpu.memory_space<hbm>>
        %dma_start3A_646 = tpu.memref_squeeze %dma_start3A_645 : memref<1x16x64xf32, #tpu.memory_space<hbm>> -> memref<16x64xf32, #tpu.memory_space<hbm>>
        tpu.enqueue_dma source(%arg10 : memref<16x64xf32, #tpu.memory_space<vmem>>) target(%dma_start3A_646 : memref<16x64xf32, #tpu.memory_space<hbm>>) target_semaphore(%run_scoped3A : memref<!tpu.dma_semaphore, #tpu.memory_space<semaphore_mem>>)
        %dma_wait3A_647 = arith.constant 0 : i32
        %dma_wait3A_648 = tpu.memref_slice %arg5[%select_n3A, %mul3A_44, %dma_wait3A_647] : memref<12x2048x64xf32, #tpu.memory_space<hbm>> -> memref<1x16x64xf32, #tpu.memory_space<hbm>>
        %dma_wait3A_649 = tpu.memref_squeeze %dma_wait3A_648 : memref<1x16x64xf32, #tpu.memory_space<hbm>> -> memref<16x64xf32, #tpu.memory_space<hbm>>
        %dma_wait3A_650 = arith.constant 0 : i32
        %dma_wait3A_651 = tpu.memref_slice %arg5[%select_n3A, %mul3A_44, %dma_wait3A_650] : memref<12x2048x64xf32, #tpu.memory_space<hbm>> -> memref<1x16x64xf32, #tpu.memory_space<hbm>>
        %dma_wait3A_652 = tpu.memref_squeeze %dma_wait3A_651 : memref<1x16x64xf32, #tpu.memory_space<hbm>> -> memref<16x64xf32, #tpu.memory_space<hbm>>
        tpu.wait_dma2 semaphore(%run_scoped3A : memref<!tpu.dma_semaphore, #tpu.memory_space<semaphore_mem>>) src(%arg10 : memref<16x64xf32, #tpu.memory_space<vmem>>) dst(%dma_wait3A_652 : memref<16x64xf32, #tpu.memory_space<hbm>>)
        tpu.yield
      }) : () -> ()
    }
    %scan3A_8 = arith.constant 48 : i32
    return
  }
}

</mosaic_0001>

<sc_bundles>
// kernel: kernel.3.cloned.1.call-start
scs
__scs_entry_jumppad:
0x0: {  	(pc) =	sbr.rel $0x88, $3  }
0x1: {  	(tag) =	ssettag $0x0;
	lr =	simm.s32 $0x1  }
0x2: {  	[smem:$0x3F9D] =	sst lr;
	_ =	strace $0xD0000000  }
0x3: {  	_ = 	snop  }
0x4: {  	_ = 	snop  }
0x5: {  	_ = 	snop  }
0x6: {  	_ = 	snop  }
0x7: {  	_ = 	snop  }
__scs_overlays_trampoline_lowered:
0x8: {  	[smem:$0x3FAC] =	sst s0  }
0x9: {  	[smem:$0x3FAD] =	sst s1  }
0xa: {  	[smem:$0x3FAE] =	sst s2  }
0xb: {  	[smem:$0x3FAF] =	sst s3  }
0xc: {  	[smem:$0x3FB0] =	sst s4  }
0xd: {  	[smem:$0x3FB1] =	sst s5  }
0xe: {  	[smem:$0x3FB2] =	sst s6  }
0xf: {  	[smem:$0x3FB3] =	sst s7  }
0x10: {  	[smem:$0x3FB4] =	sst s8  }
0x11: {  	[smem:$0x3FB5] =	sst s9;
	s0 =	simm.s32 @!p0 $0x0  }
0x12: {  	s1 =	sld [smem:$0x3F9B];
	s0 =	simm.s32 @p0 $0x1  }
0x13: {  	[smem:$0x3FB6] =	sst s0;
	s0 =	simm.s32 @!p1 $0x0  }
0x14: {  	s2 =	sld [smem:$0x3F9A];
	s0 =	simm.s32 @p1 $0x1  }
0x15: {  	[smem:$0x3FB7] =	sst s0;
	s0 =	simm.s32 @!p2 $0x0  }
0x16: {  	s3 =	sld [smem:$0x3FDB];
	s0 =	simm.s32 @p2 $0x1  }
0x17: {  	s4 =	simm.s32 $0x1BF5;
	[smem:$0x3FB9] =	sst s0  }
0x18: {  	s0 =	sld [smem:$0x3F9C];
	_ =	swait.ge [sflag:s4], $0x0  }
0x19: {  	s7 =	sld [smem:$0x3F9D]  }
0x1a: {  	s8 =	sadd.s32 $0xFFFFE003, lr  }
0x1b: {  	s9 =	sadd.s32 $0xFFFFFEF7, lr;
	s5 =	simm.s32 $0xFFFFFFFF;
	p2 =	slt.u32 s8, $0xFFFFF086  }
0x1c: {  	p1 =	slt.u32 s9, $0xF7A;
	s5 =	simm.s32 @!p2 $0x0  }
0x1d: {  	s5 =	simm.s32 @p1 $0x1;
	p0 =	seq.s32 s7, s2  }
0x1e: {  	s7 =	smul.u32 @!p0 $0xF7A, s2;
	p2 =	seq.s32 @!p0 s5, $0x0  }
0x1f: {  	s9 =	smul.u32 $0xF7A, s1;
	s8 =	simm.s32 @!p0 $0x1BF5;
	p2 =	por !p2, p0  }
0x20: {  	[sflag:s8] =	ssyncset.s32 @!p0 $0xFFFFF086;
	s6 =	sadd.s32 @!p0 s3, s7;
	s7 =	simm.s32 @!p0 $0x108  }
0x21: {  	s3 =	sadd.s32 s3, s9;
	s6 =	sadd.s32 @!p0 $0x88, s6;
	s7 =	simm.s32 @p2 $0x1082  }
0x22: {  	[simem:s7], [sflag:s8] =	dma.local @!p0 [hbm:s6], $0xF7A  }
0x23: {  	s9 =	sor.u32 $0xD0000000, s2;
	s6 =	simm.s32 $0x108;
	_ =	swait.ge @!p0 [sflag:s8], $0x0  }
0x24: {  	s3 =	sadd.s32 $0x88, s3;
	s6 =	simm.s32 @!p1 $0x1082;
	[sflag:s4] =	ssyncset.s32 $0xFFFFF086  }
0x25: {  	[simem:s6], [sflag:s4] =	dma.local [hbm:s3], $0xF7A  }
0x26: {  	[smem:$0x3F9D] =	sst s1;
	(tag) =	ssettag s2;
	_ =	strace s9  }
0x27: {  	s1 =	sld [smem:$0x3FAD]  }
0x28: {  	s2 =	sld [smem:$0x3FAE]  }
0x29: {  	s4 =	sld [smem:$0x3FB0]  }
0x2a: {  	p0 =	seq.s32 s5, $0x0;
	s5 =	sld [smem:$0x3FB1]  }
0x2b: {  	s6 =	sld [smem:$0x3FB2]  }
0x2c: {  	s7 =	sld [smem:$0x3FB3]  }
0x2d: {  	s3 =	simm.s32 $0x108;
	s8 =	sld [smem:$0x3FB4]  }
0x2e: {  	s3 =	simm.s32 @!p0 $0x1082;
	s9 =	sld [smem:$0x3FB5]  }
0x2f: {  	lr =	sadd.s32 s0, s3;
	s0 =	sld [smem:$0x3FAC]  }
0x30: {  	s3 =	sld [smem:$0x3FAF]  }
0x31: {  	[smem:$0x3FB8] =	sst s10  }
0x32: {  	s10 =	sld [smem:$0x3FB6];
	_ =	sdelay $0x3  }
0x33: {  	p0 =	seq.s32 s10, $0x1;
	s10 =	sld [smem:$0x3FB8];
	_ =	sdelay $0x3  }
0x34: {  	[smem:$0x3FB8] =	sst s10  }
0x35: {  	s10 =	sld [smem:$0x3FB7];
	_ =	sdelay $0x3  }
0x36: {  	p1 =	seq.s32 s10, $0x1;
	s10 =	sld [smem:$0x3FB8];
	_ =	sdelay $0x3  }
0x37: {  	[smem:$0x3FB8] =	sst s10  }
0x38: {  	s10 =	sld [smem:$0x3FB9]  }
0x39: {  	_ = 	snop;
	(pc) =	sbr.ind lr, $3  }
0x3a: {  	_ = 	snop  }
0x3b: {  	_ = 	snop  }
0x3c: {  	p2 =	seq.s32 s10, $0x1;
	s10 =	sld [smem:$0x3FB8]  }
0x3d: {  	_ =	shalt  }
0x3e: {  	_ =	shalt  }
0x3f: {  	_ =	shalt  }
0x40: {  	_ =	shalt  }
0x41: {  	_ =	shalt  }
0x42: {  	_ =	shalt  }
0x43: {  	_ =	shalt  }
0x44: {  	_ =	shalt  }
0x45: {  	_ =	shalt  }
0x46: {  	_ =	shalt  }
0x47: {  	_ =	shalt  }
0x48: {  	_ =	shalt  }
0x49: {  	_ =	shalt  }
0x4a: {  	_ =	shalt  }
0x4b: {  	_ =	shalt  }
0x4c: {  	_ =	shalt  }
0x4d: {  	_ =	shalt  }
0x4e: {  	_ =	shalt  }
0x4f: {  	_ =	shalt  }
0x50: {  	_ =	shalt  }
0x51: {  	_ =	shalt  }
0x52: {  	_ =	shalt  }
0x53: {  	_ =	shalt  }
0x54: {  	_ =	shalt  }
0x55: {  	_ =	shalt  }
0x56: {  	_ =	shalt  }
0x57: {  	_ =	shalt  }
0x58: {  	_ =	shalt  }
0x59: {  	_ =	shalt  }
0x5a: {  	_ =	shalt  }
0x5b: {  	_ =	shalt  }
0x5c: {  	_ =	shalt  }
0x5d: {  	_ =	shalt  }
0x5e: {  	_ =	shalt  }
0x5f: {  	_ =	shalt  }
0x60: {  	_ =	shalt  }
0x61: {  	_ =	shalt  }
0x62: {  	_ =	shalt  }
0x63: {  	_ =	shalt  }
0x64: {  	_ =	shalt  }
0x65: {  	_ =	shalt  }
0x66: {  	_ =	shalt  }
0x67: {  	_ =	shalt  }
0x68: {  	_ =	shalt  }
0x69: {  	_ =	shalt  }
0x6a: {  	_ =	shalt  }
0x6b: {  	_ =	shalt  }
0x6c: {  	_ =	shalt  }
0x6d: {  	_ =	shalt  }
0x6e: {  	_ =	shalt  }
0x6f: {  	_ =	shalt  }
0x70: {  	_ =	shalt  }
0x71: {  	_ =	shalt  }
0x72: {  	_ =	shalt  }
0x73: {  	_ =	shalt  }
0x74: {  	_ =	shalt  }
0x75: {  	_ =	shalt  }
0x76: {  	_ =	shalt  }
0x77: {  	_ =	shalt  }
0x78: {  	_ =	shalt  }
0x79: {  	_ =	shalt  }
0x7a: {  	_ =	shalt  }
0x7b: {  	_ =	shalt  }
0x7c: {  	_ =	shalt  }
0x7d: {  	_ =	shalt  }
0x7e: {  	_ =	shalt  }
0x7f: {  	_ =	shalt  }
0x80: {  	_ =	shalt  }
0x81: {  	_ =	shalt  }
0x82: {  	_ =	shalt  }
0x83: {  	_ =	shalt  }
0x84: {  	_ =	shalt  }
0x85: {  	_ =	shalt  }
0x86: {  	_ =	shalt  }
0x87: {  	_ =	shalt  }
.Lfunc_end0:
.L_simem_size_0:
called_computation_lowered:
.L_overlay_start_0:
0x88: {  	s2 =	sld [smem:$0x3FD9]  }
0x89: {  	s3 =	sld [smem:$0x3FFE];
	_ =	sdelay $0x1  }
0x8a: {  	s1 =	srdreg.scid  }
0x8b: {  	s0 =	sand.u32 $0x1, s1  }
0x8c: {  	s17 =	sshll.u32 s0, $0xA;
	s2 =	sadd.s32 s3, s2  }
0x8d: {  	s2 =	sadd.s32 s2, s17  }
0x8e: {  	[smem:$0x3FC4] =	sst s2  }
0x8f: {  	_ = 	snop  }
0x90: {  	s2 =	sld [smem:$0x3FD0];
	(tm) =	ssettm $0x1  }
0x91: {  	s18 =	sld [smem:$0x3FFB];
	_ =	sdelay $0x3  }
0x92: {  	_ =	strace s18  }
0x93: {  	s3 =	sld [smem:$0x3FFC];
	_ =	sdelay $0x3  }
0x94: {  	_ =	strace s3  }
0x95: {  	s3 =	sld [smem:$0x3FFD];
	_ =	sdelay $0x3  }
0x96: {  	_ =	strace s3  }
0x97: {  	_ =	strace $0x8FFFFFFF  }
0x98: {  	s19 =	sld [smem:$0x3FDB];
	_ =	sdelay $0x1  }
0x99: {  	s4 =	simm.s32 $_scs_section_size  }
0x9a: {  	s5 =	simm.s32 $_size__tile_overlayer_lowered;
	s6 =	simm.s32 $_tile_overlayer_lowered  }
0x9b: {  	s22 =	simm.s32 $0x1BFF;
	s21 =	sshll.u32 s6, $0x1;
	s3 =	sadd.s32 s4, s19  }
0x9c: {  	s7 =	simm.s32 $0x0;
	s20 =	sshll.u32 s5, $0x1;
	s5 =	sadd.s32 s21, s3  }
0x9d: {  	[timem:s7], [sflag:s22] =	dma.local [hbm:s5], s20  }
0x9e: {  	_ =	swait.ge [sflag:s22], s20  }
0x9f: {  	s4 =	ssub.s32 $0x0, s20;
	[sflag:s22] =	ssyncset.done $0x0  }
0xa0: {  	[sflag:s22] =	ssyncadd.s32 s4;
	_ =	sdelay $0x1  }
0xa1: {  	s23 =	simm.s32 $0x1B8B  }
0xa2: {  	_ =	swait.ge [sflag:s23], $0x1  }
0xa3: {  	[sflag:s23] =	ssyncset.done $0x0  }
0xa4: {  	s25 =	simm.s32 $0x1B8E;
	s24 =	sld [smem:$0x3FFE];
	[sflag:s23] =	ssyncadd.s32 $0xFFFFFFFF  }
0xa5: {  	s26 =	simm.s32 $execute0_lowered;
	[smem:$0x3FD2] =	sst s25  }
0xa6: {  	s5 =	sshll.u32 s26, $0x1;
	_ =	strace $0x80000046;
	[dreg:$0x1] =	wrdreg $0xFFFFFFFF  }
0xa7: {  	s28 =	simm.s32 $_size_execute0_lowered;
	s3 =	sadd.s32 s3, s5;
	[dreg:$0x0] =	wrdreg $0x0  }
0xa8: {  	s5 =	sshll.u32 s28, $0x1;
	[dreg:$0x2] =	wrdreg s3  }
0xa9: {  	[dreg:$0x3] =	wrdreg s5  }
0xaa: {  	[dreg:$0x4] =	wrdreg $0xC0  }
0xab: {  	_ =	task [dreg:s7], $0x5FFFF  }
0xac: {  	[dreg:$0x1] =	wrdreg $0xFFFFFFFF  }
0xad: {  	[dreg:$0x0] =	wrdreg $0x60  }
0xae: {  	[dreg:$0x2] =	wrdreg s24  }
0xaf: {  	[dreg:$0x3] =	wrdreg s2  }
0xb0: {  	[dreg:$0x4] =	wrdreg $0x9  }
0xb1: {  	_ =	task.clear_ibuf [dreg:s7], $0x5FFFF;
	_ =	strace $0x90000046  }
0xb2: {  	s29 =	simm.s32 $0x9;
	_ =	strace $0x80000048  }
0xb3: {  	_ =	swait.ge [sflag:s29], $0x1  }
0xb4: {  	[sflag:s29] =	ssyncadd.s32 $0xFFFFFFFF  }
0xb5: {  	_ =	strace $0x90000048  }
0xb6: {  	_ =	sfence  }
0xb7: {  	s30 =	sld [smem:$0x0];
	_ =	sdelay $0x2  }
0xb8: {  	s31 =	sshll.u32 s1, $0xD;
	s1 =	sshrl.u32 s1, $0x2  }
0xb9: {  	s3 =	sand.u32 $0x4000, s31;
	s1 =	sadd.s32 s1, s30  }
0xba: {  	s0 =	sor.u32 s3, s0;
	s1 =	sshll.u32 s1, $0x11  }
0xbb: {  	s0 =	sor.u32 s1, s0  }
0xbc: {  	s0 =	sadd.s32 $0x8F2B, s0  }
0xbd: {  	[sflag:s0] =	ssyncadd.remote.s32 $0x1  }
0xbe: {  	_ =	sfence.sel $0xFFFF  }
0xbf: {  	[dreg:$0x0] =	wrdreg $0xFFFFFFFF;
	(pc) =	sbr.abs _section_cstart, $3  }
0xc0: {  	[dreg:$0x1] =	wrdreg $0xFFFFFFFF  }
0xc1: {  	_ =	task.clear_ibuf [dreg:s7], $0x2FFFF;
	_ =	strace $0x9FFFFFFF  }
0xc2: {  	(tm) =	ssettm $0x7FFFFFFF  }
0xc3: {  	_ =	shalt  }
tec
execute0_lowered:
.L_overlay_start_1:
0x0: {  	(tag) =	ssettag $0x1  }
0x1: {  	v1 =	vlaneseq.u32  }
0x2: {  	v0 =	vmul.u32 $0x1000, v1  }
0x3: {  	s1 =	simm.s32 $0x0  }
0x4: {  	[smem:$0x7FF] =	sst s1;
	v12 =	vor.u32 $0x80, v0  }
0x5: {  	s0 =	rddreg [dreg:$0x0];
	_ =	strace $0x80000047;
	v13 =	vor.u32 $0x100, v0;
	[tilespmem:$0x1FE80] =	vst v12  }
0x6: {  	v14 =	vor.u32 $0x180, v0;
	[tilespmem:$0x1FE90] =	vst v13  }
0x7: {  	v15 =	vor.u32 $0x200, v0;
	[tilespmem:$0x1FEA0] =	vst v14  }
0x8: {  	v16 =	vor.u32 $0x280, v0;
	[tilespmem:$0x1FEB0] =	vst v15  }
0x9: {  	v17 =	vor.u32 $0x300, v0;
	[tilespmem:$0x1FEC0] =	vst v16  }
0xa: {  	v18 =	vor.u32 $0x380, v0;
	[tilespmem:$0x1FED0] =	vst v17  }
0xb: {  	s18 =	srdreg.scid;
	s4 =	stileid.u32;
	v19 =	vor.u32 $0x400, v0;
	[tilespmem:$0x1FEE0] =	vst v18  }
0xc: {  	s12 =	simm.s32 $0xA00;
	s22 =	simm.s32 $0x10A00;
	s23 =	simm.s32 $0x10A80;
	v20 =	vor.u32 $0x480, v0;
	[tilespmem:$0x1FEF0] =	vst v19  }
0xd: {  	s24 =	simm.s32 $0x10B00;
	s25 =	simm.s32 $0x10B80;
	s26 =	simm.s32 $0x10C00;
	v21 =	vor.u32 $0x500, v0;
	[tilespmem:$0x1FF00] =	vst v20  }
0xe: {  	s28 =	simm.s32 $0x11000;
	s29 =	simm.s32 $0x11080;
	s30 =	simm.s32 $0x11100;
	v22 =	vor.u32 $0x580, v0;
	[tilespmem:$0x1FF10] =	vst v21  }
0xf: {  	s31 =	simm.s32 $0x11180;
	s7 =	simm.s32 $0x11800;
	s2 =	sadd.s32 $0x61A00, s0;
	v23 =	vor.u32 $0x600, v0;
	[tilespmem:$0x1FF20] =	vst v22  }
0x10: {  	s11 =	simm.s32 $0x11880;
	s3 =	sadd.s32 $0x1A00, s0;
	[dreg:$0x8] =	wrdreg s2;
	v24 =	vor.u32 $0x680, v0;
	[tilespmem:$0x1FF30] =	vst v23  }
0x11: {  	s5 =	simm.s32 $0x11900;
	s0 =	sadd.s32 $0xC1A00, s0;
	[dreg:$0x9] =	wrdreg s3;
	v25 =	vor.u32 $0x700, v0;
	[tilespmem:$0x1FF40] =	vst v24  }
0x12: {  	s9 =	simm.s32 $0x11980;
	s8 =	simm.s32 $0x11300;
	[dreg:$0xa] =	wrdreg s0;
	v26 =	vor.u32 $0x780, v0;
	[tilespmem:$0x1FF50] =	vst v25  }
0x13: {  	s13 =	simm.s32 $0x11480;
	s14 =	simm.s32 $0x11500;
	[dreg:$0x3] =	wrdreg s22;
	v44 =	vor.u32 $0x800, v0;
	[tilespmem:$0x1FF60] =	vst v26  }
0x14: {  	s15 =	simm.s32 $0x11580;
	s16 =	simm.s32 $0x11600;
	[dreg:$0x4] =	wrdreg s23;
	v45 =	vor.u32 $0x880, v0;
	[tilespmem:$0x1FF70] =	vst v44  }
0x15: {  	s17 =	simm.s32 $0x11680;
	s6 =	simm.s32 $0x11780;
	[dreg:$0x5] =	wrdreg s24;
	v46 =	vor.u32 $0x900, v0;
	[tilespmem:$0x1FF80] =	vst v45  }
0x16: {  	s1 =	sand.u32 $0x1, s18;
	s4 =	sshll.u32 s4, $0x1;
	[dreg:$0x6] =	wrdreg s25;
	v47 =	vor.u32 $0x980, v0;
	[tilespmem:$0x1FF90] =	vst v46  }
0x17: {  	s19 =	ssub.s32 $0x2, s1;
	s1 =	sor.u32 s1, s4;
	[dreg:$0x7] =	wrdreg s26;
	v48 =	vor.u32 $0xA00, v0;
	[tilespmem:$0x1FFA0] =	vst v47  }
0x18: {  	s22 =	simm.s32 $0x10D80;
	s23 =	simm.s32 $0x10E00;
	s24 =	simm.s32 $0x10E80;
	v49 =	vor.u32 $0xA80, v0;
	[tilespmem:$0x1FFB0] =	vst v48  }
0x19: {  	v2 =	vmul.u32 $0x80, v1;
	s25 =	simm.s32 $0x10F00;
	s20 =	sshrl.u32 s19, $0x1;
	s1 =	smul.u32 $0x30, s1;
	v50 =	vor.u32 $0xB00, v0;
	[tilespmem:$0x1FFC0] =	vst v49  }
0x1a: {  	s26 =	simm.s32 $0x10F80;
	s3 =	simm.s32 $0x11280;
	v51 =	vor.u32 $0xB80, v0;
	v52 =	vor.u32 $0xC00, v0;
	v27 =	vor.u32 $0xC80, v0;
	s21 =	ssub.s32 s19, s20;
	[tilespmem:$0x1FFD0] =	vst v50  }
0x1b: {  	s4 =	simm.s32 $0x11700;
	v28 =	vor.u32 $0xD00, v0;
	v29 =	vor.u32 $0xD80, v0;
	v30 =	vor.u32 $0xE00, v0;
	[tilespmem:$0x1FFE0] =	vst v51;
	[dreg:$0xb] =	wrdreg s1;
	s0 =	smax.u32 s21, $0x1  }
0x1c: {  	v31 =	vor.u32 $0xE80, v0;
	v32 =	vor.u32 $0xF00, v0;
	v33 =	vor.u32 $0xF80, v0;
	[tilespmem:$0x1FFF0] =	vst v52;
	s21 =	simm.s32 $0x10D00;
	[dreg:$0xc] =	wrdreg s0;
	s0 =	simm.s32 $0x0  }
.LBB2_1:
0x1d: {  	[dreg:$0xd] =	wrdreg s0;
	s0 =	simm.s32 $0x0  }
.LBB2_2:
0x1e: {  	s10 =	rddreg [dreg:$0xb]  }
0x1f: {  	s10 =	sadd.s32 s10, s0  }
0x20: {  	s18 =	sand.u32 $0x7F, s10  }
0x21: {  	s20 =	rddreg [dreg:$0x1];
	s10 =	sshrl.u32 s10, $0x7;
	s19 =	sshll.u32 s18, $0x6  }
0x22: {  	s1 =	sshll.u32 s10, $0xD;
	s10 =	sshll.u32 s10, $0xF;
	s19 =	sadd.s32 s20, s19  }
0x23: {  	s18 =	sshll.u32 s18, $0x8;
	s19 =	sadd.s32 s1, s19;
	s1 =	simm.s32 $0x0  }
0x24: {  	[tilespmem:s1], [sflag:$0x2] =	stream.linear.gather [hbm4b:s19+s1], $0x200, $0x38;
	[tilespmem:$0x12200] =	vst v63  }
0x25: {  	[dreg:$0xe] =	wrdreg s0;
	s2 =	simm.s32 $0x2;
	s19 =	sor.u32 s18, s10  }
0x26: {  	_ =	swait.ge [sflag:s2], $0x200;
	[dreg:$0xf] =	wrdreg s19  }
0x27: {  	[sflag:s2] =	ssyncset.done $0x0;
	s20 =	rddreg [dreg:$0x8]  }
0x28: {  	[sflag:s2] =	ssyncadd.s32 $0xFFFFFE00;
	s10 =	sadd.s32 s20, s19;
	s20 =	simm.s32 $0x200  }
0x29: {  	[tilespmem:s20], [sflag:$0x2] =	stream.linear.gather [hbm4b:s10+s1], $0x800, $0x38;
	[tilespmem:$0x12200] =	vst v63  }
0x2a: {  	_ =	swait.ge [sflag:s2], $0x800  }
0x2b: {  	[sflag:s2] =	ssyncset.done $0x0  }
0x2c: {  	s0 =	simm.s32 $0x80;
	s10 =	rddreg [dreg:$0x9];
	[sflag:s2] =	ssyncadd.s32 $0xFFFFF800  }
0x2d: {  	[tilespmem:s12], [sflag:$0x1] =	stream.indirect.gather [hbm4b:s10+s0], $0x80, s1, s0, $0xb8;
	[tilespmem:$0x12200] =	vst v63  }
0x2e: {  	s2 =	simm.s32 $0x4A00  }
0x2f: {  	[tilespmem:s2], [sflag:$0x1] =	stream.indirect.gather [hbm4b:s10+s0], $0x80, s0, s0, $0xb8;
	[tilespmem:$0x12200] =	vst v63  }
0x30: {  	s18 =	simm.s32 $0x100;
	s2 =	simm.s32 $0x8A00  }
0x31: {  	[tilespmem:s2], [sflag:$0x1] =	stream.indirect.gather [hbm4b:s10+s0], $0x80, s18, s0, $0xb8;
	[tilespmem:$0x12200] =	vst v63  }
0x32: {  	s19 =	simm.s32 $0x180;
	s2 =	simm.s32 $0xCA00  }
0x33: {  	[tilespmem:s2], [sflag:$0x1] =	stream.indirect.gather [hbm4b:s10+s0], $0x80, s19, s0, $0xb8;
	[tilespmem:$0x12200] =	vst v63  }
0x34: {  	s0 =	simm.s32 $0x1  }
0x35: {  	_ =	swait.ge [sflag:s0], $0x4000  }
0x36: {  	[sflag:s0] =	ssyncset.done $0x0  }
0x37: {  	[sflag:s0] =	ssyncadd.s32 $0xFFFFC000  }
0x38: {  	_ =	swait.ge [sflag:s0], $0x4000  }
0x39: {  	[sflag:s0] =	ssyncset.done $0x0  }
0x3a: {  	[sflag:s0] =	ssyncadd.s32 $0xFFFFC000  }
0x3b: {  	_ =	swait.ge [sflag:s0], $0x4000  }
0x3c: {  	[sflag:s0] =	ssyncset.done $0x0  }
0x3d: {  	[sflag:s0] =	ssyncadd.s32 $0xFFFFC000  }
0x3e: {  	_ =	swait.ge [sflag:s0], $0x4000  }
0x3f: {  	[sflag:s0] =	ssyncset.done $0x0  }
0x40: {  	v4 =	vimm.f32 $0.0e+00;
	[sflag:s0] =	ssyncadd.s32 $0xFFFFC000  }
0x41: {  	[tilespmem:$0x10A00] =	vst v4  }
0x42: {  	[tilespmem:$0x10A80] =	vst v4  }
0x43: {  	[tilespmem:$0x10B00] =	vst v4  }
0x44: {  	[tilespmem:$0x10B80] =	vst v4  }
0x45: {  	[tilespmem:$0x10C00] =	vst v4  }
0x46: {  	[tilespmem:$0x10C80] =	vst v4  }
0x47: {  	[tilespmem:$0x10D00] =	vst v4  }
0x48: {  	[tilespmem:$0x10D80] =	vst v4  }
0x49: {  	[tilespmem:$0x10E00] =	vst v4  }
0x4a: {  	[tilespmem:$0x10E80] =	vst v4  }
0x4b: {  	[tilespmem:$0x10F00] =	vst v4  }
0x4c: {  	[tilespmem:$0x10F80] =	vst v4  }
0x4d: {  	[tilespmem:$0x11000] =	vst v4  }
0x4e: {  	[tilespmem:$0x11080] =	vst v4  }
0x4f: {  	[tilespmem:$0x11100] =	vst v4  }
0x50: {  	[tilespmem:$0x11180] =	vst v4  }
0x51: {  	[tilespmem:$0x11200] =	vst v4  }
0x52: {  	[tilespmem:$0x11280] =	vst v4  }
0x53: {  	[tilespmem:$0x11300] =	vst v4  }
0x54: {  	[tilespmem:$0x11380] =	vst v4  }
0x55: {  	[tilespmem:$0x11400] =	vst v4  }
0x56: {  	[tilespmem:$0x11480] =	vst v4  }
0x57: {  	[tilespmem:$0x11500] =	vst v4  }
0x58: {  	v1 =	vmov s1;
	[tilespmem:$0x11580] =	vst v4  }
0x59: {  	v1 =	vand.u32 $0x7F, v1;
	[tilespmem:$0x11600] =	vst v4  }
0x5a: {  	v39 =	vbroadcast v1, $0x0;
	[tilespmem:$0x11680] =	vst v4  }
0x5b: {  	[tilespmem:$0x11700] =	vst v4  }
0x5c: {  	v1 =	vor.u32 v2, v39;
	[tilespmem:$0x11780] =	vst v4  }
0x5d: {  	v3 =	vor.u32 v0, v39;
	[tilespmem:$0x11800] =	vst v4  }
0x5e: {  	[tilespmem:$0x11880] =	vst v4  }
0x5f: {  	[tilespmem:$0x11900] =	vst v4  }
0x60: {  	[tilespmem:$0x11980] =	vst v4  }
0x61: {  	v34 =	vld.idx.msk [tilespmem:v1+s20+$0x0], $0xffff  }
0x62: {  	v1 =	vld.idx.msk [tilespmem:v3+s12+$0x0], $0xffff;
	_ =	sdelay $0x2  }
0x63: {  	v3 =	vor.u32 v12, v39;
	_ =	sdelay $0x1  }
0x64: {  	v1 =	vmul.f32 v1, v34  }
0x65: {  	s1 =	rddreg [dreg:$0x3]  }
0x66: {  	[tilespmem:s1+$0x0] =	vst.add.f32.msk $0xffff, v1  }
0x67: {  	v1 =	vld.idx.msk [tilespmem:v3+s12+$0x0], $0xffff;
	_ =	sdelay $0x2  }
0x68: {  	v3 =	vor.u32 v13, v39;
	_ =	sdelay $0x1  }
0x69: {  	v1 =	vmul.f32 v1, v34  }
0x6a: {  	s10 =	rddreg [dreg:$0x4]  }
0x6b: {  	[tilespmem:s10+$0x0] =	vst.add.f32.msk $0xffff, v1  }
0x6c: {  	v1 =	vld.idx.msk [tilespmem:v3+s12+$0x0], $0xffff;
	_ =	sdelay $0x2  }
0x6d: {  	v3 =	vor.u32 v14, v39;
	_ =	sdelay $0x1  }
0x6e: {  	v1 =	vmul.f32 v1, v34  }
0x6f: {  	s10 =	rddreg [dreg:$0x5]  }
0x70: {  	[tilespmem:s10+$0x0] =	vst.add.f32.msk $0xffff, v1  }
0x71: {  	v1 =	vld.idx.msk [tilespmem:v3+s12+$0x0], $0xffff;
	_ =	sdelay $0x2  }
0x72: {  	v3 =	vor.u32 v15, v39;
	_ =	sdelay $0x1  }
0x73: {  	v1 =	vmul.f32 v1, v34  }
0x74: {  	s10 =	rddreg [dreg:$0x6]  }
0x75: {  	[tilespmem:s10+$0x0] =	vst.add.f32.msk $0xffff, v1  }
0x76: {  	v1 =	vld.idx.msk [tilespmem:v3+s12+$0x0], $0xffff;
	_ =	sdelay $0x2  }
0x77: {  	v3 =	vor.u32 v16, v39;
	_ =	sdelay $0x1  }
0x78: {  	v1 =	vmul.f32 v1, v34  }
0x79: {  	s10 =	rddreg [dreg:$0x7]  }
0x7a: {  	[tilespmem:s10+$0x0] =	vst.add.f32.msk $0xffff, v1  }
0x7b: {  	v1 =	vld.idx.msk [tilespmem:v3+s12+$0x0], $0xffff;
	_ =	sdelay $0x2  }
0x7c: {  	v3 =	vor.u32 v17, v39;
	_ =	sdelay $0x1  }
0x7d: {  	v1 =	vmul.f32 v1, v34  }
0x7e: {  	s19 =	simm.s32 $0x10C80  }
0x7f: {  	s2 =	simm.s32 $0x1;
	[tilespmem:s19+$0x0] =	vst.add.f32.msk $0xffff, v1  }
0x80: {  	v1 =	vmov s2;
	v3 =	vld.idx.msk [tilespmem:v3+s12+$0x0], $0xffff  }
0x81: {  	v1 =	vand.u32 $0x7F, v1  }
0x82: {  	v36 =	vbroadcast v1, $0x0  }
0x83: {  	v1 =	vor.u32 v18, v39  }
0x84: {  	v4 =	vor.u32 v2, v36  }
0x85: {  	v5 =	vor.u32 v0, v36;
	v3 =	vmul.f32 v3, v34;
	_ =	sdelay $0x1  }
0x86: {  	[tilespmem:s21+$0x0] =	vst.add.f32.msk $0xffff, v3  }
0x87: {  	v1 =	vld.idx.msk [tilespmem:v1+s12+$0x0], $0xffff  }
0x88: {  	v35 =	vld.idx.msk [tilespmem:v4+s20+$0x0], $0xffff  }
0x89: {  	v3 =	vld.idx.msk [tilespmem:v5+s12+$0x0], $0xffff  }
0x8a: {  	v4 =	vor.u32 v19, v39;
	_ =	sdelay $0x1  }
0x8b: {  	v5 =	vor.u32 v12, v36;
	v1 =	vmul.f32 v1, v34;
	_ =	sdelay $0x1  }
0x8c: {  	v3 =	vmul.f32 v3, v35;
	[tilespmem:s22+$0x0] =	vst.add.f32.msk $0xffff, v1  }
0x8d: {  	s18 =	rddreg [dreg:$0x3];
	v1 =	vld.idx.msk [tilespmem:v4+s12+$0x0], $0xffff  }
0x8e: {  	[tilespmem:s18+$0x0] =	vst.add.f32.msk $0xffff, v3  }
0x8f: {  	v3 =	vld.idx.msk [tilespmem:v5+s12+$0x0], $0xffff  }
0x90: {  	v4 =	vor.u32 v20, v39;
	_ =	sdelay $0x1  }
0x91: {  	v5 =	vor.u32 v13, v36;
	v1 =	vmul.f32 v1, v34;
	_ =	sdelay $0x1  }
0x92: {  	v3 =	vmul.f32 v3, v35;
	[tilespmem:s23+$0x0] =	vst.add.f32.msk $0xffff, v1  }
0x93: {  	s10 =	rddreg [dreg:$0x4];
	v1 =	vld.idx.msk [tilespmem:v4+s12+$0x0], $0xffff  }
0x94: {  	[tilespmem:s10+$0x0] =	vst.add.f32.msk $0xffff, v3  }
0x95: {  	v3 =	vld.idx.msk [tilespmem:v5+s12+$0x0], $0xffff  }
0x96: {  	v4 =	vor.u32 v21, v39;
	_ =	sdelay $0x1  }
0x97: {  	v5 =	vor.u32 v14, v36;
	v1 =	vmul.f32 v1, v34;
	_ =	sdelay $0x1  }
0x98: {  	v3 =	vmul.f32 v3, v35;
	[tilespmem:s24+$0x0] =	vst.add.f32.msk $0xffff, v1  }
0x99: {  	s10 =	rddreg [dreg:$0x5];
	v1 =	vld.idx.msk [tilespmem:v4+s12+$0x0], $0xffff  }
0x9a: {  	[tilespmem:s10+$0x0] =	vst.add.f32.msk $0xffff, v3  }
0x9b: {  	v3 =	vld.idx.msk [tilespmem:v5+s12+$0x0], $0xffff  }
0x9c: {  	v4 =	vor.u32 v22, v39;
	_ =	sdelay $0x1  }
0x9d: {  	v5 =	vor.u32 v15, v36;
	v1 =	vmul.f32 v1, v34;
	_ =	sdelay $0x1  }
0x9e: {  	v3 =	vmul.f32 v3, v35;
	[tilespmem:s25+$0x0] =	vst.add.f32.msk $0xffff, v1  }
0x9f: {  	s10 =	rddreg [dreg:$0x6];
	v1 =	vld.idx.msk [tilespmem:v4+s12+$0x0], $0xffff  }
0xa0: {  	[tilespmem:s10+$0x0] =	vst.add.f32.msk $0xffff, v3  }
0xa1: {  	v3 =	vld.idx.msk [tilespmem:v5+s12+$0x0], $0xffff  }
0xa2: {  	v4 =	vor.u32 v23, v39;
	_ =	sdelay $0x1  }
0xa3: {  	v5 =	vor.u32 v16, v36;
	v1 =	vmul.f32 v1, v34;
	_ =	sdelay $0x1  }
0xa4: {  	v3 =	vmul.f32 v3, v35;
	[tilespmem:s26+$0x0] =	vst.add.f32.msk $0xffff, v1  }
0xa5: {  	s10 =	rddreg [dreg:$0x7];
	v1 =	vld.idx.msk [tilespmem:v4+s12+$0x0], $0xffff  }
0xa6: {  	[tilespmem:s10+$0x0] =	vst.add.f32.msk $0xffff, v3  }
0xa7: {  	v3 =	vld.idx.msk [tilespmem:v5+s12+$0x0], $0xffff  }
0xa8: {  	v4 =	vor.u32 v24, v39;
	_ =	sdelay $0x1  }
0xa9: {  	v5 =	vor.u32 v17, v36;
	v1 =	vmul.f32 v1, v34;
	_ =	sdelay $0x1  }
0xaa: {  	v3 =	vmul.f32 v3, v35;
	[tilespmem:s28+$0x0] =	vst.add.f32.msk $0xffff, v1  }
0xab: {  	v1 =	vld.idx.msk [tilespmem:v4+s12+$0x0], $0xffff  }
0xac: {  	s0 =	simm.s32 $0x2;
	[tilespmem:s19+$0x0] =	vst.add.f32.msk $0xffff, v3  }
0xad: {  	v3 =	vmov s0;
	v4 =	vld.idx.msk [tilespmem:v5+s12+$0x0], $0xffff  }
0xae: {  	v3 =	vand.u32 $0x7F, v3;
	v5 =	vor.u32 v25, v39  }
0xaf: {  	v38 =	vbroadcast v3, $0x0  }
0xb0: {  	v3 =	vor.u32 v18, v36;
	v1 =	vmul.f32 v1, v34  }
0xb1: {  	v6 =	vor.u32 v2, v38  }
0xb2: {  	v7 =	vor.u32 v0, v38;
	v4 =	vmul.f32 v4, v35;
	[tilespmem:s29+$0x0] =	vst.add.f32.msk $0xffff, v1  }
0xb3: {  	v1 =	vld.idx.msk [tilespmem:v5+s12+$0x0], $0xffff  }
0xb4: {  	[tilespmem:s21+$0x0] =	vst.add.f32.msk $0xffff, v4  }
0xb5: {  	v3 =	vld.idx.msk [tilespmem:v3+s12+$0x0], $0xffff  }
0xb6: {  	v4 =	vor.u32 v26, v39;
	v37 =	vld.idx.msk [tilespmem:v6+s20+$0x0], $0xffff  }
0xb7: {  	v5 =	vld.idx.msk [tilespmem:v7+s12+$0x0], $0xffff  }
0xb8: {  	v6 =	vor.u32 v19, v36;
	v1 =	vmul.f32 v1, v34;
	_ =	sdelay $0x1  }
0xb9: {  	v7 =	vor.u32 v12, v38;
	v3 =	vmul.f32 v3, v35;
	[tilespmem:s30+$0x0] =	vst.add.f32.msk $0xffff, v1  }
0xba: {  	v1 =	vld.idx.msk [tilespmem:v4+s12+$0x0], $0xffff  }
0xbb: {  	[tilespmem:s22+$0x0] =	vst.add.f32.msk $0xffff, v3;
	v4 =	vmul.f32 v5, v37  }
0xbc: {  	s1 =	rddreg [dreg:$0x3];
	v3 =	vld.idx.msk [tilespmem:v6+s12+$0x0], $0xffff  }
0xbd: {  	[tilespmem:s1+$0x0] =	vst.add.f32.msk $0xffff, v4;
	v4 =	vor.u32 v44, v39  }
0xbe: {  	v5 =	vld.idx.msk [tilespmem:v7+s12+$0x0], $0xffff  }
0xbf: {  	v6 =	vor.u32 v20, v36;
	v1 =	vmul.f32 v1, v34;
	_ =	sdelay $0x1  }
0xc0: {  	v7 =	vor.u32 v13, v38;
	v3 =	vmul.f32 v3, v35;
	[tilespmem:s31+$0x0] =	vst.add.f32.msk $0xffff, v1  }
0xc1: {  	v1 =	vld.idx.msk [tilespmem:v4+s12+$0x0], $0xffff  }
0xc2: {  	[tilespmem:s23+$0x0] =	vst.add.f32.msk $0xffff, v3;
	v4 =	vmul.f32 v5, v37  }
0xc3: {  	s10 =	rddreg [dreg:$0x4];
	v3 =	vld.idx.msk [tilespmem:v6+s12+$0x0], $0xffff  }
0xc4: {  	[tilespmem:s10+$0x0] =	vst.add.f32.msk $0xffff, v4;
	v4 =	vor.u32 v45, v39  }
0xc5: {  	v5 =	vld.idx.msk [tilespmem:v7+s12+$0x0], $0xffff  }
0xc6: {  	v6 =	vor.u32 v21, v36;
	v1 =	vmul.f32 v1, v34  }
0xc7: {  	s0 =	simm.s32 $0x11200  }
0xc8: {  	v7 =	vor.u32 v14, v38;
	v3 =	vmul.f32 v3, v35;
	[tilespmem:s0+$0x0] =	vst.add.f32.msk $0xffff, v1  }
0xc9: {  	v1 =	vld.idx.msk [tilespmem:v4+s12+$0x0], $0xffff  }
0xca: {  	[tilespmem:s24+$0x0] =	vst.add.f32.msk $0xffff, v3;
	v4 =	vmul.f32 v5, v37  }
0xcb: {  	s10 =	rddreg [dreg:$0x5];
	v3 =	vld.idx.msk [tilespmem:v6+s12+$0x0], $0xffff  }
0xcc: {  	[tilespmem:s10+$0x0] =	vst.add.f32.msk $0xffff, v4;
	v4 =	vor.u32 v46, v39  }
0xcd: {  	v5 =	vld.idx.msk [tilespmem:v7+s12+$0x0], $0xffff  }
0xce: {  	v6 =	vor.u32 v22, v36;
	v1 =	vmul.f32 v1, v34;
	_ =	sdelay $0x1  }
0xcf: {  	v7 =	vor.u32 v15, v38;
	v3 =	vmul.f32 v3, v35;
	[tilespmem:s3+$0x0] =	vst.add.f32.msk $0xffff, v1  }
0xd0: {  	v1 =	vld.idx.msk [tilespmem:v4+s12+$0x0], $0xffff  }
0xd1: {  	[tilespmem:s25+$0x0] =	vst.add.f32.msk $0xffff, v3;
	v4 =	vmul.f32 v5, v37  }
0xd2: {  	s10 =	rddreg [dreg:$0x6];
	v3 =	vld.idx.msk [tilespmem:v6+s12+$0x0], $0xffff  }
0xd3: {  	[tilespmem:s10+$0x0] =	vst.add.f32.msk $0xffff, v4;
	v4 =	vor.u32 v47, v39  }
0xd4: {  	v5 =	vld.idx.msk [tilespmem:v7+s12+$0x0], $0xffff  }
0xd5: {  	v6 =	vor.u32 v23, v36;
	v1 =	vmul.f32 v1, v34;
	_ =	sdelay $0x1  }
0xd6: {  	v7 =	vor.u32 v16, v38;
	v3 =	vmul.f32 v3, v35;
	[tilespmem:s8+$0x0] =	vst.add.f32.msk $0xffff, v1  }
0xd7: {  	v1 =	vld.idx.msk [tilespmem:v4+s12+$0x0], $0xffff  }
0xd8: {  	[tilespmem:s26+$0x0] =	vst.add.f32.msk $0xffff, v3;
	v4 =	vmul.f32 v5, v37  }
0xd9: {  	s10 =	rddreg [dreg:$0x7];
	v3 =	vld.idx.msk [tilespmem:v6+s12+$0x0], $0xffff  }
0xda: {  	s2 =	simm.s32 $0x3;
	[tilespmem:s10+$0x0] =	vst.add.f32.msk $0xffff, v4;
	v4 =	vor.u32 v48, v39  }
0xdb: {  	v5 =	vmov s2;
	v6 =	vld.idx.msk [tilespmem:v7+s12+$0x0], $0xffff  }
0xdc: {  	v5 =	vand.u32 $0x7F, v5;
	v7 =	vor.u32 v24, v36;
	v1 =	vmul.f32 v1, v34  }
0xdd: {  	s1 =	simm.s32 $0x11380;
	v41 =	vbroadcast v5, $0x0  }
0xde: {  	v5 =	vor.u32 v17, v38;
	v3 =	vmul.f32 v3, v35;
	[tilespmem:s1+$0x0] =	vst.add.f32.msk $0xffff, v1  }
0xdf: {  	v1 =	vor.u32 v2, v41;
	v4 =	vld.idx.msk [tilespmem:v4+s12+$0x0], $0xffff  }
0xe0: {  	v8 =	vor.u32 v0, v41;
	[tilespmem:s28+$0x0] =	vst.add.f32.msk $0xffff, v3;
	v6 =	vmul.f32 v6, v37  }
0xe1: {  	v3 =	vld.idx.msk [tilespmem:v7+s12+$0x0], $0xffff  }
0xe2: {  	[tilespmem:s19+$0x0] =	vst.add.f32.msk $0xffff, v6;
	v6 =	vor.u32 v49, v39  }
0xe3: {  	v5 =	vld.idx.msk [tilespmem:v5+s12+$0x0], $0xffff  }
0xe4: {  	v40 =	vld.idx.msk [tilespmem:v1+s20+$0x0], $0xffff;
	v1 =	vor.u32 v25, v36;
	v4 =	vmul.f32 v4, v34  }
0xe5: {  	s2 =	simm.s32 $0x11400;
	v7 =	vld.idx.msk [tilespmem:v8+s12+$0x0], $0xffff  }
0xe6: {  	v8 =	vor.u32 v18, v38;
	v3 =	vmul.f32 v3, v35;
	[tilespmem:s2+$0x0] =	vst.add.f32.msk $0xffff, v4  }
0xe7: {  	v4 =	vld.idx.msk [tilespmem:v6+s12+$0x0], $0xffff  }
0xe8: {  	[tilespmem:s29+$0x0] =	vst.add.f32.msk $0xffff, v3;
	v6 =	vor.u32 v12, v41;
	v5 =	vmul.f32 v5, v37  }
0xe9: {  	v1 =	vld.idx.msk [tilespmem:v1+s12+$0x0], $0xffff  }
0xea: {  	v3 =	vmul.f32 v7, v40;
	[tilespmem:s21+$0x0] =	vst.add.f32.msk $0xffff, v5;
	v5 =	vor.u32 v50, v39  }
0xeb: {  	s18 =	rddreg [dreg:$0x3];
	v7 =	vld.idx.msk [tilespmem:v8+s12+$0x0], $0xffff  }
0xec: {  	[tilespmem:s18+$0x0] =	vst.add.f32.msk $0xffff, v3;
	v3 =	vor.u32 v26, v36;
	v4 =	vmul.f32 v4, v34  }
0xed: {  	v6 =	vld.idx.msk [tilespmem:v6+s12+$0x0], $0xffff  }
0xee: {  	v8 =	vor.u32 v19, v38;
	v1 =	vmul.f32 v1, v35;
	[tilespmem:s13+$0x0] =	vst.add.f32.msk $0xffff, v4  }
0xef: {  	v4 =	vld.idx.msk [tilespmem:v5+s12+$0x0], $0xffff  }
0xf0: {  	v5 =	vor.u32 v13, v41;
	v7 =	vmul.f32 v7, v37;
	[tilespmem:s30+$0x0] =	vst.add.f32.msk $0xffff, v1  }
0xf1: {  	v1 =	vld.idx.msk [tilespmem:v3+s12+$0x0], $0xffff  }
0xf2: {  	v3 =	vmul.f32 v6, v40;
	[tilespmem:s22+$0x0] =	vst.add.f32.msk $0xffff, v7;
	v6 =	vor.u32 v51, v39  }
0xf3: {  	s10 =	rddreg [dreg:$0x4];
	v7 =	vld.idx.msk [tilespmem:v8+s12+$0x0], $0xffff  }
0xf4: {  	[tilespmem:s10+$0x0] =	vst.add.f32.msk $0xffff, v3;
	v3 =	vor.u32 v44, v36;
	v4 =	vmul.f32 v4, v34  }
0xf5: {  	v5 =	vld.idx.msk [tilespmem:v5+s12+$0x0], $0xffff  }
0xf6: {  	v8 =	vor.u32 v20, v38;
	v1 =	vmul.f32 v1, v35;
	[tilespmem:s14+$0x0] =	vst.add.f32.msk $0xffff, v4  }
0xf7: {  	v4 =	vld.idx.msk [tilespmem:v6+s12+$0x0], $0xffff  }
0xf8: {  	v6 =	vmul.f32 v7, v37;
	[tilespmem:s31+$0x0] =	vst.add.f32.msk $0xffff, v1  }
0xf9: {  	v1 =	vld.idx.msk [tilespmem:v3+s12+$0x0], $0xffff  }
0xfa: {  	v3 =	vor.u32 v52, v39;
	[tilespmem:s23+$0x0] =	vst.add.f32.msk $0xffff, v6  }
0xfb: {  	s18 =	simm.s32 $0x4;
	v5 =	vmul.f32 v5, v40;
	v6 =	vld.idx.msk [tilespmem:v8+s12+$0x0], $0xffff  }
0xfc: {  	s10 =	rddreg [dreg:$0x5];
	v7 =	vmov s18;
	v8 =	vor.u32 v45, v36;
	v4 =	vmul.f32 v4, v34  }
0xfd: {  	[tilespmem:s10+$0x0] =	vst.add.f32.msk $0xffff, v5;
	v5 =	vand.u32 $0x7F, v7  }
0xfe: {  	v7 =	vor.u32 v21, v38;
	v43 =	vbroadcast v5, $0x0;
	v1 =	vmul.f32 v1, v35;
	[tilespmem:s15+$0x0] =	vst.add.f32.msk $0xffff, v4  }
0xff: {  	v4 =	vor.u32 v14, v41;
	v3 =	vld.idx.msk [tilespmem:v3+s12+$0x0], $0xffff  }
0x100: {  	v5 =	vmul.f32 v6, v37;
	[tilespmem:s0+$0x0] =	vst.add.f32.msk $0xffff, v1;
	v1 =	vor.u32 v2, v43  }
0x101: {  	v6 =	vld.idx.msk [tilespmem:v8+s12+$0x0], $0xffff  }
0x102: {  	[tilespmem:s24+$0x0] =	vst.add.f32.msk $0xffff, v5;
	v5 =	vor.u32 v27, v39  }
0x103: {  	v7 =	vld.idx.msk [tilespmem:v7+s12+$0x0], $0xffff  }
0x104: {  	v8 =	vor.u32 v46, v36;
	v4 =	vld.idx.msk [tilespmem:v4+s12+$0x0], $0xffff;
	v3 =	vmul.f32 v3, v34  }
0x105: {  	v42 =	vld.idx.msk [tilespmem:v1+s20+$0x0], $0xffff  }
0x106: {  	v1 =	vor.u32 v22, v38;
	v6 =	vmul.f32 v6, v35;
	[tilespmem:s16+$0x0] =	vst.add.f32.msk $0xffff, v3  }
0x107: {  	v3 =	vld.idx.msk [tilespmem:v5+s12+$0x0], $0xffff  }
0x108: {  	v5 =	vor.u32 v15, v41;
	v7 =	vmul.f32 v7, v37;
	[tilespmem:s3+$0x0] =	vst.add.f32.msk $0xffff, v6  }
0x109: {  	v6 =	vor.u32 v0, v43;
	v8 =	vld.idx.msk [tilespmem:v8+s12+$0x0], $0xffff  }
0x10a: {  	v4 =	vmul.f32 v4, v40;
	[tilespmem:s25+$0x0] =	vst.add.f32.msk $0xffff, v7  }
0x10b: {  	s10 =	rddreg [dreg:$0x6];
	v7 =	vor.u32 v28, v39;
	v1 =	vld.idx.msk [tilespmem:v1+s12+$0x0], $0xffff  }
0x10c: {  	[tilespmem:s10+$0x0] =	vst.add.f32.msk $0xffff, v4  }
0x10d: {  	v4 =	vld.idx.msk [tilespmem:v5+s12+$0x0], $0xffff;
	v5 =	vor.u32 v47, v36;
	v3 =	vmul.f32 v3, v34  }
0x10e: {  	v6 =	vld.idx.msk [tilespmem:v6+s12+$0x0], $0xffff  }
0x10f: {  	v8 =	vmul.f32 v8, v35;
	[tilespmem:s17+$0x0] =	vst.add.f32.msk $0xffff, v3  }
0x110: {  	v3 =	vor.u32 v23, v38;
	v7 =	vld.idx.msk [tilespmem:v7+s12+$0x0], $0xffff  }
0x111: {  	v9 =	vor.u32 v16, v41;
	v1 =	vmul.f32 v1, v37;
	[tilespmem:s8+$0x0] =	vst.add.f32.msk $0xffff, v8  }
0x112: {  	v5 =	vld.idx.msk [tilespmem:v5+s12+$0x0], $0xffff;
	v4 =	vmul.f32 v4, v40  }
0x113: {  	s10 =	rddreg [dreg:$0x7];
	[tilespmem:s26+$0x0] =	vst.add.f32.msk $0xffff, v1  }
0x114: {  	v1 =	vor.u32 v29, v39;
	[tilespmem:s10+$0x0] =	vst.add.f32.msk $0xffff, v4  }
0x115: {  	v3 =	vld.idx.msk [tilespmem:v3+s12+$0x0], $0xffff;
	v4 =	vmul.f32 v6, v42  }
0x116: {  	s18 =	rddreg [dreg:$0x3];
	v8 =	vor.u32 v48, v36;
	v6 =	vld.idx.msk [tilespmem:v9+s12+$0x0], $0xffff;
	v7 =	vmul.f32 v7, v34  }
0x117: {  	v9 =	vor.u32 v12, v43;
	[tilespmem:s18+$0x0] =	vst.add.f32.msk $0xffff, v4  }
0x118: {  	v5 =	vmul.f32 v5, v35;
	[tilespmem:s4+$0x0] =	vst.add.f32.msk $0xffff, v7  }
0x119: {  	v4 =	vor.u32 v24, v38;
	v1 =	vld.idx.msk [tilespmem:v1+s12+$0x0], $0xffff  }
0x11a: {  	[tilespmem:s1+$0x0] =	vst.add.f32.msk $0xffff, v5  }
0x11b: {  	v7 =	vor.u32 v17, v41;
	v3 =	vmul.f32 v3, v37;
	v10 =	vld.idx.msk [tilespmem:v8+s12+$0x0], $0xffff  }
0x11c: {  	v8 =	vld.idx.msk [tilespmem:v9+s12+$0x0], $0xffff  }
0x11d: {  	v6 =	vmul.f32 v6, v40;
	[tilespmem:s28+$0x0] =	vst.add.f32.msk $0xffff, v3  }
0x11e: {  	v5 =	vld.idx.msk [tilespmem:v4+s12+$0x0], $0xffff  }
0x11f: {  	[tilespmem:s19+$0x0] =	vst.add.f32.msk $0xffff, v6;
	v11 =	vmul.f32 v1, v34  }
0x120: {  	v3 =	vor.u32 v30, v39;
	v7 =	vld.idx.msk [tilespmem:v7+s12+$0x0], $0xffff  }
0x121: {  	s18 =	simm.s32 $0x5;
	v6 =	vor.u32 v25, v38;
	v1 =	vor.u32 v49, v36;
	v4 =	vmul.f32 v10, v35;
	[tilespmem:s6+$0x0] =	vst.add.f32.msk $0xffff, v11  }
.LBB2_3:
0x122: {  	_ =	sdelay $0x2  }
0x123: {  	v3 =	vld.idx.msk [tilespmem:v3+s12+$0x0], $0xffff  }
0x124: {  	v9 =	vor.u32 v18, v41;
	v5 =	vmul.f32 v5, v37;
	[tilespmem:s2+$0x0] =	vst.add.f32.msk $0xffff, v4  }
0x125: {  	v1 =	vld.idx.msk [tilespmem:v1+s12+$0x0], $0xffff  }
0x126: {  	v4 =	vmul.f32 v7, v40;
	[tilespmem:s29+$0x0] =	vst.add.f32.msk $0xffff, v5  }
0x127: {  	v5 =	vld.idx.msk [tilespmem:v6+s12+$0x0], $0xffff;
	v6 =	vor.u32 v31, v39  }
0x128: {  	v7 =	vmul.f32 v8, v42;
	[tilespmem:s21+$0x0] =	vst.add.f32.msk $0xffff, v4  }
0x129: {  	s10 =	rddreg [dreg:$0x4];
	v8 =	vor.u32 v50, v36;
	v4 =	vld.idx.msk [tilespmem:v9+s12+$0x0], $0xffff;
	v3 =	vmul.f32 v3, v34  }
0x12a: {  	[tilespmem:s10+$0x0] =	vst.add.f32.msk $0xffff, v7  }
0x12b: {  	v7 =	vor.u32 v26, v38;
	v1 =	vmul.f32 v1, v35;
	[tilespmem:s7+$0x0] =	vst.add.f32.msk $0xffff, v3  }
0x12c: {  	v3 =	vld.idx.msk [tilespmem:v6+s12+$0x0], $0xffff  }
0x12d: {  	v6 =	vor.u32 v19, v41;
	v5 =	vmul.f32 v5, v37;
	[tilespmem:s13+$0x0] =	vst.add.f32.msk $0xffff, v1  }
0x12e: {  	v1 =	vor.u32 v13, v43;
	v8 =	vld.idx.msk [tilespmem:v8+s12+$0x0], $0xffff  }
0x12f: {  	v4 =	vmul.f32 v4, v40;
	[tilespmem:s30+$0x0] =	vst.add.f32.msk $0xffff, v5  }
0x130: {  	v5 =	vld.idx.msk [tilespmem:v7+s12+$0x0], $0xffff;
	v7 =	vor.u32 v32, v39  }
0x131: {  	[tilespmem:s22+$0x0] =	vst.add.f32.msk $0xffff, v4  }
0x132: {  	v4 =	vld.idx.msk [tilespmem:v6+s12+$0x0], $0xffff;
	v6 =	vor.u32 v51, v36;
	v3 =	vmul.f32 v3, v34  }
0x133: {  	v1 =	vld.idx.msk [tilespmem:v1+s12+$0x0], $0xffff  }
0x134: {  	v9 =	vor.u32 v44, v38;
	v8 =	vmul.f32 v8, v35;
	[tilespmem:s11+$0x0] =	vst.add.f32.msk $0xffff, v3  }
0x135: {  	v3 =	vld.idx.msk [tilespmem:v7+s12+$0x0], $0xffff  }
0x136: {  	v7 =	vor.u32 v20, v41;
	v5 =	vmul.f32 v5, v37;
	[tilespmem:s14+$0x0] =	vst.add.f32.msk $0xffff, v8  }
0x137: {  	v6 =	vld.idx.msk [tilespmem:v6+s12+$0x0], $0xffff  }
0x138: {  	v4 =	vmul.f32 v4, v40;
	[tilespmem:s31+$0x0] =	vst.add.f32.msk $0xffff, v5  }
0x139: {  	v8 =	vor.u32 v33, v39;
	v5 =	vld.idx.msk [tilespmem:v9+s12+$0x0], $0xffff  }
0x13a: {  	v39 =	vmov v36;
	v1 =	vmul.f32 v1, v42;
	[tilespmem:s23+$0x0] =	vst.add.f32.msk $0xffff, v4  }
0x13b: {  	s19 =	rddreg [dreg:$0x5];
	v4 =	vld.idx.msk [tilespmem:v7+s12+$0x0], $0xffff;
	v7 =	vor.u32 v52, v39;
	v3 =	vmul.f32 v3, v34  }
0x13c: {  	v36 =	vmov v38;
	[tilespmem:s19+$0x0] =	vst.add.f32.msk $0xffff, v1  }
0x13d: {  	v1 =	vor.u32 v45, v36;
	v6 =	vmul.f32 v6, v35;
	[tilespmem:s5+$0x0] =	vst.add.f32.msk $0xffff, v3  }
0x13e: {  	v38 =	vmov v41;
	v3 =	vmov s18;
	v8 =	vld.idx.msk [tilespmem:v8+s12+$0x0], $0xffff  }
0x13f: {  	v41 =	vmovc v43;
	v9 =	vor.u32 v21, v38;
	v3 =	vand.u32 $0x7F, v3;
	v5 =	vmul.f32 v5, v37;
	[tilespmem:s15+$0x0] =	vst.add.f32.msk $0xffff, v6  }
0x140: {  	v43 =	vbroadcast v3, $0x0;
	v3 =	vor.u32 v14, v41;
	v6 =	vld.idx.msk [tilespmem:v7+s12+$0x0], $0xffff  }
0x141: {  	v4 =	vmul.f32 v4, v40;
	[tilespmem:s0+$0x0] =	vst.add.f32.msk $0xffff, v5  }
0x142: {  	v5 =	vor.u32 v2, v43;
	v1 =	vld.idx.msk [tilespmem:v1+s12+$0x0], $0xffff  }
0x143: {  	[tilespmem:s24+$0x0] =	vst.add.f32.msk $0xffff, v4  }
0x144: {  	v7 =	vor.u32 v27, v39;
	v4 =	vld.idx.msk [tilespmem:v9+s12+$0x0], $0xffff;
	v8 =	vmul.f32 v8, v34  }
0x145: {  	v34 =	vmov v35;
	v3 =	vld.idx.msk [tilespmem:v3+s12+$0x0], $0xffff  }
0x146: {  	v9 =	vor.u32 v46, v36;
	v6 =	vmul.f32 v6, v34;
	[tilespmem:s9+$0x0] =	vst.add.f32.msk $0xffff, v8  }
0x147: {  	v35 =	vmov v37;
	v37 =	vmov v40;
	v40 =	vmov v42;
	v42 =	vld.idx.msk [tilespmem:v5+s20+$0x0], $0xffff  }
0x148: {  	v5 =	vor.u32 v22, v38;
	v1 =	vmul.f32 v1, v35;
	[tilespmem:s16+$0x0] =	vst.add.f32.msk $0xffff, v6  }
0x149: {  	v6 =	vld.idx.msk [tilespmem:v7+s12+$0x0], $0xffff  }
0x14a: {  	v7 =	vor.u32 v15, v41;
	v4 =	vmul.f32 v4, v37;
	[tilespmem:s3+$0x0] =	vst.add.f32.msk $0xffff, v1  }
0x14b: {  	v1 =	vor.u32 v0, v43;
	v8 =	vld.idx.msk [tilespmem:v9+s12+$0x0], $0xffff  }
0x14c: {  	v3 =	vmul.f32 v3, v40;
	[tilespmem:s25+$0x0] =	vst.add.f32.msk $0xffff, v4  }
0x14d: {  	s19 =	rddreg [dreg:$0x6];
	v4 =	vld.idx.msk [tilespmem:v5+s12+$0x0], $0xffff;
	v5 =	vor.u32 v28, v39  }
0x14e: {  	[tilespmem:s19+$0x0] =	vst.add.f32.msk $0xffff, v3  }
0x14f: {  	v3 =	vld.idx.msk [tilespmem:v7+s12+$0x0], $0xffff;
	v7 =	vor.u32 v47, v36;
	v6 =	vmul.f32 v6, v34  }
0x150: {  	v1 =	vld.idx.msk [tilespmem:v1+s12+$0x0], $0xffff  }
0x151: {  	v9 =	vor.u32 v23, v38;
	v8 =	vmul.f32 v8, v35;
	[tilespmem:s17+$0x0] =	vst.add.f32.msk $0xffff, v6  }
0x152: {  	v5 =	vld.idx.msk [tilespmem:v5+s12+$0x0], $0xffff  }
0x153: {  	v6 =	vor.u32 v16, v41;
	v4 =	vmul.f32 v4, v37;
	[tilespmem:s8+$0x0] =	vst.add.f32.msk $0xffff, v8  }
0x154: {  	v7 =	vld.idx.msk [tilespmem:v7+s12+$0x0], $0xffff  }
0x155: {  	v3 =	vmul.f32 v3, v40;
	[tilespmem:s26+$0x0] =	vst.add.f32.msk $0xffff, v4  }
0x156: {  	s10 =	rddreg [dreg:$0x7];
	v8 =	vor.u32 v29, v39;
	v4 =	vld.idx.msk [tilespmem:v9+s12+$0x0], $0xffff  }
0x157: {  	v1 =	vmul.f32 v1, v42;
	[tilespmem:s10+$0x0] =	vst.add.f32.msk $0xffff, v3  }
0x158: {  	s19 =	rddreg [dreg:$0x3];
	v3 =	vld.idx.msk [tilespmem:v6+s12+$0x0], $0xffff;
	v6 =	vor.u32 v48, v36;
	v5 =	vmul.f32 v5, v34  }
0x159: {  	[tilespmem:s19+$0x0] =	vst.add.f32.msk $0xffff, v1  }
0x15a: {  	v1 =	vor.u32 v24, v38;
	v7 =	vmul.f32 v7, v35;
	[tilespmem:s4+$0x0] =	vst.add.f32.msk $0xffff, v5  }
0x15b: {  	v8 =	vld.idx.msk [tilespmem:v8+s12+$0x0], $0xffff  }
0x15c: {  	v9 =	vor.u32 v17, v41;
	v4 =	vmul.f32 v4, v37;
	[tilespmem:s1+$0x0] =	vst.add.f32.msk $0xffff, v7  }
0x15d: {  	v10 =	vor.u32 v12, v43;
	v11 =	vld.idx.msk [tilespmem:v6+s12+$0x0], $0xffff  }
0x15e: {  	p0 =	sne.s32 s18, $0x3F;
	v6 =	vmul.f32 v3, v40;
	[tilespmem:s28+$0x0] =	vst.add.f32.msk $0xffff, v4  }
.Ltmp0:
0x15f: {  	s19 =	simm.s32 $0x10C80;
	v5 =	vld.idx.msk [tilespmem:v1+s12+$0x0], $0xffff;
	(pc) =	sbr.rel @p0 .LBB2_3-.Ltmp0, $4  }
0x160: {  	[tilespmem:s19+$0x0] =	vst.add.f32.msk $0xffff, v6  }
0x161: {  	v7 =	vld.idx.msk [tilespmem:v9+s12+$0x0], $0xffff;
	v9 =	vmul.f32 v8, v34  }
0x162: {  	v3 =	vor.u32 v30, v39;
	v8 =	vld.idx.msk [tilespmem:v10+s12+$0x0], $0xffff  }
0x163: {  	s18 =	sadd.s32 $0x1, s18;
	v1 =	vor.u32 v49, v36;
	v6 =	vor.u32 v25, v38;
	v4 =	vmul.f32 v11, v35;
	[tilespmem:s6+$0x0] =	vst.add.f32.msk $0xffff, v9  }
0x164: {  	_ = 	snop  }
0x165: {  	v9 =	vor.u32 v13, v43;
	_ =	sdelay $0x1  }
0x166: {  	v8 =	vmul.f32 v8, v42  }
0x167: {  	s10 =	rddreg [dreg:$0x4]  }
0x168: {  	[tilespmem:s10+$0x0] =	vst.add.f32.msk $0xffff, v8  }
0x169: {  	v8 =	vld.idx.msk [tilespmem:v9+s12+$0x0], $0xffff;
	_ =	sdelay $0x2  }
0x16a: {  	v9 =	vor.u32 v14, v43;
	_ =	sdelay $0x1  }
0x16b: {  	v8 =	vmul.f32 v8, v42  }
0x16c: {  	s10 =	rddreg [dreg:$0x5]  }
0x16d: {  	[tilespmem:s10+$0x0] =	vst.add.f32.msk $0xffff, v8  }
0x16e: {  	v8 =	vld.idx.msk [tilespmem:v9+s12+$0x0], $0xffff;
	_ =	sdelay $0x2  }
0x16f: {  	v9 =	vor.u32 v15, v43;
	_ =	sdelay $0x1  }
0x170: {  	v8 =	vmul.f32 v8, v42  }
0x171: {  	s10 =	rddreg [dreg:$0x6]  }
0x172: {  	[tilespmem:s10+$0x0] =	vst.add.f32.msk $0xffff, v8  }
0x173: {  	v8 =	vld.idx.msk [tilespmem:v9+s12+$0x0], $0xffff;
	_ =	sdelay $0x2  }
0x174: {  	v9 =	vor.u32 v16, v43;
	_ =	sdelay $0x1  }
0x175: {  	v8 =	vmul.f32 v8, v42  }
0x176: {  	s10 =	rddreg [dreg:$0x7]  }
0x177: {  	[tilespmem:s10+$0x0] =	vst.add.f32.msk $0xffff, v8  }
0x178: {  	v8 =	vld.idx.msk [tilespmem:v9+s12+$0x0], $0xffff;
	_ =	sdelay $0x2  }
0x179: {  	v9 =	vor.u32 v17, v43;
	_ =	sdelay $0x1  }
0x17a: {  	v8 =	vmul.f32 v8, v42;
	_ =	sdelay $0x1  }
0x17b: {  	[tilespmem:s19+$0x0] =	vst.add.f32.msk $0xffff, v8  }
0x17c: {  	v8 =	vld.idx.msk [tilespmem:v9+s12+$0x0], $0xffff  }
0x17d: {  	v9 =	vor.u32 v18, v41;
	_ =	sdelay $0x1  }
0x17e: {  	v10 =	vor.u32 v18, v43;
	v7 =	vmul.f32 v7, v40;
	_ =	sdelay $0x1  }
0x17f: {  	[tilespmem:s21+$0x0] =	vst.add.f32.msk $0xffff, v7;
	v7 =	vmul.f32 v8, v42  }
0x180: {  	v8 =	vld.idx.msk [tilespmem:v9+s12+$0x0], $0xffff  }
0x181: {  	[tilespmem:s21+$0x0] =	vst.add.f32.msk $0xffff, v7  }
0x182: {  	v7 =	vld.idx.msk [tilespmem:v10+s12+$0x0], $0xffff  }
0x183: {  	v9 =	vor.u32 v19, v41;
	_ =	sdelay $0x1  }
0x184: {  	v10 =	vor.u32 v19, v43;
	v8 =	vmul.f32 v8, v40;
	_ =	sdelay $0x1  }
0x185: {  	[tilespmem:s22+$0x0] =	vst.add.f32.msk $0xffff, v8;
	v7 =	vmul.f32 v7, v42  }
0x186: {  	v8 =	vld.idx.msk [tilespmem:v9+s12+$0x0], $0xffff  }
0x187: {  	[tilespmem:s22+$0x0] =	vst.add.f32.msk $0xffff, v7  }
0x188: {  	v7 =	vld.idx.msk [tilespmem:v10+s12+$0x0], $0xffff  }
0x189: {  	v9 =	vor.u32 v20, v41;
	_ =	sdelay $0x1  }
0x18a: {  	v10 =	vor.u32 v20, v43;
	v8 =	vmul.f32 v8, v40;
	_ =	sdelay $0x1  }
0x18b: {  	[tilespmem:s23+$0x0] =	vst.add.f32.msk $0xffff, v8;
	v7 =	vmul.f32 v7, v42  }
0x18c: {  	v8 =	vld.idx.msk [tilespmem:v9+s12+$0x0], $0xffff  }
0x18d: {  	[tilespmem:s23+$0x0] =	vst.add.f32.msk $0xffff, v7  }
0x18e: {  	v7 =	vld.idx.msk [tilespmem:v10+s12+$0x0], $0xffff  }
0x18f: {  	v9 =	vor.u32 v21, v41;
	_ =	sdelay $0x1  }
0x190: {  	v10 =	vor.u32 v21, v43;
	v8 =	vmul.f32 v8, v40;
	_ =	sdelay $0x1  }
0x191: {  	[tilespmem:s24+$0x0] =	vst.add.f32.msk $0xffff, v8;
	v7 =	vmul.f32 v7, v42  }
0x192: {  	v8 =	vld.idx.msk [tilespmem:v9+s12+$0x0], $0xffff  }
0x193: {  	[tilespmem:s24+$0x0] =	vst.add.f32.msk $0xffff, v7  }
0x194: {  	v7 =	vld.idx.msk [tilespmem:v10+s12+$0x0], $0xffff  }
0x195: {  	v9 =	vor.u32 v22, v41;
	_ =	sdelay $0x1  }
0x196: {  	v10 =	vor.u32 v22, v43;
	v8 =	vmul.f32 v8, v40;
	_ =	sdelay $0x1  }
0x197: {  	[tilespmem:s25+$0x0] =	vst.add.f32.msk $0xffff, v8;
	v7 =	vmul.f32 v7, v42  }
0x198: {  	v8 =	vld.idx.msk [tilespmem:v9+s12+$0x0], $0xffff  }
0x199: {  	[tilespmem:s25+$0x0] =	vst.add.f32.msk $0xffff, v7  }
0x19a: {  	v7 =	vld.idx.msk [tilespmem:v10+s12+$0x0], $0xffff  }
0x19b: {  	v9 =	vor.u32 v23, v41;
	_ =	sdelay $0x1  }
0x19c: {  	v10 =	vor.u32 v23, v43;
	v8 =	vmul.f32 v8, v40;
	_ =	sdelay $0x1  }
0x19d: {  	[tilespmem:s26+$0x0] =	vst.add.f32.msk $0xffff, v8;
	v7 =	vmul.f32 v7, v42  }
0x19e: {  	v8 =	vld.idx.msk [tilespmem:v9+s12+$0x0], $0xffff  }
0x19f: {  	[tilespmem:s26+$0x0] =	vst.add.f32.msk $0xffff, v7  }
0x1a0: {  	v7 =	vld.idx.msk [tilespmem:v10+s12+$0x0], $0xffff  }
0x1a1: {  	v9 =	vor.u32 v24, v41;
	_ =	sdelay $0x1  }
0x1a2: {  	v10 =	vor.u32 v24, v43;
	v8 =	vmul.f32 v8, v40;
	_ =	sdelay $0x1  }
0x1a3: {  	[tilespmem:s28+$0x0] =	vst.add.f32.msk $0xffff, v8;
	v7 =	vmul.f32 v7, v42  }
0x1a4: {  	v8 =	vld.idx.msk [tilespmem:v9+s12+$0x0], $0xffff  }
0x1a5: {  	[tilespmem:s28+$0x0] =	vst.add.f32.msk $0xffff, v7  }
0x1a6: {  	v7 =	vld.idx.msk [tilespmem:v10+s12+$0x0], $0xffff  }
0x1a7: {  	v5 =	vmul.f32 v5, v37;
	v9 =	vor.u32 v25, v41;
	_ =	sdelay $0x1  }
0x1a8: {  	[tilespmem:s29+$0x0] =	vst.add.f32.msk $0xffff, v5;
	v5 =	vmul.f32 v8, v40;
	v8 =	vor.u32 v25, v43  }
0x1a9: {  	v6 =	vld.idx.msk [tilespmem:v6+s12+$0x0], $0xffff  }
0x1aa: {  	[tilespmem:s29+$0x0] =	vst.add.f32.msk $0xffff, v5;
	v5 =	vmul.f32 v7, v42  }
0x1ab: {  	v7 =	vld.idx.msk [tilespmem:v9+s12+$0x0], $0xffff  }
0x1ac: {  	v9 =	vor.u32 v26, v38;
	[tilespmem:s29+$0x0] =	vst.add.f32.msk $0xffff, v5  }
0x1ad: {  	v5 =	vld.idx.msk [tilespmem:v8+s12+$0x0], $0xffff  }
0x1ae: {  	v6 =	vmul.f32 v6, v37;
	v8 =	vor.u32 v26, v41;
	_ =	sdelay $0x1  }
0x1af: {  	[tilespmem:s30+$0x0] =	vst.add.f32.msk $0xffff, v6;
	v6 =	vmul.f32 v7, v40;
	v7 =	vor.u32 v26, v43  }
0x1b0: {  	v9 =	vld.idx.msk [tilespmem:v9+s12+$0x0], $0xffff  }
0x1b1: {  	[tilespmem:s30+$0x0] =	vst.add.f32.msk $0xffff, v6;
	v5 =	vmul.f32 v5, v42  }
0x1b2: {  	v6 =	vld.idx.msk [tilespmem:v8+s12+$0x0], $0xffff  }
0x1b3: {  	v8 =	vor.u32 v44, v38;
	[tilespmem:s30+$0x0] =	vst.add.f32.msk $0xffff, v5  }
0x1b4: {  	v5 =	vld.idx.msk [tilespmem:v7+s12+$0x0], $0xffff  }
0x1b5: {  	v7 =	vmul.f32 v9, v37;
	v9 =	vor.u32 v44, v41;
	_ =	sdelay $0x1  }
0x1b6: {  	[tilespmem:s31+$0x0] =	vst.add.f32.msk $0xffff, v7;
	v6 =	vmul.f32 v6, v40;
	v7 =	vor.u32 v44, v43  }
0x1b7: {  	v8 =	vld.idx.msk [tilespmem:v8+s12+$0x0], $0xffff  }
0x1b8: {  	[tilespmem:s31+$0x0] =	vst.add.f32.msk $0xffff, v6;
	v5 =	vmul.f32 v5, v42  }
0x1b9: {  	v6 =	vld.idx.msk [tilespmem:v9+s12+$0x0], $0xffff  }
0x1ba: {  	v9 =	vor.u32 v45, v38;
	[tilespmem:s31+$0x0] =	vst.add.f32.msk $0xffff, v5  }
0x1bb: {  	v5 =	vld.idx.msk [tilespmem:v7+s12+$0x0], $0xffff  }
0x1bc: {  	v7 =	vmul.f32 v8, v37;
	v8 =	vor.u32 v45, v41  }
0x1bd: {  	v3 =	vld.idx.msk [tilespmem:v3+s12+$0x0], $0xffff  }
0x1be: {  	[tilespmem:s0+$0x0] =	vst.add.f32.msk $0xffff, v7;
	v6 =	vmul.f32 v6, v40;
	v7 =	vor.u32 v45, v43  }
0x1bf: {  	v9 =	vld.idx.msk [tilespmem:v9+s12+$0x0], $0xffff  }
0x1c0: {  	[tilespmem:s0+$0x0] =	vst.add.f32.msk $0xffff, v6;
	v5 =	vmul.f32 v5, v42  }
0x1c1: {  	v6 =	vld.idx.msk [tilespmem:v8+s12+$0x0], $0xffff  }
0x1c2: {  	v8 =	vor.u32 v46, v38;
	[tilespmem:s0+$0x0] =	vst.add.f32.msk $0xffff, v5  }
0x1c3: {  	v5 =	vld.idx.msk [tilespmem:v7+s12+$0x0], $0xffff  }
0x1c4: {  	[tilespmem:s2+$0x0] =	vst.add.f32.msk $0xffff, v4;
	v4 =	vmul.f32 v9, v37;
	v7 =	vor.u32 v46, v41  }
0x1c5: {  	v1 =	vld.idx.msk [tilespmem:v1+s12+$0x0], $0xffff  }
0x1c6: {  	[tilespmem:s3+$0x0] =	vst.add.f32.msk $0xffff, v4;
	v4 =	vmul.f32 v6, v40;
	v6 =	vor.u32 v46, v43  }
0x1c7: {  	v8 =	vld.idx.msk [tilespmem:v8+s12+$0x0], $0xffff  }
0x1c8: {  	v9 =	vor.u32 v31, v39;
	[tilespmem:s3+$0x0] =	vst.add.f32.msk $0xffff, v4;
	v4 =	vmul.f32 v5, v42  }
0x1c9: {  	v5 =	vld.idx.msk [tilespmem:v7+s12+$0x0], $0xffff  }
0x1ca: {  	v3 =	vmul.f32 v3, v34;
	v7 =	vor.u32 v47, v38;
	[tilespmem:s3+$0x0] =	vst.add.f32.msk $0xffff, v4  }
0x1cb: {  	v4 =	vld.idx.msk [tilespmem:v6+s12+$0x0], $0xffff  }
0x1cc: {  	[tilespmem:s7+$0x0] =	vst.add.f32.msk $0xffff, v3;
	v3 =	vmul.f32 v8, v37;
	v6 =	vor.u32 v47, v41  }
0x1cd: {  	v8 =	vld.idx.msk [tilespmem:v9+s12+$0x0], $0xffff  }
0x1ce: {  	[tilespmem:s8+$0x0] =	vst.add.f32.msk $0xffff, v3;
	v3 =	vmul.f32 v5, v40;
	v5 =	vor.u32 v47, v43  }
0x1cf: {  	v7 =	vld.idx.msk [tilespmem:v7+s12+$0x0], $0xffff  }
0x1d0: {  	v9 =	vor.u32 v50, v36;
	[tilespmem:s8+$0x0] =	vst.add.f32.msk $0xffff, v3;
	v3 =	vmul.f32 v4, v42  }
0x1d1: {  	v4 =	vld.idx.msk [tilespmem:v6+s12+$0x0], $0xffff  }
0x1d2: {  	v1 =	vmul.f32 v1, v35;
	v6 =	vor.u32 v48, v38;
	[tilespmem:s8+$0x0] =	vst.add.f32.msk $0xffff, v3  }
0x1d3: {  	v3 =	vld.idx.msk [tilespmem:v5+s12+$0x0], $0xffff  }
0x1d4: {  	[tilespmem:s13+$0x0] =	vst.add.f32.msk $0xffff, v1;
	v1 =	vmul.f32 v7, v37;
	v5 =	vor.u32 v48, v41  }
0x1d5: {  	v7 =	vld.idx.msk [tilespmem:v9+s12+$0x0], $0xffff  }
0x1d6: {  	[tilespmem:s1+$0x0] =	vst.add.f32.msk $0xffff, v1;
	v1 =	vmul.f32 v4, v40;
	v4 =	vor.u32 v48, v43  }
0x1d7: {  	v6 =	vld.idx.msk [tilespmem:v6+s12+$0x0], $0xffff  }
0x1d8: {  	v9 =	vor.u32 v32, v39;
	[tilespmem:s1+$0x0] =	vst.add.f32.msk $0xffff, v1;
	v1 =	vmul.f32 v3, v42  }
0x1d9: {  	v3 =	vld.idx.msk [tilespmem:v5+s12+$0x0], $0xffff  }
0x1da: {  	v5 =	vmul.f32 v8, v34;
	v8 =	vor.u32 v49, v38;
	[tilespmem:s1+$0x0] =	vst.add.f32.msk $0xffff, v1  }
0x1db: {  	v1 =	vld.idx.msk [tilespmem:v4+s12+$0x0], $0xffff  }
0x1dc: {  	[tilespmem:s11+$0x0] =	vst.add.f32.msk $0xffff, v5;
	v5 =	vor.u32 v49, v41;
	v4 =	vmul.f32 v6, v37  }
0x1dd: {  	v6 =	vld.idx.msk [tilespmem:v9+s12+$0x0], $0xffff  }
0x1de: {  	[tilespmem:s2+$0x0] =	vst.add.f32.msk $0xffff, v4;
	v3 =	vmul.f32 v3, v40;
	v4 =	vor.u32 v49, v43  }
0x1df: {  	v8 =	vld.idx.msk [tilespmem:v8+s12+$0x0], $0xffff  }
0x1e0: {  	v9 =	vor.u32 v51, v36;
	[tilespmem:s2+$0x0] =	vst.add.f32.msk $0xffff, v3;
	v1 =	vmul.f32 v1, v42  }
0x1e1: {  	v3 =	vld.idx.msk [tilespmem:v5+s12+$0x0], $0xffff  }
0x1e2: {  	v5 =	vmul.f32 v7, v35;
	v7 =	vor.u32 v50, v38;
	[tilespmem:s2+$0x0] =	vst.add.f32.msk $0xffff, v1  }
0x1e3: {  	v1 =	vld.idx.msk [tilespmem:v4+s12+$0x0], $0xffff  }
0x1e4: {  	[tilespmem:s14+$0x0] =	vst.add.f32.msk $0xffff, v5;
	v5 =	vor.u32 v50, v41;
	v4 =	vmul.f32 v8, v37  }
0x1e5: {  	v8 =	vld.idx.msk [tilespmem:v9+s12+$0x0], $0xffff  }
0x1e6: {  	[tilespmem:s13+$0x0] =	vst.add.f32.msk $0xffff, v4;
	v3 =	vmul.f32 v3, v40;
	v4 =	vor.u32 v50, v43  }
0x1e7: {  	v7 =	vld.idx.msk [tilespmem:v7+s12+$0x0], $0xffff  }
0x1e8: {  	v9 =	vor.u32 v33, v39;
	[tilespmem:s13+$0x0] =	vst.add.f32.msk $0xffff, v3;
	v1 =	vmul.f32 v1, v42  }
0x1e9: {  	v3 =	vld.idx.msk [tilespmem:v5+s12+$0x0], $0xffff  }
0x1ea: {  	v5 =	vmul.f32 v6, v34;
	v6 =	vor.u32 v51, v38;
	[tilespmem:s13+$0x0] =	vst.add.f32.msk $0xffff, v1  }
0x1eb: {  	v4 =	vld.idx.msk [tilespmem:v4+s12+$0x0], $0xffff  }
0x1ec: {  	[tilespmem:s5+$0x0] =	vst.add.f32.msk $0xffff, v5;
	v5 =	vmul.f32 v7, v37;
	v7 =	vor.u32 v51, v41  }
0x1ed: {  	v1 =	vld.idx.msk [tilespmem:v9+s12+$0x0], $0xffff  }
0x1ee: {  	[tilespmem:s14+$0x0] =	vst.add.f32.msk $0xffff, v5;
	v3 =	vmul.f32 v3, v40;
	v5 =	vor.u32 v51, v43  }
0x1ef: {  	v6 =	vld.idx.msk [tilespmem:v6+s12+$0x0], $0xffff  }
0x1f0: {  	v9 =	vor.u32 v52, v36;
	[tilespmem:s14+$0x0] =	vst.add.f32.msk $0xffff, v3;
	v3 =	vmul.f32 v4, v42  }
0x1f1: {  	v4 =	vld.idx.msk [tilespmem:v7+s12+$0x0], $0xffff  }
0x1f2: {  	v7 =	vmul.f32 v8, v35;
	v8 =	vor.u32 v52, v38;
	[tilespmem:s14+$0x0] =	vst.add.f32.msk $0xffff, v3  }
0x1f3: {  	v3 =	vld.idx.msk [tilespmem:v5+s12+$0x0], $0xffff  }
0x1f4: {  	[tilespmem:s15+$0x0] =	vst.add.f32.msk $0xffff, v7;
	v5 =	vmul.f32 v6, v37;
	v6 =	vor.u32 v52, v41  }
0x1f5: {  	v7 =	vld.idx.msk [tilespmem:v9+s12+$0x0], $0xffff  }
0x1f6: {  	[tilespmem:s15+$0x0] =	vst.add.f32.msk $0xffff, v5;
	v4 =	vmul.f32 v4, v40;
	v5 =	vor.u32 v52, v43  }
0x1f7: {  	v8 =	vld.idx.msk [tilespmem:v8+s12+$0x0], $0xffff  }
0x1f8: {  	v9 =	vor.u32 v27, v36;
	[tilespmem:s15+$0x0] =	vst.add.f32.msk $0xffff, v4;
	v3 =	vmul.f32 v3, v42  }
0x1f9: {  	v4 =	vld.idx.msk [tilespmem:v6+s12+$0x0], $0xffff  }
0x1fa: {  	v6 =	vmul.f32 v7, v35;
	v7 =	vor.u32 v27, v38;
	[tilespmem:s15+$0x0] =	vst.add.f32.msk $0xffff, v3  }
0x1fb: {  	v3 =	vld.idx.msk [tilespmem:v5+s12+$0x0], $0xffff  }
0x1fc: {  	[tilespmem:s16+$0x0] =	vst.add.f32.msk $0xffff, v6;
	v6 =	vor.u32 v27, v41;
	v5 =	vmul.f32 v8, v37  }
0x1fd: {  	v8 =	vld.idx.msk [tilespmem:v9+s12+$0x0], $0xffff  }
0x1fe: {  	[tilespmem:s16+$0x0] =	vst.add.f32.msk $0xffff, v5;
	v4 =	vmul.f32 v4, v40;
	v5 =	vor.u32 v27, v43  }
0x1ff: {  	v7 =	vld.idx.msk [tilespmem:v7+s12+$0x0], $0xffff  }
0x200: {  	v9 =	vor.u32 v28, v36;
	[tilespmem:s16+$0x0] =	vst.add.f32.msk $0xffff, v4;
	v3 =	vmul.f32 v3, v42  }
0x201: {  	v4 =	vld.idx.msk [tilespmem:v6+s12+$0x0], $0xffff  }
0x202: {  	v6 =	vmul.f32 v8, v35;
	v8 =	vor.u32 v28, v38;
	[tilespmem:s16+$0x0] =	vst.add.f32.msk $0xffff, v3  }
0x203: {  	v3 =	vld.idx.msk [tilespmem:v5+s12+$0x0], $0xffff  }
0x204: {  	[tilespmem:s17+$0x0] =	vst.add.f32.msk $0xffff, v6;
	v6 =	vor.u32 v28, v41;
	v5 =	vmul.f32 v7, v37  }
0x205: {  	v7 =	vld.idx.msk [tilespmem:v9+s12+$0x0], $0xffff  }
0x206: {  	[tilespmem:s17+$0x0] =	vst.add.f32.msk $0xffff, v5;
	v4 =	vmul.f32 v4, v40;
	v5 =	vor.u32 v28, v43  }
0x207: {  	v8 =	vld.idx.msk [tilespmem:v8+s12+$0x0], $0xffff  }
0x208: {  	v9 =	vor.u32 v29, v36;
	[tilespmem:s17+$0x0] =	vst.add.f32.msk $0xffff, v4;
	v3 =	vmul.f32 v3, v42  }
0x209: {  	v4 =	vld.idx.msk [tilespmem:v6+s12+$0x0], $0xffff  }
0x20a: {  	v6 =	vmul.f32 v7, v35;
	v7 =	vor.u32 v29, v38;
	[tilespmem:s17+$0x0] =	vst.add.f32.msk $0xffff, v3  }
0x20b: {  	v3 =	vld.idx.msk [tilespmem:v5+s12+$0x0], $0xffff  }
0x20c: {  	[tilespmem:s4+$0x0] =	vst.add.f32.msk $0xffff, v6;
	v6 =	vor.u32 v29, v41;
	v5 =	vmul.f32 v8, v37  }
0x20d: {  	v8 =	vld.idx.msk [tilespmem:v9+s12+$0x0], $0xffff  }
0x20e: {  	[tilespmem:s4+$0x0] =	vst.add.f32.msk $0xffff, v5;
	v4 =	vmul.f32 v4, v40;
	v5 =	vor.u32 v29, v43  }
0x20f: {  	v7 =	vld.idx.msk [tilespmem:v7+s12+$0x0], $0xffff  }
0x210: {  	v9 =	vor.u32 v30, v36;
	[tilespmem:s4+$0x0] =	vst.add.f32.msk $0xffff, v4;
	v3 =	vmul.f32 v3, v42  }
0x211: {  	v4 =	vld.idx.msk [tilespmem:v6+s12+$0x0], $0xffff  }
0x212: {  	v6 =	vmul.f32 v8, v35;
	v8 =	vor.u32 v30, v38;
	[tilespmem:s4+$0x0] =	vst.add.f32.msk $0xffff, v3  }
0x213: {  	v3 =	vld.idx.msk [tilespmem:v5+s12+$0x0], $0xffff  }
0x214: {  	[tilespmem:s6+$0x0] =	vst.add.f32.msk $0xffff, v6;
	v6 =	vor.u32 v30, v41;
	v5 =	vmul.f32 v7, v37  }
0x215: {  	v7 =	vld.idx.msk [tilespmem:v9+s12+$0x0], $0xffff  }
0x216: {  	[tilespmem:s6+$0x0] =	vst.add.f32.msk $0xffff, v5;
	v4 =	vmul.f32 v4, v40;
	v5 =	vor.u32 v30, v43  }
0x217: {  	v8 =	vld.idx.msk [tilespmem:v8+s12+$0x0], $0xffff  }
0x218: {  	v9 =	vor.u32 v31, v36;
	[tilespmem:s6+$0x0] =	vst.add.f32.msk $0xffff, v4;
	v3 =	vmul.f32 v3, v42  }
0x219: {  	v4 =	vld.idx.msk [tilespmem:v6+s12+$0x0], $0xffff  }
0x21a: {  	v6 =	vmul.f32 v7, v35;
	v7 =	vor.u32 v31, v38;
	[tilespmem:s6+$0x0] =	vst.add.f32.msk $0xffff, v3  }
0x21b: {  	v3 =	vld.idx.msk [tilespmem:v5+s12+$0x0], $0xffff  }
0x21c: {  	[tilespmem:s7+$0x0] =	vst.add.f32.msk $0xffff, v6;
	v6 =	vor.u32 v31, v41;
	v5 =	vmul.f32 v8, v37  }
0x21d: {  	v8 =	vld.idx.msk [tilespmem:v9+s12+$0x0], $0xffff  }
0x21e: {  	[tilespmem:s7+$0x0] =	vst.add.f32.msk $0xffff, v5;
	v4 =	vmul.f32 v4, v40;
	v5 =	vor.u32 v31, v43  }
0x21f: {  	v7 =	vld.idx.msk [tilespmem:v7+s12+$0x0], $0xffff  }
0x220: {  	v9 =	vor.u32 v32, v36;
	[tilespmem:s7+$0x0] =	vst.add.f32.msk $0xffff, v4;
	v3 =	vmul.f32 v3, v42  }
0x221: {  	v4 =	vld.idx.msk [tilespmem:v6+s12+$0x0], $0xffff  }
0x222: {  	v6 =	vmul.f32 v8, v35;
	v8 =	vor.u32 v32, v38;
	[tilespmem:s7+$0x0] =	vst.add.f32.msk $0xffff, v3  }
0x223: {  	v3 =	vld.idx.msk [tilespmem:v5+s12+$0x0], $0xffff  }
0x224: {  	[tilespmem:s11+$0x0] =	vst.add.f32.msk $0xffff, v6;
	v6 =	vor.u32 v32, v41;
	v5 =	vmul.f32 v7, v37  }
0x225: {  	v7 =	vld.idx.msk [tilespmem:v9+s12+$0x0], $0xffff  }
0x226: {  	[tilespmem:s11+$0x0] =	vst.add.f32.msk $0xffff, v5;
	v4 =	vmul.f32 v4, v40;
	v5 =	vor.u32 v32, v43  }
0x227: {  	v8 =	vld.idx.msk [tilespmem:v8+s12+$0x0], $0xffff  }
0x228: {  	v9 =	vor.u32 v33, v36;
	[tilespmem:s11+$0x0] =	vst.add.f32.msk $0xffff, v4;
	v3 =	vmul.f32 v3, v42  }
0x229: {  	v4 =	vld.idx.msk [tilespmem:v6+s12+$0x0], $0xffff  }
0x22a: {  	v6 =	vmul.f32 v7, v35;
	v7 =	vor.u32 v33, v38;
	[tilespmem:s11+$0x0] =	vst.add.f32.msk $0xffff, v3  }
0x22b: {  	v3 =	vld.idx.msk [tilespmem:v5+s12+$0x0], $0xffff  }
0x22c: {  	[tilespmem:s5+$0x0] =	vst.add.f32.msk $0xffff, v6;
	v6 =	vor.u32 v33, v41;
	v5 =	vmul.f32 v8, v37  }
0x22d: {  	v8 =	vld.idx.msk [tilespmem:v9+s12+$0x0], $0xffff  }
0x22e: {  	[tilespmem:s5+$0x0] =	vst.add.f32.msk $0xffff, v5;
	v4 =	vmul.f32 v4, v40;
	v5 =	vor.u32 v33, v43  }
0x22f: {  	v7 =	vld.idx.msk [tilespmem:v7+s12+$0x0], $0xffff  }
0x230: {  	[tilespmem:s5+$0x0] =	vst.add.f32.msk $0xffff, v4;
	v3 =	vmul.f32 v3, v42  }
0x231: {  	v4 =	vld.idx.msk [tilespmem:v6+s12+$0x0], $0xffff  }
0x232: {  	[tilespmem:s5+$0x0] =	vst.add.f32.msk $0xffff, v3  }
0x233: {  	v3 =	vld.idx.msk [tilespmem:v5+s12+$0x0], $0xffff  }
0x234: {  	v1 =	vmul.f32 v1, v34  }
0x235: {  	v5 =	vmul.f32 v8, v35  }
0x236: {  	[tilespmem:s9+$0x0] =	vst.add.f32.msk $0xffff, v1;
	v1 =	vmul.f32 v7, v37  }
0x237: {  	[tilespmem:s9+$0x0] =	vst.add.f32.msk $0xffff, v5;
	v4 =	vmul.f32 v4, v40  }
0x238: {  	[tilespmem:s9+$0x0] =	vst.add.f32.msk $0xffff, v1;
	v1 =	vmul.f32 v3, v42  }
0x239: {  	[tilespmem:s9+$0x0] =	vst.add.f32.msk $0xffff, v4  }
0x23a: {  	[tilespmem:s9+$0x0] =	vst.add.f32.msk $0xffff, v1  }
0x23b: {  	v1 =	vld [tilespmem:$0x10A00]  }
0x23c: {  	v3 =	vld [tilespmem:$0x10A80]  }
0x23d: {  	v4 =	vld [tilespmem:$0x10B00]  }
0x23e: {  	v5 =	vld [tilespmem:$0x10B80]  }
0x23f: {  	v6 =	vld [tilespmem:$0x10C00]  }
0x240: {  	v7 =	vld [tilespmem:$0x10C80]  }
0x241: {  	v8 =	vld [tilespmem:$0x10D00]  }
0x242: {  	v9 =	vld [tilespmem:$0x10D80]  }
0x243: {  	v10 =	vld [tilespmem:$0x10E00]  }
0x244: {  	v11 =	vld [tilespmem:$0x10E80]  }
0x245: {  	v12 =	vld [tilespmem:$0x10F00]  }
0x246: {  	v13 =	vld [tilespmem:$0x10F80]  }
0x247: {  	v14 =	vld [tilespmem:$0x11000]  }
0x248: {  	v15 =	vld [tilespmem:$0x11080]  }
0x249: {  	v16 =	vld [tilespmem:$0x11100]  }
0x24a: {  	v17 =	vld [tilespmem:$0x11180]  }
0x24b: {  	v18 =	vld [tilespmem:$0x11200]  }
0x24c: {  	v19 =	vld [tilespmem:$0x11280]  }
0x24d: {  	v20 =	vld [tilespmem:$0x11300];
	v36 =	vmul.f32 $1.250000000e-01, v1;
	v37 =	vmul.f32 $1.250000000e-01, v3  }
0x24e: {  	v54 =	vld [tilespmem:$0x11380];
	v38 =	vmul.f32 $1.250000000e-01, v4;
	v5 =	vmul.f32 $1.250000000e-01, v5  }
0x24f: {  	v55 =	vld [tilespmem:$0x11400];
	v6 =	vmul.f32 $1.250000000e-01, v6;
	v7 =	vmul.f32 $1.250000000e-01, v7  }
0x250: {  	v56 =	vld [tilespmem:$0x11600];
	v8 =	vmul.f32 $1.250000000e-01, v8;
	v9 =	vmul.f32 $1.250000000e-01, v9  }
0x251: {  	v57 =	vld [tilespmem:$0x11680];
	v10 =	vmul.f32 $1.250000000e-01, v10;
	v11 =	vmul.f32 $1.250000000e-01, v11  }
0x252: {  	v58 =	vld [tilespmem:$0x11700];
	v12 =	vmul.f32 $1.250000000e-01, v12;
	v13 =	vmul.f32 $1.250000000e-01, v13  }
0x253: {  	v59 =	vld [tilespmem:$0x11780];
	v14 =	vmul.f32 $1.250000000e-01, v14;
	v15 =	vmul.f32 $1.250000000e-01, v15  }
0x254: {  	v60 =	vld [tilespmem:$0x11800];
	v16 =	vmul.f32 $1.250000000e-01, v16;
	v17 =	vmul.f32 $1.250000000e-01, v17  }
0x255: {  	v18 =	vmul.f32 $1.250000000e-01, v18;
	v19 =	vmul.f32 $1.250000000e-01, v19  }
0x256: {  	v1 =	vld [tilespmem:$0x11480];
	v20 =	vmul.f32 $1.250000000e-01, v20;
	v45 =	vmul.f32 $1.250000000e-01, v54  }
0x257: {  	v61 =	vld [tilespmem:$0x11880];
	v35 =	vmul.f32 $1.250000000e-01, v55;
	v39 =	vmul.f32 $1.250000000e-01, v56  }
0x258: {  	v62 =	vld [tilespmem:$0x11900];
	v40 =	vmul.f32 $1.250000000e-01, v57;
	v41 =	vmul.f32 $1.250000000e-01, v58  }
0x259: {  	v3 =	vld [tilespmem:$0x11500];
	v42 =	vmul.f32 $1.250000000e-01, v59;
	v34 =	vmul.f32 $1.250000000e-01, v60;
	v43 =	vmax.f32 v36, v37  }
0x25a: {  	v4 =	vld [tilespmem:$0x11580];
	v44 =	vmax.f32 v38, v5;
	v46 =	vmax.f32 v6, v7;
	v50 =	vmax.f32 v8, v9  }
0x25b: {  	v51 =	vmax.f32 v10, v11;
	v52 =	vmax.f32 v12, v13;
	v47 =	vmul.f32 $1.250000000e-01, v1;
	v1 =	vld [tilespmem:$0x11980]  }
0x25c: {  	v53 =	vmax.f32 v14, v15;
	v54 =	vmax.f32 v16, v17;
	v55 =	vmax.f32 v18, v19  }
0x25d: {  	v56 =	vmax.f32 v20, v45;
	v59 =	vmax.f32 v39, v40;
	v60 =	vmax.f32 v41, v42  }
0x25e: {  	v43 =	vmax.f32 v43, v44;
	v44 =	vmax.f32 v46, v50;
	v48 =	vmul.f32 $1.250000000e-01, v3  }
0x25f: {  	v46 =	vmax.f32 v51, v52;
	v49 =	vmul.f32 $1.250000000e-01, v4;
	v4 =	vmul.f32 $1.250000000e-01, v61  }
0x260: {  	v50 =	vmax.f32 v53, v54;
	v3 =	vmul.f32 $1.250000000e-01, v62;
	v1 =	vmul.f32 $1.250000000e-01, v1  }
0x261: {  	v63 =	vmax.f32 v55, v56;
	v43 =	vmax.f32 v43, v44;
	v57 =	vmax.f32 v35, v47  }
0x262: {  	v58 =	vmax.f32 v48, v49;
	v61 =	vmax.f32 v34, v4;
	v62 =	vmax.f32 v3, v1  }
0x263: {  	v57 =	vmax.f32 v57, v58;
	v58 =	vmax.f32 v59, v60;
	v59 =	vmax.f32 v61, v62  }
0x264: {  	v60 =	vmax.f32 v46, v50;
	v61 =	vmax.f32 v63, v57;
	v62 =	vmax.f32 v58, v59  }
0x265: {  	v43 =	vmax.f32 v43, v60;
	v63 =	vmax.f32 v61, v62  }
0x266: {  	v43 =	vmax.f32 v43, v63  }
0x267: {  	v36 =	vsub.f32 v36, v43  }
0x268: {  	v37 =	vsub.f32 v37, v43  }
0x269: {  	v38 =	vsub.f32 v38, v43;
	v36 =	vmul.f32 $1.442695020e+00, v36  }
0x26a: {  	v5 =	vsub.f32 v5, v43;
	v37 =	vmul.f32 $1.442695020e+00, v37  }
0x26b: {  	v6 =	vsub.f32 v6, v43;
	v50 =	vmul.f32 $1.442695020e+00, v38;
	(erf) = vpow2.f32 v36  }
0x26c: {  	v7 =	vsub.f32 v7, v43;
	v5 =	vmul.f32 $1.442695020e+00, v5;
	(erf) = vpow2.f32 v37  }
0x26d: {  	v8 =	vsub.f32 v8, v43;
	v6 =	vmul.f32 $1.442695020e+00, v6;
	(erf) = vpow2.f32 v50  }
0x26e: {  	(erf) = vpow2.f32 v5;
	v5 =	vmul.f32 $1.442695020e+00, v7;
	v7 =	vsub.f32 v9, v43  }
0x26f: {  	(erf) = vpow2.f32 v6;
	v6 =	vmul.f32 $1.442695020e+00, v8;
	v8 =	vsub.f32 v10, v43  }
0x270: {  	(erf) = vpow2.f32 v5;
	v5 =	vmul.f32 $1.442695020e+00, v7;
	v7 =	vsub.f32 v11, v43  }
0x271: {  	(erf) = vpow2.f32 v6;
	v6 =	vmul.f32 $1.442695020e+00, v8;
	v8 =	vsub.f32 v12, v43  }
0x272: {  	(erf) = vpow2.f32 v5;
	v5 =	vmul.f32 $1.442695020e+00, v7;
	v7 =	vsub.f32 v13, v43  }
0x273: {  	(erf) = vpow2.f32 v6;
	v6 =	vmul.f32 $1.442695020e+00, v8;
	v8 =	vsub.f32 v14, v43  }
0x274: {  	v9 =	vpop (erf);
	(erf) = vpow2.f32 v5;
	v5 =	vmul.f32 $1.442695020e+00, v7;
	v7 =	vsub.f32 v15, v43  }
0x275: {  	v10 =	vpop (erf);
	(erf) = vpow2.f32 v6;
	v6 =	vmul.f32 $1.442695020e+00, v8;
	v8 =	vsub.f32 v16, v43  }
0x276: {  	v11 =	vpop (erf);
	(erf) = vpow2.f32 v5;
	v5 =	vmul.f32 $1.442695020e+00, v7;
	v7 =	vsub.f32 v17, v43  }
0x277: {  	v12 =	vpop (erf);
	(erf) = vpow2.f32 v6;
	v6 =	vmul.f32 $1.442695020e+00, v8;
	v8 =	vsub.f32 v18, v43  }
0x278: {  	v13 =	vpop (erf);
	(erf) = vpow2.f32 v5;
	v5 =	vmul.f32 $1.442695020e+00, v7;
	v7 =	vsub.f32 v19, v43  }
0x279: {  	v14 =	vpop (erf);
	(erf) = vpow2.f32 v6;
	v6 =	vmul.f32 $1.442695020e+00, v8;
	v8 =	vsub.f32 v20, v43  }
0x27a: {  	v15 =	vpop (erf);
	(erf) = vpow2.f32 v5;
	v5 =	vmul.f32 $1.442695020e+00, v7;
	v7 =	vsub.f32 v45, v43  }
0x27b: {  	v16 =	vpop (erf);
	(erf) = vpow2.f32 v6;
	v6 =	vmul.f32 $1.442695020e+00, v8;
	v8 =	vsub.f32 v35, v43  }
0x27c: {  	v17 =	vpop (erf);
	(erf) = vpow2.f32 v5;
	v5 =	vmul.f32 $1.442695020e+00, v7;
	v7 =	vsub.f32 v47, v43  }
0x27d: {  	v18 =	vpop (erf);
	(erf) = vpow2.f32 v6;
	v6 =	vmul.f32 $1.442695020e+00, v8;
	v8 =	vsub.f32 v48, v43  }
0x27e: {  	v19 =	vpop (erf);
	(erf) = vpow2.f32 v5;
	v5 =	vmul.f32 $1.442695020e+00, v7;
	v7 =	vsub.f32 v49, v43  }
0x27f: {  	v20 =	vpop (erf);
	(erf) = vpow2.f32 v6;
	v6 =	vmul.f32 $1.442695020e+00, v8;
	v8 =	vsub.f32 v39, v43  }
0x280: {  	v35 =	vpop (erf);
	(erf) = vpow2.f32 v5;
	v5 =	vmul.f32 $1.442695020e+00, v7;
	v7 =	vsub.f32 v40, v43  }
0x281: {  	v36 =	vpop (erf);
	(erf) = vpow2.f32 v6;
	v6 =	vmul.f32 $1.442695020e+00, v8;
	v8 =	vsub.f32 v41, v43  }
0x282: {  	v40 =	vpop (erf);
	(erf) = vpow2.f32 v5;
	v5 =	vmul.f32 $1.442695020e+00, v7;
	v7 =	vsub.f32 v42, v43  }
0x283: {  	v42 =	vpop (erf);
	(erf) = vpow2.f32 v6;
	v6 =	vmul.f32 $1.442695020e+00, v8;
	v8 =	vsub.f32 v34, v43  }
0x284: {  	v4 =	vsub.f32 v4, v43;
	v22 =	vpop (erf);
	(erf) = vpow2.f32 v5;
	v5 =	vmul.f32 $1.442695020e+00, v7  }
0x285: {  	v3 =	vsub.f32 v3, v43;
	v51 =	vpop (erf);
	(erf) = vpow2.f32 v6;
	v6 =	vmul.f32 $1.442695020e+00, v8  }
0x286: {  	v1 =	vsub.f32 v1, v43;
	v4 =	vmul.f32 $1.442695020e+00, v4;
	v52 =	vpop (erf);
	(erf) = vpow2.f32 v5  }
0x287: {  	v3 =	vmul.f32 $1.442695020e+00, v3;
	v53 =	vpop (erf);
	(erf) = vpow2.f32 v6  }
0x288: {  	v1 =	vmul.f32 $1.442695020e+00, v1;
	v54 =	vpop (erf);
	(erf) = vpow2.f32 v4  }
0x289: {  	v55 =	vpop (erf);
	(erf) = vpow2.f32 v3  }
0x28a: {  	v56 =	vpop (erf);
	(erf) = vpow2.f32 v1  }
0x28b: {  	v7 =	vadd.f32 v20, v19;
	v59 =	vadd.f32 v42, v40;
	v21 =	vpop (erf)  }
0x28c: {  	v8 =	vadd.f32 v36, v35;
	v5 =	vadd.f32 v16, v15;
	v57 =	vpop (erf)  }
0x28d: {  	v37 =	vadd.f32 v51, v22;
	v6 =	vadd.f32 v18, v17;
	v58 =	vpop (erf)  }
0x28e: {  	v4 =	vadd.f32 v14, v13;
	v38 =	vadd.f32 v53, v52;
	v26 =	vpop (erf)  }
0x28f: {  	v3 =	vadd.f32 v12, v11;
	v1 =	vadd.f32 v10, v9;
	v25 =	vpop (erf)  }
0x290: {  	v39 =	vadd.f32 v55, v54;
	v41 =	vadd.f32 v21, v56;
	v24 =	vpop (erf)  }
0x291: {  	v1 =	vadd.f32 v3, v1;
	v3 =	vadd.f32 v5, v4;
	v23 =	vpop (erf)  }
0x292: {  	[tilespmem:$0x1FD70] =	vst v22;
	v4 =	vadd.f32 v7, v6;
	v5 =	vadd.f32 v59, v8;
	v22 =	vpop (erf)  }
0x293: {  	[tilespmem:$0x1FDD0] =	vst v21;
	v43 =	vadd.f32 v58, v57;
	v60 =	vadd.f32 v25, v26;
	v21 =	vpop (erf)  }
0x294: {  	v61 =	vadd.f32 v23, v24;
	v62 =	vadd.f32 v21, v22  }
0x295: {  	v6 =	vadd.f32 v38, v37;
	v7 =	vadd.f32 v41, v39  }
0x296: {  	v8 =	vadd.f32 v60, v43;
	v63 =	vadd.f32 v62, v61  }
0x297: {  	v1 =	vadd.f32 v3, v1;
	v3 =	vadd.f32 v5, v4  }
0x298: {  	v4 =	vadd.f32 v7, v6;
	v5 =	vadd.f32 v63, v8;
	_ =	sdelay $0x1  }
0x299: {  	v1 =	vadd.f32 v3, v1;
	v3 =	vadd.f32 v5, v4;
	_ =	sdelay $0x1  }
0x29a: {  	[tilespmem:$0x1FD80] =	vst v51;
	v1 =	vadd.f32 v3, v1  }
0x29b: {  	[tilespmem:$0x1FD90] =	vst v52  }
0x29c: {  	[tilespmem:$0x1FDA0] =	vst v53;
	(erf) = vrcp.f32 v1  }
0x29d: {  	[tilespmem:$0x1FDC0] =	vst v54  }
0x29e: {  	[tilespmem:$0x1FDB0] =	vst v55  }
0x29f: {  	[tilespmem:$0x1FDE0] =	vst v56  }
0x2a0: {  	[tilespmem:$0x1FE00] =	vst v57  }
0x2a1: {  	[tilespmem:$0x1FDF0] =	vst v58  }
0x2a2: {  	s10 =	simm.s32 $0x0;
	v46 =	vor.u32 $0x2C0, v0;
	v50 =	vor.u32 $0x7C0, v0;
	v57 =	vor.u32 $0xC0, v0;
	[tilespmem:$0x1FE20] =	vst v26  }
0x2a3: {  	v49 =	vor.u32 $0x3C0, v0;
	[tilespmem:$0x1FE10] =	vst v25;
	v6 =	vor.u32 s10, v57;
	v60 =	vor.u32 $0x140, v0  }
0x2a4: {  	v34 =	vor.u32 $0x440, v0;
	v55 =	vor.u32 $0x40, v0;
	[tilespmem:$0x1FE40] =	vst v24;
	v8 =	vor.u32 s10, v60  }
0x2a5: {  	v41 =	vor.u32 $0x340, v0;
	[tilespmem:$0x1FE50] =	vst v21;
	v62 =	vor.u32 $0x1C0, v0;
	v5 =	vor.u32 s10, v55;
	v21 =	vpop (erf)  }
0x2a6: {  	[tilespmem:$0x1FE30] =	vst v23;
	v43 =	vor.u32 $0x240, v0;
	v1 =	vmul.f32 v21, v9;
	v9 =	vor.u32 s10, v62  }
0x2a7: {  	v58 =	vor.u32 s10, v2;
	[tilespmem:$0x1FE60] =	vst v22;
	v3 =	vmul.f32 v21, v10;
	v10 =	vor.u32 s10, v43  }
0x2a8: {  	v37 =	vld.idx.msk [tilespmem:v6+s12+$0x0], $0xffff;
	v6 =	vor.u32 $0x5C0, v0;
	v4 =	vmul.f32 v21, v11;
	v11 =	vor.u32 s10, v46  }
0x2a9: {  	v51 =	vld.idx.msk [tilespmem:v8+s12+$0x0], $0xffff;
	v8 =	vor.u32 s10, v49;
	v38 =	vmul.f32 v21, v12;
	v12 =	vor.u32 s10, v41  }
0x2aa: {  	v7 =	vld.idx.msk [tilespmem:v5+s12+$0x0], $0xffff;
	v5 =	vor.u32 $0x4C0, v0;
	v39 =	vmul.f32 v21, v13;
	v53 =	vmul.f32 v21, v14  }
0x2ab: {  	v54 =	vmul.f32 v21, v15;
	v56 =	vmul.f32 v21, v16;
	v14 =	vor.u32 s10, v34;
	v9 =	vld.idx.msk [tilespmem:v9+s12+$0x0], $0xffff  }
0x2ac: {  	v45 =	vmul.f32 v21, v35;
	v15 =	vor.u32 s10, v5;
	v35 =	vor.u32 $0x540, v0;
	v10 =	vld.idx.msk [tilespmem:v10+s12+$0x0], $0xffff  }
0x2ad: {  	v59 =	vmul.f32 v21, v17;
	v44 =	vmul.f32 v21, v20;
	v16 =	vor.u32 s10, v35;
	v11 =	vld.idx.msk [tilespmem:v11+s12+$0x0], $0xffff;
	[tilespmem:$0x1FE70] =	vst v21  }
0x2ae: {  	v48 =	vmul.f32 v21, v40;
	v17 =	vor.u32 s10, v6;
	v40 =	vor.u32 $0x640, v0;
	v12 =	vld.idx.msk [tilespmem:v12+s12+$0x0], $0xffff  }
0x2af: {  	v47 =	vmul.f32 v21, v36;
	v36 =	vor.u32 $0x6C0, v0;
	v20 =	vor.u32 s10, v40;
	v13 =	vld.idx.msk [tilespmem:v8+s12+$0x0], $0xffff  }
0x2b0: {  	v63 =	vmul.f32 v21, v19;
	v19 =	vor.u32 s10, v36;
	v14 =	vld.idx.msk [tilespmem:v14+s12+$0x0], $0xffff;
	v8 =	vor.u32 $0x740, v0  }
0x2b1: {  	s18 =	simm.s32 $0x1;
	s0 =	simm.s32 $0x11A00;
	v61 =	vmul.f32 v21, v18;
	v42 =	vmul.f32 v21, v42;
	v15 =	vld.idx.msk [tilespmem:v15+s12+$0x0], $0xffff;
	v18 =	vor.u32 s10, v8  }
.LBB2_5:
0x2b2: {  	p0 =	sne.s32 s18, $0x3F;
	v16 =	vld.idx.msk [tilespmem:v16+s12+$0x0], $0xffff;
	v52 =	vor.u32 s10, v50;
	s10 =	smov.u32 s18  }
0x2b3: {  	v17 =	vld.idx.msk [tilespmem:v17+s12+$0x0], $0xffff  }
0x2b4: {  	v20 =	vld.idx.msk [tilespmem:v20+s12+$0x0], $0xffff  }
0x2b5: {  	v7 =	vmul.f32 v7, v1;
	v37 =	vmul.f32 v37, v3;
	v19 =	vld.idx.msk [tilespmem:v19+s12+$0x0], $0xffff  }
0x2b6: {  	v51 =	vmul.f32 v51, v4;
	v9 =	vmul.f32 v9, v38;
	v18 =	vld.idx.msk [tilespmem:v18+s12+$0x0], $0xffff  }
0x2b7: {  	v21 =	vor.u32 s18, v55;
	v10 =	vmul.f32 v10, v39;
	v11 =	vmul.f32 v11, v53;
	v52 =	vld.idx.msk [tilespmem:v52+s12+$0x0], $0xffff  }
0x2b8: {  	v22 =	vor.u32 s18, v57;
	v12 =	vmul.f32 v12, v54;
	v13 =	vmul.f32 v13, v56  }
0x2b9: {  	v23 =	vor.u32 s18, v60;
	v14 =	vmul.f32 v14, v59;
	v15 =	vmul.f32 v15, v61  }
0x2ba: {  	v24 =	vor.u32 s18, v62;
	v16 =	vmul.f32 v16, v63;
	v17 =	vmul.f32 v17, v44  }
0x2bb: {  	v25 =	vor.u32 s18, v43;
	v20 =	vmul.f32 v20, v45;
	v19 =	vmul.f32 v19, v47  }
0x2bc: {  	v26 =	vadd.f32 v37, v7;
	v9 =	vadd.f32 v9, v51;
	v18 =	vmul.f32 v18, v48  }
0x2bd: {  	v10 =	vadd.f32 v11, v10;
	v11 =	vadd.f32 v13, v12;
	v51 =	vmul.f32 v52, v42  }
0x2be: {  	v12 =	vor.u32 s18, v46;
	v13 =	vadd.f32 v15, v14;
	v14 =	vadd.f32 v17, v16;
	v7 =	vld.idx.msk [tilespmem:v21+s12+$0x0], $0xffff  }
0x2bf: {  	v15 =	vor.u32 s18, v41;
	v16 =	vadd.f32 v19, v20;
	v17 =	vadd.f32 v51, v18;
	v37 =	vld.idx.msk [tilespmem:v22+s12+$0x0], $0xffff  }
0x2c0: {  	v19 =	vadd.f32 v9, v26;
	v20 =	vadd.f32 v11, v10;
	v18 =	vor.u32 s18, v49;
	v51 =	vld.idx.msk [tilespmem:v23+s12+$0x0], $0xffff  }
0x2c1: {  	v13 =	vadd.f32 v14, v13;
	v21 =	vor.u32 s18, v34;
	v14 =	vadd.f32 v17, v16;
	v9 =	vld.idx.msk [tilespmem:v24+s12+$0x0], $0xffff  }
0x2c2: {  	v22 =	vor.u32 s18, v5;
	v10 =	vld.idx.msk [tilespmem:v25+s12+$0x0], $0xffff  }
.Ltmp1:
0x2c3: {  	v19 =	vadd.f32 v20, v19;
	v16 =	vor.u32 s18, v35;
	v14 =	vadd.f32 v14, v13;
	v11 =	vld.idx.msk [tilespmem:v12+s12+$0x0], $0xffff;
	(pc) =	sbr.rel @p0 .LBB2_5-.Ltmp1, $4  }
0x2c4: {  	v17 =	vor.u32 s18, v6;
	v12 =	vld.idx.msk [tilespmem:v15+s12+$0x0], $0xffff  }
0x2c5: {  	v20 =	vor.u32 s18, v40;
	v23 =	vadd.f32 v14, v19;
	v13 =	vld.idx.msk [tilespmem:v18+s12+$0x0], $0xffff  }
0x2c6: {  	v19 =	vor.u32 s18, v36;
	v14 =	vld.idx.msk [tilespmem:v21+s12+$0x0], $0xffff  }
0x2c7: {  	s18 =	sadd.s32 $0x1, s18;
	v18 =	vor.u32 s10, v8;
	v15 =	vld.idx.msk [tilespmem:v22+s12+$0x0], $0xffff;
	[tilespmem:v58+s0+$0x0] =	vst.idx.msk $0xffff, v23;
	v58 =	vor.u32 s10, v2  }
0x2c8: {  	_ =	sdelay $0x3  }
0x2c9: {  	v5 =	vld.idx.msk [tilespmem:v16+s12+$0x0], $0xffff;
	v6 =	vor.u32 s10, v50  }
0x2ca: {  	v8 =	vld.idx.msk [tilespmem:v17+s12+$0x0], $0xffff  }
0x2cb: {  	v16 =	vld.idx.msk [tilespmem:v20+s12+$0x0], $0xffff  }
0x2cc: {  	v1 =	vmul.f32 v7, v1;
	v3 =	vmul.f32 v37, v3;
	v7 =	vld.idx.msk [tilespmem:v19+s12+$0x0], $0xffff  }
0x2cd: {  	v4 =	vmul.f32 v51, v4;
	v9 =	vmul.f32 v9, v38;
	v17 =	vld.idx.msk [tilespmem:v18+s12+$0x0], $0xffff  }
0x2ce: {  	v10 =	vmul.f32 v10, v39;
	v11 =	vmul.f32 v11, v53;
	v6 =	vld.idx.msk [tilespmem:v6+s12+$0x0], $0xffff  }
0x2cf: {  	v12 =	vmul.f32 v12, v54;
	v13 =	vmul.f32 v13, v56  }
0x2d0: {  	v1 =	vadd.f32 v3, v1;
	v14 =	vmul.f32 v14, v59;
	v15 =	vmul.f32 v15, v61  }
0x2d1: {  	v3 =	vadd.f32 v9, v4;
	v5 =	vmul.f32 v5, v63;
	v8 =	vmul.f32 v8, v44  }
0x2d2: {  	v9 =	vadd.f32 v13, v12;
	v16 =	vmul.f32 v16, v45;
	v7 =	vmul.f32 v7, v47  }
0x2d3: {  	v17 =	vmul.f32 v17, v48;
	v5 =	vadd.f32 v8, v5;
	v4 =	vmul.f32 v6, v42  }
0x2d4: {  	v7 =	vadd.f32 v7, v16;
	v6 =	vadd.f32 v11, v10  }
0x2d5: {  	v10 =	vadd.f32 v15, v14;
	v4 =	vadd.f32 v4, v17  }
0x2d6: {  	v1 =	vadd.f32 v3, v1;
	v3 =	vadd.f32 v9, v6  }
0x2d7: {  	v5 =	vadd.f32 v5, v10;
	v4 =	vadd.f32 v4, v7;
	_ =	sdelay $0x1  }
0x2d8: {  	v1 =	vadd.f32 v3, v1;
	v3 =	vadd.f32 v4, v5  }
0x2d9: {  	v19 =	vld [tilespmem:$0x1FE70]  }
0x2da: {  	v1 =	vadd.f32 v3, v1;
	v3 =	vld [tilespmem:$0x1FD70];
	_ =	sdelay $0x1  }
0x2db: {  	v6 =	vld [tilespmem:$0x1FDC0]  }
0x2dc: {  	v4 =	vld [tilespmem:$0x1FD90]  }
0x2dd: {  	v5 =	vld [tilespmem:$0x1FDA0]  }
0x2de: {  	v34 =	vmul.f32 v19, v3;
	v3 =	vld [tilespmem:$0x1FD80];
	[tilespmem:v58+s0+$0x0] =	vst.idx.msk $0xffff, v1  }
0x2df: {  	v1 =	vld [tilespmem:$0x1FDB0];
	_ =	sdelay $0x4  }
0x2e0: {  	v36 =	vmul.f32 v19, v1;
	v1 =	vld [tilespmem:$0x1FDE0];
	_ =	sdelay $0x2  }
0x2e1: {  	s20 =	simm.s32 $0x0;
	v56 =	vor.u32 $0xBC0, v0  }
0x2e2: {  	v37 =	vmul.f32 v19, v6;
	v6 =	vor.u32 s20, v56  }
0x2e3: {  	v51 =	vor.u32 $0xB40, v0;
	v40 =	vmul.f32 v19, v1;
	v1 =	vld [tilespmem:$0x1FDD0]  }
0x2e4: {  	v57 =	vor.u32 $0x840, v0;
	v7 =	vor.u32 s20, v51  }
0x2e5: {  	v8 =	vor.u32 s20, v57;
	_ =	sdelay $0x1  }
0x2e6: {  	v6 =	vld.idx.msk [tilespmem:v6+s12+$0x0], $0xffff  }
0x2e7: {  	v49 =	vmul.f32 v19, v1;
	v1 =	vld [tilespmem:$0x1FE00]  }
0x2e8: {  	v7 =	vld.idx.msk [tilespmem:v7+s12+$0x0], $0xffff  }
0x2e9: {  	v54 =	vor.u32 $0x940, v0;
	v8 =	vld.idx.msk [tilespmem:v8+s12+$0x0], $0xffff  }
0x2ea: {  	v53 =	vor.u32 $0xA40, v0;
	v39 =	vmul.f32 v19, v4;
	v4 =	vor.u32 s20, v54;
	v15 =	vld [tilespmem:$0x1FE40]  }
0x2eb: {  	v16 =	vld [tilespmem:$0x1FE30];
	v35 =	vmul.f32 v19, v3;
	v3 =	vor.u32 s20, v53  }
0x2ec: {  	v41 =	vmul.f32 v19, v1;
	v1 =	vld [tilespmem:$0x1FDF0]  }
0x2ed: {  	v55 =	vor.u32 $0x9C0, v0;
	v17 =	vld [tilespmem:$0x1FE60]  }
0x2ee: {  	v50 =	vor.u32 $0x8C0, v0;
	v38 =	vmul.f32 v19, v5;
	v5 =	vor.u32 s20, v55;
	v18 =	vld [tilespmem:$0x1FE50]  }
0x2ef: {  	v59 =	vor.u32 $0xC40, v0;
	v10 =	vor.u32 s20, v50;
	v4 =	vld.idx.msk [tilespmem:v4+s12+$0x0], $0xffff  }
0x2f0: {  	v60 =	vor.u32 $0xD40, v0;
	v12 =	vor.u32 s20, v59;
	v9 =	vld.idx.msk [tilespmem:v3+s12+$0x0], $0xffff  }
0x2f1: {  	v62 =	vor.u32 $0xEC0, v0;
	s18 =	simm.s32 $0x1;
	v13 =	vor.u32 s20, v60;
	v42 =	vmul.f32 v19, v1;
	v1 =	vld [tilespmem:$0x1FE20]  }
0x2f2: {  	v52 =	vor.u32 $0xF40, v0;
	v20 =	vor.u32 s18, v53;
	v58 =	vor.u32 $0xAC0, v0;
	v3 =	vld [tilespmem:$0x1FE10]  }
0x2f3: {  	v61 =	vor.u32 $0xE40, v0;
	v63 =	vor.u32 $0xCC0, v0;
	v11 =	vor.u32 s20, v58;
	v5 =	vld.idx.msk [tilespmem:v5+s12+$0x0], $0xffff  }
0x2f4: {  	v10 =	vld.idx.msk [tilespmem:v10+s12+$0x0], $0xffff;
	v46 =	vmul.f32 v19, v15;
	v43 =	vmul.f32 v19, v18;
	v18 =	vor.u32 s20, v61  }
0x2f5: {  	v12 =	vld.idx.msk [tilespmem:v12+s12+$0x0], $0xffff;
	v45 =	vmul.f32 v19, v16;
	v16 =	vor.u32 s20, v62;
	v44 =	vmul.f32 v19, v17  }
0x2f6: {  	v13 =	vld.idx.msk [tilespmem:v13+s12+$0x0], $0xffff;
	v17 =	vor.u32 s20, v63;
	v48 =	vmul.f32 v19, v1;
	v1 =	vor.u32 $0xDC0, v0  }
0x2f7: {  	v26 =	vld.idx.msk [tilespmem:v20+s12+$0x0], $0xffff;
	v47 =	vmul.f32 v19, v3;
	v3 =	vor.u32 $0xFC0, v0;
	v14 =	vor.u32 s20, v1  }
0x2f8: {  	v11 =	vld.idx.msk [tilespmem:v11+s12+$0x0], $0xffff;
	v4 =	vmul.f32 v4, v39;
	v5 =	vmul.f32 v5, v38;
	v15 =	vor.u32 s20, v3  }
0x2f9: {  	v8 =	vmul.f32 v8, v34;
	v10 =	vmul.f32 v10, v35;
	v18 =	vld.idx.msk [tilespmem:v18+s12+$0x0], $0xffff;
	v19 =	vor.u32 s20, v52  }
0x2fa: {  	v4 =	vadd.f32 v5, v4;
	v5 =	vmul.f32 v7, v40;
	v7 =	vld.idx.msk [tilespmem:v16+s12+$0x0], $0xffff;
	v16 =	vor.u32 s18, v54  }
0x2fb: {  	v21 =	vor.u32 s18, v55;
	v17 =	vld.idx.msk [tilespmem:v17+s12+$0x0], $0xffff;
	v6 =	vmul.f32 v6, v49  }
0x2fc: {  	v22 =	vor.u32 s18, v50;
	v24 =	vor.u32 s18, v58;
	v8 =	vadd.f32 v10, v8;
	v14 =	vld.idx.msk [tilespmem:v14+s12+$0x0], $0xffff  }
0x2fd: {  	v23 =	vor.u32 s18, v51;
	v5 =	vadd.f32 v6, v5;
	v6 =	vor.u32 s18, v56;
	v15 =	vld.idx.msk [tilespmem:v15+s12+$0x0], $0xffff  }
0x2fe: {  	v11 =	vmul.f32 v11, v36;
	v4 =	vadd.f32 v4, v8;
	v9 =	vmul.f32 v9, v37;
	v19 =	vld.idx.msk [tilespmem:v19+s12+$0x0], $0xffff  }
0x2ff: {  	v8 =	vmul.f32 v18, v46;
	v10 =	vld.idx.msk [tilespmem:v16+s12+$0x0], $0xffff;
	v16 =	vor.u32 s18, v59;
	v7 =	vmul.f32 v7, v45  }
0x300: {  	v25 =	vor.u32 s18, v57;
	v20 =	vor.u32 s18, v60;
	v21 =	vld.idx.msk [tilespmem:v21+s12+$0x0], $0xffff;
	v9 =	vadd.f32 v11, v9  }
0x301: {  	v8 =	vadd.f32 v7, v8;
	v7 =	vld.idx.msk [tilespmem:v24+s12+$0x0], $0xffff;
	v13 =	vmul.f32 v13, v48;
	v14 =	vmul.f32 v14, v47  }
0x302: {  	v5 =	vadd.f32 v5, v9;
	v11 =	vmul.f32 v12, v41;
	v6 =	vld.idx.msk [tilespmem:v6+s12+$0x0], $0xffff;
	v15 =	vmul.f32 v15, v43  }
0x303: {  	v12 =	vadd.f32 v14, v13;
	v13 =	vmul.f32 v17, v42;
	v14 =	vmul.f32 v19, v44;
	v19 =	vld.idx.msk [tilespmem:v23+s12+$0x0], $0xffff  }
0x304: {  	v9 =	vor.u32 s18, v1;
	v23 =	vadd.f32 v5, v4;
	v5 =	vld.idx.msk [tilespmem:v16+s12+$0x0], $0xffff  }
0x305: {  	v24 =	vor.u32 s18, v62;
	v11 =	vadd.f32 v13, v11;
	v13 =	vld.idx.msk [tilespmem:v25+s12+$0x0], $0xffff;
	v14 =	vadd.f32 v15, v14  }
0x306: {  	v18 =	vor.u32 s18, v63;
	v15 =	vld.idx.msk [tilespmem:v22+s12+$0x0], $0xffff;
	v22 =	vor.u32 s18, v3  }
0x307: {  	v10 =	vmul.f32 v10, v39;
	v16 =	vld.idx.msk [tilespmem:v20+s12+$0x0], $0xffff;
	v11 =	vadd.f32 v12, v11;
	v8 =	vadd.f32 v14, v8  }
0x308: {  	v20 =	vor.u32 s18, v61;
	v12 =	vmul.f32 v6, v49;
	v6 =	vmul.f32 v21, v38  }
0x309: {  	v4 =	vor.u32 s20, v2;
	v17 =	vor.u32 s18, v52;
	v14 =	vld.idx.msk [tilespmem:v9+s12+$0x0], $0xffff;
	v21 =	vadd.f32 v8, v11  }
0x30a: {  	v19 =	vmul.f32 v19, v40;
	v8 =	vadd.f32 v6, v10;
	v11 =	vmul.f32 v26, v37;
	v10 =	vld.idx.msk [tilespmem:v24+s12+$0x0], $0xffff  }
0x30b: {  	s10 =	simm.s32 $0x2;
	s19 =	simm.s32 $0x3;
	v9 =	vmul.f32 v13, v34;
	v13 =	vmul.f32 v15, v35;
	v15 =	vld.idx.msk [tilespmem:v22+s12+$0x0], $0xffff;
	v6 =	vadd.f32 v21, v23  }
.LBB2_7:
0x30c: {  	p0 =	sne.s32 s19, $0x3F;
	v18 =	vld.idx.msk [tilespmem:v18+s12+$0x0], $0xffff;
	v16 =	vmul.f32 v16, v48;
	s20 =	smov.u32 s19;
	s19 =	sadd.s32 $0x1, s19  }
0x30d: {  	v21 =	vor.u32 s10, v54;
	v22 =	vor.u32 s10, v53;
	v12 =	vadd.f32 v12, v19;
	v20 =	vld.idx.msk [tilespmem:v20+s12+$0x0], $0xffff  }
0x30e: {  	v19 =	vor.u32 s10, v50;
	v23 =	vor.u32 s10, v55;
	v14 =	vmul.f32 v14, v47;
	[tilespmem:v4+s0+$0x0] =	vst.idx.add.f32.msk $0xffff, v6  }
0x30f: {  	v24 =	vor.u32 s10, v60;
	v6 =	vor.u32 s10, v58;
	v4 =	vmul.f32 v7, v36;
	v7 =	vld.idx.msk [tilespmem:v17+s12+$0x0], $0xffff  }
0x310: {  	v25 =	vor.u32 s10, v56;
	v17 =	vor.u32 s10, v51;
	v15 =	vmul.f32 v15, v43  }
0x311: {  	v26 =	vor.u32 s10, v59;
	v9 =	vadd.f32 v13, v9  }
0x312: {  	v13 =	vor.u32 s10, v57;
	v4 =	vadd.f32 v4, v11;
	v11 =	vadd.f32 v14, v16;
	v22 =	vld.idx.msk [tilespmem:v22+s12+$0x0], $0xffff  }
0x313: {  	v5 =	vmul.f32 v5, v41;
	v8 =	vadd.f32 v8, v9;
	v10 =	vmul.f32 v10, v45;
	v14 =	vld.idx.msk [tilespmem:v21+s12+$0x0], $0xffff  }
0x314: {  	v16 =	vmul.f32 v18, v42;
	v18 =	vmul.f32 v20, v46;
	v4 =	vadd.f32 v12, v4;
	v9 =	vld.idx.msk [tilespmem:v23+s12+$0x0], $0xffff  }
0x315: {  	v7 =	vmul.f32 v7, v44;
	v12 =	vld.idx.msk [tilespmem:v25+s12+$0x0], $0xffff  }
0x316: {  	v5 =	vadd.f32 v16, v5;
	v10 =	vadd.f32 v10, v18;
	v21 =	vld.idx.msk [tilespmem:v17+s12+$0x0], $0xffff;
	v17 =	vor.u32 s10, v1  }
0x317: {  	v23 =	vadd.f32 v4, v8;
	v15 =	vadd.f32 v15, v7;
	v13 =	vld.idx.msk [tilespmem:v13+s12+$0x0], $0xffff  }
0x318: {  	v4 =	vor.u32 s18, v2;
	s18 =	smov.u32 s10;
	v8 =	vadd.f32 v11, v5;
	s10 =	smov.u32 s20;
	v19 =	vld.idx.msk [tilespmem:v19+s12+$0x0], $0xffff  }
0x319: {  	v7 =	vld.idx.msk [tilespmem:v6+s12+$0x0], $0xffff  }
0x31a: {  	v25 =	vor.u32 s18, v3;
	v6 =	vmul.f32 v14, v39;
	v5 =	vld.idx.msk [tilespmem:v26+s12+$0x0], $0xffff  }
0x31b: {  	v18 =	vor.u32 s18, v63;
	v10 =	vadd.f32 v15, v10;
	v12 =	vmul.f32 v12, v49;
	v16 =	vld.idx.msk [tilespmem:v24+s12+$0x0], $0xffff  }
0x31c: {  	v11 =	vmul.f32 v9, v38;
	v24 =	vor.u32 s18, v62;
	v14 =	vld.idx.msk [tilespmem:v17+s12+$0x0], $0xffff  }
.Ltmp2:
0x31d: {  	v26 =	vadd.f32 v10, v8;
	v9 =	vmul.f32 v13, v34;
	v17 =	vor.u32 s18, v52;
	(pc) =	sbr.rel @p0 .LBB2_7-.Ltmp2, $4  }
0x31e: {  	v20 =	vor.u32 s18, v61;
	v8 =	vadd.f32 v11, v6  }
0x31f: {  	v11 =	vmul.f32 v22, v37;
	v13 =	vmul.f32 v19, v35  }
0x320: {  	v19 =	vmul.f32 v21, v40;
	v15 =	vld.idx.msk [tilespmem:v25+s12+$0x0], $0xffff  }
0x321: {  	v6 =	vadd.f32 v26, v23;
	v10 =	vld.idx.msk [tilespmem:v24+s12+$0x0], $0xffff  }
0x322: {  	_ =	sdelay $0x1  }
0x323: {  	v21 =	vor.u32 s10, v53  }
0x324: {  	v22 =	vor.u32 s10, v54  }
0x325: {  	v18 =	vld.idx.msk [tilespmem:v18+s12+$0x0], $0xffff;
	v23 =	vor.u32 s10, v55  }
0x326: {  	v20 =	vld.idx.msk [tilespmem:v20+s12+$0x0], $0xffff;
	v24 =	vor.u32 s10, v56  }
0x327: {  	v17 =	vld.idx.msk [tilespmem:v17+s12+$0x0], $0xffff;
	v25 =	vor.u32 s10, v51  }
0x328: {  	v26 =	vor.u32 s10, v57;
	v21 =	vld.idx.msk [tilespmem:v21+s12+$0x0], $0xffff  }
0x329: {  	v50 =	vor.u32 s10, v50;
	v22 =	vld.idx.msk [tilespmem:v22+s12+$0x0], $0xffff  }
0x32a: {  	v58 =	vor.u32 s10, v58;
	v23 =	vld.idx.msk [tilespmem:v23+s12+$0x0], $0xffff  }
0x32b: {  	v59 =	vor.u32 s10, v59;
	v24 =	vld.idx.msk [tilespmem:v24+s12+$0x0], $0xffff  }
0x32c: {  	v60 =	vor.u32 s10, v60;
	v25 =	vld.idx.msk [tilespmem:v25+s12+$0x0], $0xffff  }
0x32d: {  	v1 =	vor.u32 s10, v1;
	v16 =	vmul.f32 v16, v48;
	v12 =	vadd.f32 v12, v19;
	v26 =	vld.idx.msk [tilespmem:v26+s12+$0x0], $0xffff  }
0x32e: {  	v3 =	vor.u32 s10, v3;
	v14 =	vmul.f32 v14, v47;
	v7 =	vmul.f32 v7, v36;
	v19 =	vld.idx.msk [tilespmem:v50+s12+$0x0], $0xffff  }
0x32f: {  	v62 =	vor.u32 s10, v62;
	v9 =	vadd.f32 v13, v9;
	v56 =	vor.u32 s10, v63;
	v50 =	vld.idx.msk [tilespmem:v58+s12+$0x0], $0xffff  }
0x330: {  	v5 =	vmul.f32 v5, v41;
	v52 =	vor.u32 s10, v52;
	v7 =	vadd.f32 v7, v11;
	v13 =	vld.idx.msk [tilespmem:v59+s12+$0x0], $0xffff  }
0x331: {  	v57 =	vadd.f32 v14, v16;
	v16 =	vor.u32 s10, v61;
	v10 =	vmul.f32 v10, v45;
	v14 =	vld.idx.msk [tilespmem:v60+s12+$0x0], $0xffff  }
0x332: {  	v8 =	vadd.f32 v8, v9;
	v18 =	vmul.f32 v18, v42;
	v1 =	vld.idx.msk [tilespmem:v1+s12+$0x0], $0xffff;
	v58 =	vmul.f32 v20, v46  }
0x333: {  	v15 =	vmul.f32 v15, v43;
	v7 =	vadd.f32 v12, v7;
	v3 =	vld.idx.msk [tilespmem:v3+s12+$0x0], $0xffff;
	v12 =	vmul.f32 v17, v44  }
0x334: {  	v17 =	vld.idx.msk [tilespmem:v62+s12+$0x0], $0xffff;
	v5 =	vadd.f32 v18, v5;
	v9 =	vadd.f32 v10, v58;
	v59 =	vmul.f32 v22, v39  }
0x335: {  	v20 =	vld.idx.msk [tilespmem:v56+s12+$0x0], $0xffff;
	v12 =	vadd.f32 v15, v12;
	v18 =	vmul.f32 v24, v49;
	v15 =	vmul.f32 v23, v38  }
0x336: {  	v16 =	vld.idx.msk [tilespmem:v16+s12+$0x0], $0xffff;
	v22 =	vmul.f32 v26, v34;
	v60 =	vmul.f32 v19, v35  }
0x337: {  	v9 =	vadd.f32 v12, v9;
	v19 =	vmul.f32 v21, v37;
	v21 =	vld.idx.msk [tilespmem:v52+s12+$0x0], $0xffff;
	v12 =	vmul.f32 v25, v40  }
0x338: {  	v14 =	vmul.f32 v14, v48;
	v1 =	vmul.f32 v1, v47  }
0x339: {  	v5 =	vadd.f32 v57, v5;
	v3 =	vmul.f32 v3, v43;
	v13 =	vmul.f32 v13, v41  }
0x33a: {  	v17 =	vmul.f32 v17, v45;
	v10 =	vadd.f32 v15, v59;
	v15 =	vmul.f32 v50, v36  }
0x33b: {  	v12 =	vadd.f32 v18, v12;
	v11 =	vadd.f32 v60, v22;
	v18 =	vmul.f32 v20, v42  }
0x33c: {  	v16 =	vmul.f32 v16, v46;
	v15 =	vadd.f32 v15, v19;
	v19 =	vmul.f32 v21, v44  }
0x33d: {  	v1 =	vadd.f32 v1, v14;
	v13 =	vadd.f32 v18, v13  }
0x33e: {  	v14 =	vadd.f32 v17, v16;
	v3 =	vadd.f32 v3, v19  }
0x33f: {  	v10 =	vadd.f32 v10, v11;
	v61 =	vadd.f32 v12, v15  }
0x340: {  	v12 =	vor.u32 s18, v2;
	v1 =	vadd.f32 v1, v13;
	v3 =	vadd.f32 v3, v14  }
0x341: {  	v62 =	vor.u32 s10, v2;
	v7 =	vadd.f32 v7, v8;
	v5 =	vadd.f32 v9, v5  }
0x342: {  	v63 =	vadd.f32 v61, v10;
	v1 =	vadd.f32 v3, v1  }
0x343: {  	v3 =	vadd.f32 v5, v7  }
0x344: {  	[tilespmem:v4+s0+$0x0] =	vst.idx.add.f32.msk $0xffff, v6;
	v1 =	vadd.f32 v1, v63  }
0x345: {  	[tilespmem:v12+s0+$0x0] =	vst.idx.add.f32.msk $0xffff, v3  }
0x346: {  	[tilespmem:v62+s0+$0x0] =	vst.idx.add.f32.msk $0xffff, v1  }
0x347: {  	s20 =	rddreg [dreg:$0xa]  }
0x348: {  	s1 =	rddreg [dreg:$0xf]  }
0x349: {  	s2 =	simm.s32 $0x0;
	s19 =	simm.s32 $0x2;
	s10 =	sadd.s32 s20, s1  }
0x34a: {  	[hbm4b:s10+s2] =	stream.linear.scatter [tilespmem:s0], [sflag:$0x2], $0x800, $0x38;
	[tilespmem:$0x12200] =	vst v63  }
0x34b: {  	_ =	swait.ge [sflag:s19], $0x800  }
0x34c: {  	v12 =	vld [tilespmem:$0x1FE80]  }
0x34d: {  	v13 =	vld [tilespmem:$0x1FE90]  }
0x34e: {  	v14 =	vld [tilespmem:$0x1FEA0]  }
0x34f: {  	v15 =	vld [tilespmem:$0x1FEB0]  }
0x350: {  	v16 =	vld [tilespmem:$0x1FEC0]  }
0x351: {  	v17 =	vld [tilespmem:$0x1FED0]  }
0x352: {  	v18 =	vld [tilespmem:$0x1FEE0]  }
0x353: {  	v19 =	vld [tilespmem:$0x1FEF0]  }
0x354: {  	v20 =	vld [tilespmem:$0x1FF00]  }
0x355: {  	v21 =	vld [tilespmem:$0x1FF10]  }
0x356: {  	v22 =	vld [tilespmem:$0x1FF20]  }
0x357: {  	v23 =	vld [tilespmem:$0x1FF30]  }
0x358: {  	v24 =	vld [tilespmem:$0x1FF40]  }
0x359: {  	v25 =	vld [tilespmem:$0x1FF50]  }
0x35a: {  	v26 =	vld [tilespmem:$0x1FF60]  }
0x35b: {  	v44 =	vld [tilespmem:$0x1FF70]  }
0x35c: {  	s20 =	rddreg [dreg:$0xe];
	v45 =	vld [tilespmem:$0x1FF80]  }
0x35d: {  	v46 =	vld [tilespmem:$0x1FF90];
	s0 =	sadd.s32 $0x1, s20  }
0x35e: {  	v47 =	vld [tilespmem:$0x1FFA0];
	p0 =	sne.s32 s0, $0x30  }
.Ltmp3:
0x35f: {  	v48 =	vld [tilespmem:$0x1FFB0];
	(pc) =	sbr.rel @p0 .LBB2_2-.Ltmp3, $4  }
0x360: {  	v49 =	vld [tilespmem:$0x1FFC0]  }
0x361: {  	v50 =	vld [tilespmem:$0x1FFD0]  }
0x362: {  	[sflag:s19] =	ssyncset.done $0x0;
	v51 =	vld [tilespmem:$0x1FFE0]  }
0x363: {  	v52 =	vld [tilespmem:$0x1FFF0];
	[sflag:s19] =	ssyncadd.s32 $0xFFFFF800  }
0x364: {  	s0 =	rddreg [dreg:$0xd]  }
0x365: {  	s10 =	rddreg [dreg:$0xc];
	s0 =	sadd.s32 $0x1, s0  }
0x366: {  	p0 =	sne.s32 s0, s10  }
.Ltmp4:
0x367: {  	_ = 	snop;
	(pc) =	sbr.rel @p0 .LBB2_1-.Ltmp4, $1  }
0x368: {  	_ =	sdelay $0x3  }
0x369: {  	_ =	sfence.sel $0x180000  }
0x36a: {  	[bflag:$0x0] =	sbarrier.arrive $0xFFFF  }
0x36b: {  	_ =	strace $0x90000047  }
0x36c: {  	s0 =	stileid.u32;
	[bflag:$0x2] =	sbarrier.arrive $0xFFFF  }
0x36d: {  	p0 =	sne.s32 s0, $0x0;
	s0 =	rddreg [dreg:$0x2]  }
0x36e: {  	s0 =	sadd.s32 @!p0 $0x100000, s0  }
0x36f: {  	[sflag:s0] =	ssyncadd.tile.s32 @!p0 $0x1;
	_ =	shalt  }
.Lfunc_end2:
_tile_overlayer_lowered:
.L_overlay_start_2:
0x370: {  	(tag) =	ssettag $0x2  }
0x371: {  	s0 =	rddreg [dreg:$0x0];
	s2 =	stileid.u32  }
0x372: {  	s1 =	rddreg [dreg:$0x1];
	p0 =	sne.s32 s2, $0x0  }
0x373: {  	s3 =	rddreg [dreg:$0x2];
	[bflag:$0x3] =	sbarrier.arrive $0xFFFF;
	s2 =	simm.s32 @!p0 $0x1C02  }
0x374: {  	[timem:s3], [sflag:s2] =	dma.local @!p0 [hbm:s0], s1  }
0x375: {  	s0 =	simm.s32 @!p0 $0x2  }
0x376: {  	_ =	swait.ge @!p0 [sflag:s0], s1  }
0x377: {  	s1 =	ssub.s32 @!p0 $0x0, s1;
	[sflag:s0] =	ssyncset.done @!p0 $0x0  }
0x378: {  	[sflag:s0] =	ssyncadd.s32 @!p0 s1  }
0x379: {  	[bflag:$0x3] =	sbarrier.arrive $0xFFFF  }
0x37a: {  	_ =	shalt  }

</sc_bundles>
